<compile_context>
chip_gen: v7x
topology: tpu7x:2x2x1
jax: 0.10.2.dev20260603
libtpu: 0.0.44.dev20260713+nightly
codegen_flags: <defaults>
</compile_context>

<pallas_src>
import jax
import jax.numpy as jnp
from jax import lax
from jax.experimental import pallas as pl
from jax.experimental.pallas import tpu as pltpu
from jax.experimental.pallas import tpu_sc as plsc

N = 10000
E = 320000
D = 128
H = 8
DK = 16

NC = 2
NS = 16
NW = NC * NS
C = 32
NCHUNK = 316
EP = NCHUNK * C
EPAD = NW * EP
TRASH = 10100
ROW = D + 2 * H
NP = 10240
RPT = NP // NS


def _proj_body(x_ref, w_ref, q_ref, kv_ref):
    full = jnp.dot(x_ref[...], w_ref[...], preferred_element_type=jnp.float32)
    q_ref[...] = full[:, :D]
    kv_ref[...] = full[:, D:]


def _project(x, w):
    blk = 1000
    return pl.pallas_call(
        _proj_body,
        grid=(N // blk,),
        in_specs=[
            pl.BlockSpec((blk, D), lambda i: (i, 0)),
            pl.BlockSpec((D, 3 * D), lambda i: (0, 0)),
        ],
        out_specs=[
            pl.BlockSpec((blk, D), lambda i: (i, 0)),
            pl.BlockSpec((blk, 2 * D), lambda i: (i, 0)),
        ],
        out_shape=[
            jax.ShapeDtypeStruct((N, D), jnp.float32),
            jax.ShapeDtypeStruct((N, 2 * D), jnp.float32),
        ],
    )(x, w)


def _edge_body(q_hbm, kv_hbm, src_hbm, dst_hbm, part_hbm, acc_sp,
               src0, src1, dst0, dst1, dsts0, dsts1,
               kv0, kv1, q0, q1, out0, out1,
               si0, si1, skv0, skv1, sq0, sq1, ss0, ss1):
    core = lax.axis_index("c")
    sub = lax.axis_index("s")
    wid = sub * NC + core

    buf = [(src0, dst0, dsts0, kv0, q0, out0, si0, skv0, sq0, ss0),
           (src1, dst1, dsts1, kv1, q1, out1, si1, skv1, sq1, ss1)]

    def _zrow(r, carry):
        for c16 in range(ROW // 16):
            out0[r, pl.ds(c16 * 16, 16)] = jnp.zeros((16,), jnp.float32)
        return carry
    lax.fori_loop(0, C, _zrow, 0)
    for j in range(RPT // C):
        pltpu.sync_copy(out0, acc_sp.at[pl.ds(sub * RPT + j * C, C)])

    plsc.subcore_barrier()

    iota = lax.broadcasted_iota(jnp.int32, (16,), 0)
    last = jnp.full((16,), DK - 1, jnp.int32)
    hone = [iota == h for h in range(H)]

    def _idx_start(c, b):
        base = wid * EP + c * C
        pltpu.async_copy(src_hbm.at[pl.ds(base, C)], b[0], b[6])
        pltpu.async_copy(dst_hbm.at[pl.ds(base, C)], b[1], b[6])

    def _idx_wait(b):
        pltpu.make_async_copy(src_hbm.at[pl.ds(0, C)], b[0], b[6]).wait()
        pltpu.make_async_copy(dst_hbm.at[pl.ds(0, C)], b[1], b[6]).wait()

    def _gathers_start(b):
        pltpu.async_copy(kv_hbm.at[b[0]], b[3], b[7])
        pltpu.async_copy(q_hbm.at[b[1]], b[4], b[8])

    def _gathers_wait(b):
        pltpu.make_async_copy(kv_hbm.at[b[0]], b[3], b[7]).wait()
        pltpu.make_async_copy(q_hbm.at[b[1]], b[4], b[8]).wait()

    def _dsts_copy(b):
        for r in range(C // 16):
            b[2][pl.ds(r * 16, 16)] = b[1][pl.ds(r * 16, 16)]

    def _scatter_start(b):
        pltpu.async_copy(b[5], acc_sp.at[b[2]], b[9], add=True)

    def _scatter_wait(b):
        pltpu.make_async_copy(b[5], acc_sp.at[b[2]], b[9]).wait()

    def _compute(b):
        kv_v, q_v, out_v = b[3], b[4], b[5]

        def _edge2(i, carry):
            e0 = i * 2
            e1 = e0 + 1
            s0 = jnp.zeros((16,), jnp.float32)
            s1 = jnp.zeros((16,), jnp.float32)
            for h in range(H):
                k0 = kv_v[e0, pl.ds(h * DK, DK)]
                q0 = q_v[e0, pl.ds(h * DK, DK)]
                k1 = kv_v[e1, pl.ds(h * DK, DK)]
                q1 = q_v[e1, pl.ds(h * DK, DK)]
                t0 = jnp.take(jnp.cumsum(k0 * q0), last)
                t1 = jnp.take(jnp.cumsum(k1 * q1), last)
                s0 = jnp.where(hone[h], t0, s0)
                s1 = jnp.where(hone[h], t1, s1)
            p0 = jnp.exp(jnp.minimum(jnp.maximum(s0, -10.0), 10.0))
            p1 = jnp.exp(jnp.minimum(jnp.maximum(s1, -10.0), 10.0))
            out_v[e0, pl.ds(D, 16)] = p0
            out_v[e1, pl.ds(D, 16)] = p1
            for h in range(H):
                hh = jnp.full((16,), h, jnp.int32)
                v0 = kv_v[e0, pl.ds(D + h * DK, DK)]
                v1 = kv_v[e1, pl.ds(D + h * DK, DK)]
                out_v[e0, pl.ds(h * DK, DK)] = v0 * jnp.take(p0, hh)
                out_v[e1, pl.ds(h * DK, DK)] = v1 * jnp.take(p1, hh)
            return carry
        lax.fori_loop(0, C // 2, _edge2, 0)

    NPAIR = NCHUNK // 2
    _idx_start(jnp.int32(0), buf[0])
    _idx_start(jnp.int32(1), buf[1])
    _idx_wait(buf[0])
    _gathers_start(buf[0])

    def _pair(j, carry):
        for s in range(2):
            c = 2 * j + s
            b, o = buf[s], buf[1 - s]
            _gathers_wait(b)

            @pl.when(j > 0)
            def _():
                _scatter_wait(b)

            _dsts_copy(b)

            @pl.when(j < NPAIR - 1)
            def _():
                _idx_start(c + 2, b)

            if s == 0:
                _idx_wait(o)
                _gathers_start(o)
            else:
                @pl.when(j < NPAIR - 1)
                def _():
                    _idx_wait(o)
                    _gathers_start(o)

            _compute(b)
            _scatter_start(b)
        return carry

    lax.fori_loop(0, NPAIR, _pair, 0)
    _scatter_wait(buf[0])
    _scatter_wait(buf[1])

    plsc.subcore_barrier()

    pltpu.sync_copy(acc_sp.at[pl.ds(sub * RPT, RPT)],
                    part_hbm.at[core, pl.ds(sub * RPT, RPT)])


def _edge_attention(q_tab, kv_tab, src, dst):
    mesh = plsc.VectorSubcoreMesh(core_axis_name="c", subcore_axis_name="s")
    return pl.kernel(
        _edge_body,
        out_type=jax.ShapeDtypeStruct((NC, NP, ROW), jnp.float32),
        mesh=mesh,
        compiler_params=pltpu.CompilerParams(
            use_tc_tiling_on_sc=False, needs_layout_passes=False),
        scratch_types=[
            pltpu.VMEM_SHARED((NP, ROW), jnp.float32),
            pltpu.VMEM((C,), jnp.int32),
            pltpu.VMEM((C,), jnp.int32),
            pltpu.VMEM((C,), jnp.int32),
            pltpu.VMEM((C,), jnp.int32),
            pltpu.VMEM((C,), jnp.int32),
            pltpu.VMEM((C,), jnp.int32),
            pltpu.VMEM((C, 2 * D), jnp.float32),
            pltpu.VMEM((C, 2 * D), jnp.float32),
            pltpu.VMEM((C, D), jnp.float32),
            pltpu.VMEM((C, D), jnp.float32),
            pltpu.VMEM((C, ROW), jnp.float32),
            pltpu.VMEM((C, ROW), jnp.float32),
        ] + [pltpu.SemaphoreType.DMA] * 8,
    )(q_tab, kv_tab, src, dst)


def _out_body(part_ref, wo_ref, o_ref):
    both = part_ref[...]
    tot = both[0] + both[1]
    wv = tot[:, :D]
    z = tot[:, D:D + H]
    rows = lax.broadcasted_iota(jnp.int32, (H, D), 0)
    cols = lax.broadcasted_iota(jnp.int32, (H, D), 1)
    sel = (cols // DK == rows).astype(jnp.float32)
    norm = jnp.dot(z, sel, preferred_element_type=jnp.float32) + 1e-6
    o_ref[...] = jnp.dot(wv / norm, wo_ref[...],
                         preferred_element_type=jnp.float32)


def _finalize(part, wo):
    blk = 1000
    return pl.pallas_call(
        _out_body,
        grid=(N // blk,),
        in_specs=[
            pl.BlockSpec((NC, blk, ROW), lambda i: (0, i, 0)),
            pl.BlockSpec((D, D), lambda i: (0, 0)),
        ],
        out_specs=pl.BlockSpec((blk, D), lambda i: (i, 0)),
        out_shape=jax.ShapeDtypeStruct((N, D), jnp.float32),
    )(part, wo)


@jax.jit
def kernel(x, edge_index, Wq, Wk, Wv, Wo):
    w = jnp.concatenate([Wq, Wk * 0.25, Wv], axis=1)
    q_tab, kv_tab = _project(x, w)
    src = edge_index[0].astype(jnp.int32)
    dst = edge_index[1].astype(jnp.int32)
    pad = EPAD - E
    src_p = jnp.concatenate([src, jnp.zeros((pad,), jnp.int32)])
    dst_p = jnp.concatenate([dst, jnp.full((pad,), TRASH, jnp.int32)])
    part = _edge_attention(q_tab, kv_tab, src_p, dst_p)
    return _finalize(part, Wo)

# --- scband reference (transcript-rebuilt; emitter-appended) ---
"""Pipeline reference for scband-transformer-79199196938374 (READ-ONLY COPY).

The authoritative reference and input builder live on the scoring server;
editing this copy changes nothing except your own understanding.
"""

import jax, jax.numpy as jnp
import numpy as np

N = 10000   # nodes
E = 320000  # edges
D = 128     # d_model = h * d_k
H = 8       # heads
DK = 16     # per-head dim


def setup_inputs(seed: int = 0) -> dict:
    key = jax.random.key(seed)
    k1, k2, k3, k4, k5, k6 = jax.random.split(key, 6)
    x = jax.random.normal(k1, (N, D), dtype=jnp.float32)
    edge_index = jax.random.randint(k2, (2, E), 0, N)
    scale = 1.0 / np.sqrt(D)
    Wq = jax.random.normal(k3, (D, D), dtype=jnp.float32) * scale
    Wk = jax.random.normal(k4, (D, D), dtype=jnp.float32) * scale
    Wv = jax.random.normal(k5, (D, D), dtype=jnp.float32) * scale
    Wo = jax.random.normal(k6, (D, D), dtype=jnp.float32) * scale
    return {"x": x, "edge_index": edge_index, "Wq": Wq, "Wk": Wk, "Wv": Wv, "Wo": Wo}


def reference(x, edge_index, Wq, Wk, Wv, Wo):
    # pre_func: project node states to q, k, v (per-head)
    q = (x @ Wq).reshape(N, H, DK)
    k = (x @ Wk).reshape(N, H, DK)
    v = (x @ Wv).reshape(N, H, DK)
    src = edge_index[0]
    dst = edge_index[1]
    # propagate_attention:
    # apply_edges(src_dot_dst('k','q','score')): per-edge multi-head dot product
    score = jnp.sum(k[src] * q[dst], axis=-1) / jnp.sqrt(jnp.float32(DK))  # [E, H]
    # apply_edges(scaled_exp(...)): clamped exponent of scaled score
    score = jnp.exp(jnp.clip(score, -10.0, 10.0))
    # send_and_recv(fn.src_mul_edge('v','score','v'), fn.sum('v','wv')): scatter-add weighted values by dst
    wv = jax.ops.segment_sum(score[:, :, None] * v[src], dst, num_segments=N)  # [N, H, DK]
    # send_and_recv(fn.copy_edge('score','score'), fn.sum('score','z')): softmax normalizer per dst node
    z = jax.ops.segment_sum(score, dst, num_segments=N)  # [N, H]
    # post_func: normalize and output projection
    out = (wv / (z[:, :, None] + 1e-6)).reshape(N, H * DK)
    return out @ Wo

if __name__ == "__main__":
    import jax
    _d = setup_inputs()
    print(jax.jit(kernel)(*tuple(_d.values())))

</pallas_src>

<mosaic_0001>
#map = affine_map<(d0, d1) -> (0, 0)>
#map1 = affine_map<(d0, d1) -> (0)>
#map2 = affine_map<(d0, d1) -> (0, 0, 0)>
module attributes {stable_mosaic.version = 14 : i64} {
  func.func @_edge_body(%arg0: i32, %arg1: i32, %arg2: memref<10000x128xf32, #tpu.memory_space<hbm>>, %arg3: memref<10000x256xf32, #tpu.memory_space<hbm>>, %arg4: memref<323584xi32, #tpu.memory_space<hbm>>, %arg5: memref<323584xi32, #tpu.memory_space<hbm>>, %arg6: memref<2x10240x144xf32, #tpu.memory_space<hbm>>, %arg7: memref<10240x144xf32, #tpu.memory_space<vmem_shared>>, %arg8: memref<32xi32, #tpu.memory_space<vmem>>, %arg9: memref<32xi32, #tpu.memory_space<vmem>>, %arg10: memref<32xi32, #tpu.memory_space<vmem>>, %arg11: memref<32xi32, #tpu.memory_space<vmem>>, %arg12: memref<32xi32, #tpu.memory_space<vmem>>, %arg13: memref<32xi32, #tpu.memory_space<vmem>>, %arg14: memref<32x256xf32, #tpu.memory_space<vmem>>, %arg15: memref<32x256xf32, #tpu.memory_space<vmem>>, %arg16: memref<32x128xf32, #tpu.memory_space<vmem>>, %arg17: memref<32x128xf32, #tpu.memory_space<vmem>>, %arg18: memref<32x144xf32, #tpu.memory_space<vmem>>, %arg19: memref<32x144xf32, #tpu.memory_space<vmem>>, %arg20: memref<!tpu.dma_semaphore, #tpu.memory_space<semaphore_mem>>, %arg21: memref<!tpu.dma_semaphore, #tpu.memory_space<semaphore_mem>>, %arg22: memref<!tpu.dma_semaphore, #tpu.memory_space<semaphore_mem>>, %arg23: memref<!tpu.dma_semaphore, #tpu.memory_space<semaphore_mem>>, %arg24: memref<!tpu.dma_semaphore, #tpu.memory_space<semaphore_mem>>, %arg25: memref<!tpu.dma_semaphore, #tpu.memory_space<semaphore_mem>>, %arg26: memref<!tpu.dma_semaphore, #tpu.memory_space<semaphore_mem>>, %arg27: memref<!tpu.dma_semaphore, #tpu.memory_space<semaphore_mem>>) attributes {dimension_semantics = [#tpu.dimension_semantics<core_parallel>, #tpu.dimension_semantics<subcore_parallel>], iteration_bounds = array<i64: 2, 16>, scalar_prefetch = 0 : i64, scratch_operands = 21 : i64, tpu.core_type = #tpu.core_type<sc_vector_subcore>, window_params = [{transform_indices = #map}, {transform_indices = #map}, {transform_indices = #map1}, {transform_indices = #map1}, {transform_indices = #map2}]} {
    %mul3A = arith.constant 2 : i32
    %mul3A_0 = arith.muli %arg1, %mul3A : i32
    %add3A = arith.addi %mul3A_0, %arg0 : i32
    %scan3A = arith.constant 0 : i32
    %scan3A_1 = arith.constant 0 : i32
    %scan3A_2 = arith.constant 32 : i32
    %scan3A_3 = arith.addi %scan3A_1, %scan3A_2 : i32
    %scan3A_4 = arith.constant 1 : i32
    scf.for %scan3A_159 = %scan3A_1 to %scan3A_3 step %scan3A_4  : i32 {
      %broadcast_in_dim3A_160 = arith.constant 0.000000e+00 : f32
      %broadcast_in_dim3A_161 = vector.broadcast %broadcast_in_dim3A_160 : f32 to vector<16xf32>
      %swap3A = arith.index_cast %scan3A_159 : i32 to index
      %swap3A_162 = arith.constant 0 : index
      %swap3A_163 = tpu.vector_load %arg18[%swap3A, %swap3A_162] {strides = array<i32>} : memref<32x144xf32, #tpu.memory_space<vmem>>, vector<16xf32>,
      tpu.vector_store %arg18[%swap3A, %swap3A_162], %broadcast_in_dim3A_161 {strides = array<i32>} : memref<32x144xf32, #tpu.memory_space<vmem>>, vector<16xf32>,
      %broadcast_in_dim3A_164 = arith.constant 0.000000e+00 : f32
      %broadcast_in_dim3A_165 = vector.broadcast %broadcast_in_dim3A_164 : f32 to vector<16xf32>
      %swap3A_166 = arith.index_cast %scan3A_159 : i32 to index
      %swap3A_167 = arith.constant 16 : index
      %swap3A_168 = tpu.vector_load %arg18[%swap3A_166, %swap3A_167] {strides = array<i32>} : memref<32x144xf32, #tpu.memory_space<vmem>>, vector<16xf32>,
      tpu.vector_store %arg18[%swap3A_166, %swap3A_167], %broadcast_in_dim3A_165 {strides = array<i32>} : memref<32x144xf32, #tpu.memory_space<vmem>>, vector<16xf32>,
      %broadcast_in_dim3A_169 = arith.constant 0.000000e+00 : f32
      %broadcast_in_dim3A_170 = vector.broadcast %broadcast_in_dim3A_169 : f32 to vector<16xf32>
      %swap3A_171 = arith.index_cast %scan3A_159 : i32 to index
      %swap3A_172 = arith.constant 32 : index
      %swap3A_173 = tpu.vector_load %arg18[%swap3A_171, %swap3A_172] {strides = array<i32>} : memref<32x144xf32, #tpu.memory_space<vmem>>, vector<16xf32>,
      tpu.vector_store %arg18[%swap3A_171, %swap3A_172], %broadcast_in_dim3A_170 {strides = array<i32>} : memref<32x144xf32, #tpu.memory_space<vmem>>, vector<16xf32>,
      %broadcast_in_dim3A_174 = arith.constant 0.000000e+00 : f32
      %broadcast_in_dim3A_175 = vector.broadcast %broadcast_in_dim3A_174 : f32 to vector<16xf32>
      %swap3A_176 = arith.index_cast %scan3A_159 : i32 to index
      %swap3A_177 = arith.constant 48 : index
      %swap3A_178 = tpu.vector_load %arg18[%swap3A_176, %swap3A_177] {strides = array<i32>} : memref<32x144xf32, #tpu.memory_space<vmem>>, vector<16xf32>,
      tpu.vector_store %arg18[%swap3A_176, %swap3A_177], %broadcast_in_dim3A_175 {strides = array<i32>} : memref<32x144xf32, #tpu.memory_space<vmem>>, vector<16xf32>,
      %broadcast_in_dim3A_179 = arith.constant 0.000000e+00 : f32
      %broadcast_in_dim3A_180 = vector.broadcast %broadcast_in_dim3A_179 : f32 to vector<16xf32>
      %swap3A_181 = arith.index_cast %scan3A_159 : i32 to index
      %swap3A_182 = arith.constant 64 : index
      %swap3A_183 = tpu.vector_load %arg18[%swap3A_181, %swap3A_182] {strides = array<i32>} : memref<32x144xf32, #tpu.memory_space<vmem>>, vector<16xf32>,
      tpu.vector_store %arg18[%swap3A_181, %swap3A_182], %broadcast_in_dim3A_180 {strides = array<i32>} : memref<32x144xf32, #tpu.memory_space<vmem>>, vector<16xf32>,
      %broadcast_in_dim3A_184 = arith.constant 0.000000e+00 : f32
      %broadcast_in_dim3A_185 = vector.broadcast %broadcast_in_dim3A_184 : f32 to vector<16xf32>
      %swap3A_186 = arith.index_cast %scan3A_159 : i32 to index
      %swap3A_187 = arith.constant 80 : index
      %swap3A_188 = tpu.vector_load %arg18[%swap3A_186, %swap3A_187] {strides = array<i32>} : memref<32x144xf32, #tpu.memory_space<vmem>>, vector<16xf32>,
      tpu.vector_store %arg18[%swap3A_186, %swap3A_187], %broadcast_in_dim3A_185 {strides = array<i32>} : memref<32x144xf32, #tpu.memory_space<vmem>>, vector<16xf32>,
      %broadcast_in_dim3A_189 = arith.constant 0.000000e+00 : f32
      %broadcast_in_dim3A_190 = vector.broadcast %broadcast_in_dim3A_189 : f32 to vector<16xf32>
      %swap3A_191 = arith.index_cast %scan3A_159 : i32 to index
      %swap3A_192 = arith.constant 96 : index
      %swap3A_193 = tpu.vector_load %arg18[%swap3A_191, %swap3A_192] {strides = array<i32>} : memref<32x144xf32, #tpu.memory_space<vmem>>, vector<16xf32>,
      tpu.vector_store %arg18[%swap3A_191, %swap3A_192], %broadcast_in_dim3A_190 {strides = array<i32>} : memref<32x144xf32, #tpu.memory_space<vmem>>, vector<16xf32>,
      %broadcast_in_dim3A_194 = arith.constant 0.000000e+00 : f32
      %broadcast_in_dim3A_195 = vector.broadcast %broadcast_in_dim3A_194 : f32 to vector<16xf32>
      %swap3A_196 = arith.index_cast %scan3A_159 : i32 to index
      %swap3A_197 = arith.constant 112 : index
      %swap3A_198 = tpu.vector_load %arg18[%swap3A_196, %swap3A_197] {strides = array<i32>} : memref<32x144xf32, #tpu.memory_space<vmem>>, vector<16xf32>,
      tpu.vector_store %arg18[%swap3A_196, %swap3A_197], %broadcast_in_dim3A_195 {strides = array<i32>} : memref<32x144xf32, #tpu.memory_space<vmem>>, vector<16xf32>,
      %broadcast_in_dim3A_199 = arith.constant 0.000000e+00 : f32
      %broadcast_in_dim3A_200 = vector.broadcast %broadcast_in_dim3A_199 : f32 to vector<16xf32>
      %swap3A_201 = arith.index_cast %scan3A_159 : i32 to index
      %swap3A_202 = arith.constant 128 : index
      %swap3A_203 = tpu.vector_load %arg18[%swap3A_201, %swap3A_202] {strides = array<i32>} : memref<32x144xf32, #tpu.memory_space<vmem>>, vector<16xf32>,
      tpu.vector_store %arg18[%swap3A_201, %swap3A_202], %broadcast_in_dim3A_200 {strides = array<i32>} : memref<32x144xf32, #tpu.memory_space<vmem>>, vector<16xf32>,
    }
    %scan3A_5 = arith.constant 32 : i32
    %mul3A_6 = arith.constant 640 : i32
    %mul3A_7 = arith.muli %arg1, %mul3A_6 : i32
    %add3A_8 = arith.constant 0 : i32
    %add3A_9 = arith.addi %mul3A_7, %add3A_8 : i32
    "tpu.region"() ({
      %run_scoped3A = tpu.sem_alloc : memref<!tpu.dma_semaphore, #tpu.memory_space<semaphore_mem>>
      %dma_start3A_159 = arith.constant 0 : i32
      %dma_start3A_160 = tpu.memref_slice %arg7[%add3A_9, %dma_start3A_159] : memref<10240x144xf32, #tpu.memory_space<vmem_shared>> -> memref<32x144xf32, #tpu.memory_space<vmem_shared>>
      %dma_start3A_161 = arith.constant 0 : i32
      %dma_start3A_162 = tpu.memref_slice %arg7[%add3A_9, %dma_start3A_161] : memref<10240x144xf32, #tpu.memory_space<vmem_shared>> -> memref<32x144xf32, #tpu.memory_space<vmem_shared>>
      tpu.enqueue_dma source(%arg18 : memref<32x144xf32, #tpu.memory_space<vmem>>) target(%dma_start3A_162 : memref<32x144xf32, #tpu.memory_space<vmem_shared>>) target_semaphore(%run_scoped3A : memref<!tpu.dma_semaphore, #tpu.memory_space<semaphore_mem>>)
      %dma_wait3A_163 = arith.constant 0 : i32
      %dma_wait3A_164 = tpu.memref_slice %arg7[%add3A_9, %dma_wait3A_163] : memref<10240x144xf32, #tpu.memory_space<vmem_shared>> -> memref<32x144xf32, #tpu.memory_space<vmem_shared>>
      %dma_wait3A_165 = arith.constant 0 : i32
      %dma_wait3A_166 = tpu.memref_slice %arg7[%add3A_9, %dma_wait3A_165] : memref<10240x144xf32, #tpu.memory_space<vmem_shared>> -> memref<32x144xf32, #tpu.memory_space<vmem_shared>>
      tpu.wait_dma2 semaphore(%run_scoped3A : memref<!tpu.dma_semaphore, #tpu.memory_space<semaphore_mem>>) src(%arg18 : memref<32x144xf32, #tpu.memory_space<vmem>>) dst(%dma_wait3A_166 : memref<32x144xf32, #tpu.memory_space<vmem_shared>>)
      tpu.yield
    }) : () -> ()
    %mul3A_10 = arith.constant 640 : i32
    %mul3A_11 = arith.muli %arg1, %mul3A_10 : i32
    %add3A_12 = arith.constant 32 : i32
    %add3A_13 = arith.addi %mul3A_11, %add3A_12 : i32
    "tpu.region"() ({
      %run_scoped3A = tpu.sem_alloc : memref<!tpu.dma_semaphore, #tpu.memory_space<semaphore_mem>>
      %dma_start3A_159 = arith.constant 0 : i32
      %dma_start3A_160 = tpu.memref_slice %arg7[%add3A_13, %dma_start3A_159] : memref<10240x144xf32, #tpu.memory_space<vmem_shared>> -> memref<32x144xf32, #tpu.memory_space<vmem_shared>>
      %dma_start3A_161 = arith.constant 0 : i32
      %dma_start3A_162 = tpu.memref_slice %arg7[%add3A_13, %dma_start3A_161] : memref<10240x144xf32, #tpu.memory_space<vmem_shared>> -> memref<32x144xf32, #tpu.memory_space<vmem_shared>>
      tpu.enqueue_dma source(%arg18 : memref<32x144xf32, #tpu.memory_space<vmem>>) target(%dma_start3A_162 : memref<32x144xf32, #tpu.memory_space<vmem_shared>>) target_semaphore(%run_scoped3A : memref<!tpu.dma_semaphore, #tpu.memory_space<semaphore_mem>>)
      %dma_wait3A_163 = arith.constant 0 : i32
      %dma_wait3A_164 = tpu.memref_slice %arg7[%add3A_13, %dma_wait3A_163] : memref<10240x144xf32, #tpu.memory_space<vmem_shared>> -> memref<32x144xf32, #tpu.memory_space<vmem_shared>>
      %dma_wait3A_165 = arith.constant 0 : i32
      %dma_wait3A_166 = tpu.memref_slice %arg7[%add3A_13, %dma_wait3A_165] : memref<10240x144xf32, #tpu.memory_space<vmem_shared>> -> memref<32x144xf32, #tpu.memory_space<vmem_shared>>
      tpu.wait_dma2 semaphore(%run_scoped3A : memref<!tpu.dma_semaphore, #tpu.memory_space<semaphore_mem>>) src(%arg18 : memref<32x144xf32, #tpu.memory_space<vmem>>) dst(%dma_wait3A_166 : memref<32x144xf32, #tpu.memory_space<vmem_shared>>)
      tpu.yield
    }) : () -> ()
    %mul3A_14 = arith.constant 640 : i32
    %mul3A_15 = arith.muli %arg1, %mul3A_14 : i32
    %add3A_16 = arith.constant 64 : i32
    %add3A_17 = arith.addi %mul3A_15, %add3A_16 : i32
    "tpu.region"() ({
      %run_scoped3A = tpu.sem_alloc : memref<!tpu.dma_semaphore, #tpu.memory_space<semaphore_mem>>
      %dma_start3A_159 = arith.constant 0 : i32
      %dma_start3A_160 = tpu.memref_slice %arg7[%add3A_17, %dma_start3A_159] : memref<10240x144xf32, #tpu.memory_space<vmem_shared>> -> memref<32x144xf32, #tpu.memory_space<vmem_shared>>
      %dma_start3A_161 = arith.constant 0 : i32
      %dma_start3A_162 = tpu.memref_slice %arg7[%add3A_17, %dma_start3A_161] : memref<10240x144xf32, #tpu.memory_space<vmem_shared>> -> memref<32x144xf32, #tpu.memory_space<vmem_shared>>
      tpu.enqueue_dma source(%arg18 : memref<32x144xf32, #tpu.memory_space<vmem>>) target(%dma_start3A_162 : memref<32x144xf32, #tpu.memory_space<vmem_shared>>) target_semaphore(%run_scoped3A : memref<!tpu.dma_semaphore, #tpu.memory_space<semaphore_mem>>)
      %dma_wait3A_163 = arith.constant 0 : i32
      %dma_wait3A_164 = tpu.memref_slice %arg7[%add3A_17, %dma_wait3A_163] : memref<10240x144xf32, #tpu.memory_space<vmem_shared>> -> memref<32x144xf32, #tpu.memory_space<vmem_shared>>
      %dma_wait3A_165 = arith.constant 0 : i32
      %dma_wait3A_166 = tpu.memref_slice %arg7[%add3A_17, %dma_wait3A_165] : memref<10240x144xf32, #tpu.memory_space<vmem_shared>> -> memref<32x144xf32, #tpu.memory_space<vmem_shared>>
      tpu.wait_dma2 semaphore(%run_scoped3A : memref<!tpu.dma_semaphore, #tpu.memory_space<semaphore_mem>>) src(%arg18 : memref<32x144xf32, #tpu.memory_space<vmem>>) dst(%dma_wait3A_166 : memref<32x144xf32, #tpu.memory_space<vmem_shared>>)
      tpu.yield
    }) : () -> ()
    %mul3A_18 = arith.constant 640 : i32
    %mul3A_19 = arith.muli %arg1, %mul3A_18 : i32
    %add3A_20 = arith.constant 96 : i32
    %add3A_21 = arith.addi %mul3A_19, %add3A_20 : i32
    "tpu.region"() ({
      %run_scoped3A = tpu.sem_alloc : memref<!tpu.dma_semaphore, #tpu.memory_space<semaphore_mem>>
      %dma_start3A_159 = arith.constant 0 : i32
      %dma_start3A_160 = tpu.memref_slice %arg7[%add3A_21, %dma_start3A_159] : memref<10240x144xf32, #tpu.memory_space<vmem_shared>> -> memref<32x144xf32, #tpu.memory_space<vmem_shared>>
      %dma_start3A_161 = arith.constant 0 : i32
      %dma_start3A_162 = tpu.memref_slice %arg7[%add3A_21, %dma_start3A_161] : memref<10240x144xf32, #tpu.memory_space<vmem_shared>> -> memref<32x144xf32, #tpu.memory_space<vmem_shared>>
      tpu.enqueue_dma source(%arg18 : memref<32x144xf32, #tpu.memory_space<vmem>>) target(%dma_start3A_162 : memref<32x144xf32, #tpu.memory_space<vmem_shared>>) target_semaphore(%run_scoped3A : memref<!tpu.dma_semaphore, #tpu.memory_space<semaphore_mem>>)
      %dma_wait3A_163 = arith.constant 0 : i32
      %dma_wait3A_164 = tpu.memref_slice %arg7[%add3A_21, %dma_wait3A_163] : memref<10240x144xf32, #tpu.memory_space<vmem_shared>> -> memref<32x144xf32, #tpu.memory_space<vmem_shared>>
      %dma_wait3A_165 = arith.constant 0 : i32
      %dma_wait3A_166 = tpu.memref_slice %arg7[%add3A_21, %dma_wait3A_165] : memref<10240x144xf32, #tpu.memory_space<vmem_shared>> -> memref<32x144xf32, #tpu.memory_space<vmem_shared>>
      tpu.wait_dma2 semaphore(%run_scoped3A : memref<!tpu.dma_semaphore, #tpu.memory_space<semaphore_mem>>) src(%arg18 : memref<32x144xf32, #tpu.memory_space<vmem>>) dst(%dma_wait3A_166 : memref<32x144xf32, #tpu.memory_space<vmem_shared>>)
      tpu.yield
    }) : () -> ()
    %mul3A_22 = arith.constant 640 : i32
    %mul3A_23 = arith.muli %arg1, %mul3A_22 : i32
    %add3A_24 = arith.constant 128 : i32
    %add3A_25 = arith.addi %mul3A_23, %add3A_24 : i32
    "tpu.region"() ({
      %run_scoped3A = tpu.sem_alloc : memref<!tpu.dma_semaphore, #tpu.memory_space<semaphore_mem>>
      %dma_start3A_159 = arith.constant 0 : i32
      %dma_start3A_160 = tpu.memref_slice %arg7[%add3A_25, %dma_start3A_159] : memref<10240x144xf32, #tpu.memory_space<vmem_shared>> -> memref<32x144xf32, #tpu.memory_space<vmem_shared>>
      %dma_start3A_161 = arith.constant 0 : i32
      %dma_start3A_162 = tpu.memref_slice %arg7[%add3A_25, %dma_start3A_161] : memref<10240x144xf32, #tpu.memory_space<vmem_shared>> -> memref<32x144xf32, #tpu.memory_space<vmem_shared>>
      tpu.enqueue_dma source(%arg18 : memref<32x144xf32, #tpu.memory_space<vmem>>) target(%dma_start3A_162 : memref<32x144xf32, #tpu.memory_space<vmem_shared>>) target_semaphore(%run_scoped3A : memref<!tpu.dma_semaphore, #tpu.memory_space<semaphore_mem>>)
      %dma_wait3A_163 = arith.constant 0 : i32
      %dma_wait3A_164 = tpu.memref_slice %arg7[%add3A_25, %dma_wait3A_163] : memref<10240x144xf32, #tpu.memory_space<vmem_shared>> -> memref<32x144xf32, #tpu.memory_space<vmem_shared>>
      %dma_wait3A_165 = arith.constant 0 : i32
      %dma_wait3A_166 = tpu.memref_slice %arg7[%add3A_25, %dma_wait3A_165] : memref<10240x144xf32, #tpu.memory_space<vmem_shared>> -> memref<32x144xf32, #tpu.memory_space<vmem_shared>>
      tpu.wait_dma2 semaphore(%run_scoped3A : memref<!tpu.dma_semaphore, #tpu.memory_space<semaphore_mem>>) src(%arg18 : memref<32x144xf32, #tpu.memory_space<vmem>>) dst(%dma_wait3A_166 : memref<32x144xf32, #tpu.memory_space<vmem_shared>>)
      tpu.yield
    }) : () -> ()
    %mul3A_26 = arith.constant 640 : i32
    %mul3A_27 = arith.muli %arg1, %mul3A_26 : i32
    %add3A_28 = arith.constant 160 : i32
    %add3A_29 = arith.addi %mul3A_27, %add3A_28 : i32
    "tpu.region"() ({
      %run_scoped3A = tpu.sem_alloc : memref<!tpu.dma_semaphore, #tpu.memory_space<semaphore_mem>>
      %dma_start3A_159 = arith.constant 0 : i32
      %dma_start3A_160 = tpu.memref_slice %arg7[%add3A_29, %dma_start3A_159] : memref<10240x144xf32, #tpu.memory_space<vmem_shared>> -> memref<32x144xf32, #tpu.memory_space<vmem_shared>>
      %dma_start3A_161 = arith.constant 0 : i32
      %dma_start3A_162 = tpu.memref_slice %arg7[%add3A_29, %dma_start3A_161] : memref<10240x144xf32, #tpu.memory_space<vmem_shared>> -> memref<32x144xf32, #tpu.memory_space<vmem_shared>>
      tpu.enqueue_dma source(%arg18 : memref<32x144xf32, #tpu.memory_space<vmem>>) target(%dma_start3A_162 : memref<32x144xf32, #tpu.memory_space<vmem_shared>>) target_semaphore(%run_scoped3A : memref<!tpu.dma_semaphore, #tpu.memory_space<semaphore_mem>>)
      %dma_wait3A_163 = arith.constant 0 : i32
      %dma_wait3A_164 = tpu.memref_slice %arg7[%add3A_29, %dma_wait3A_163] : memref<10240x144xf32, #tpu.memory_space<vmem_shared>> -> memref<32x144xf32, #tpu.memory_space<vmem_shared>>
      %dma_wait3A_165 = arith.constant 0 : i32
      %dma_wait3A_166 = tpu.memref_slice %arg7[%add3A_29, %dma_wait3A_165] : memref<10240x144xf32, #tpu.memory_space<vmem_shared>> -> memref<32x144xf32, #tpu.memory_space<vmem_shared>>
      tpu.wait_dma2 semaphore(%run_scoped3A : memref<!tpu.dma_semaphore, #tpu.memory_space<semaphore_mem>>) src(%arg18 : memref<32x144xf32, #tpu.memory_space<vmem>>) dst(%dma_wait3A_166 : memref<32x144xf32, #tpu.memory_space<vmem_shared>>)
      tpu.yield
    }) : () -> ()
    %mul3A_30 = arith.constant 640 : i32
    %mul3A_31 = arith.muli %arg1, %mul3A_30 : i32
    %add3A_32 = arith.constant 192 : i32
    %add3A_33 = arith.addi %mul3A_31, %add3A_32 : i32
    "tpu.region"() ({
      %run_scoped3A = tpu.sem_alloc : memref<!tpu.dma_semaphore, #tpu.memory_space<semaphore_mem>>
      %dma_start3A_159 = arith.constant 0 : i32
      %dma_start3A_160 = tpu.memref_slice %arg7[%add3A_33, %dma_start3A_159] : memref<10240x144xf32, #tpu.memory_space<vmem_shared>> -> memref<32x144xf32, #tpu.memory_space<vmem_shared>>
      %dma_start3A_161 = arith.constant 0 : i32
      %dma_start3A_162 = tpu.memref_slice %arg7[%add3A_33, %dma_start3A_161] : memref<10240x144xf32, #tpu.memory_space<vmem_shared>> -> memref<32x144xf32, #tpu.memory_space<vmem_shared>>
      tpu.enqueue_dma source(%arg18 : memref<32x144xf32, #tpu.memory_space<vmem>>) target(%dma_start3A_162 : memref<32x144xf32, #tpu.memory_space<vmem_shared>>) target_semaphore(%run_scoped3A : memref<!tpu.dma_semaphore, #tpu.memory_space<semaphore_mem>>)
      %dma_wait3A_163 = arith.constant 0 : i32
      %dma_wait3A_164 = tpu.memref_slice %arg7[%add3A_33, %dma_wait3A_163] : memref<10240x144xf32, #tpu.memory_space<vmem_shared>> -> memref<32x144xf32, #tpu.memory_space<vmem_shared>>
      %dma_wait3A_165 = arith.constant 0 : i32
      %dma_wait3A_166 = tpu.memref_slice %arg7[%add3A_33, %dma_wait3A_165] : memref<10240x144xf32, #tpu.memory_space<vmem_shared>> -> memref<32x144xf32, #tpu.memory_space<vmem_shared>>
      tpu.wait_dma2 semaphore(%run_scoped3A : memref<!tpu.dma_semaphore, #tpu.memory_space<semaphore_mem>>) src(%arg18 : memref<32x144xf32, #tpu.memory_space<vmem>>) dst(%dma_wait3A_166 : memref<32x144xf32, #tpu.memory_space<vmem_shared>>)
      tpu.yield
    }) : () -> ()
    %mul3A_34 = arith.constant 640 : i32
    %mul3A_35 = arith.muli %arg1, %mul3A_34 : i32
    %add3A_36 = arith.constant 224 : i32
    %add3A_37 = arith.addi %mul3A_35, %add3A_36 : i32
    "tpu.region"() ({
      %run_scoped3A = tpu.sem_alloc : memref<!tpu.dma_semaphore, #tpu.memory_space<semaphore_mem>>
      %dma_start3A_159 = arith.constant 0 : i32
      %dma_start3A_160 = tpu.memref_slice %arg7[%add3A_37, %dma_start3A_159] : memref<10240x144xf32, #tpu.memory_space<vmem_shared>> -> memref<32x144xf32, #tpu.memory_space<vmem_shared>>
      %dma_start3A_161 = arith.constant 0 : i32
      %dma_start3A_162 = tpu.memref_slice %arg7[%add3A_37, %dma_start3A_161] : memref<10240x144xf32, #tpu.memory_space<vmem_shared>> -> memref<32x144xf32, #tpu.memory_space<vmem_shared>>
      tpu.enqueue_dma source(%arg18 : memref<32x144xf32, #tpu.memory_space<vmem>>) target(%dma_start3A_162 : memref<32x144xf32, #tpu.memory_space<vmem_shared>>) target_semaphore(%run_scoped3A : memref<!tpu.dma_semaphore, #tpu.memory_space<semaphore_mem>>)
      %dma_wait3A_163 = arith.constant 0 : i32
      %dma_wait3A_164 = tpu.memref_slice %arg7[%add3A_37, %dma_wait3A_163] : memref<10240x144xf32, #tpu.memory_space<vmem_shared>> -> memref<32x144xf32, #tpu.memory_space<vmem_shared>>
      %dma_wait3A_165 = arith.constant 0 : i32
      %dma_wait3A_166 = tpu.memref_slice %arg7[%add3A_37, %dma_wait3A_165] : memref<10240x144xf32, #tpu.memory_space<vmem_shared>> -> memref<32x144xf32, #tpu.memory_space<vmem_shared>>
      tpu.wait_dma2 semaphore(%run_scoped3A : memref<!tpu.dma_semaphore, #tpu.memory_space<semaphore_mem>>) src(%arg18 : memref<32x144xf32, #tpu.memory_space<vmem>>) dst(%dma_wait3A_166 : memref<32x144xf32, #tpu.memory_space<vmem_shared>>)
      tpu.yield
    }) : () -> ()
    %mul3A_38 = arith.constant 640 : i32
    %mul3A_39 = arith.muli %arg1, %mul3A_38 : i32
    %add3A_40 = arith.constant 256 : i32
    %add3A_41 = arith.addi %mul3A_39, %add3A_40 : i32
    "tpu.region"() ({
      %run_scoped3A = tpu.sem_alloc : memref<!tpu.dma_semaphore, #tpu.memory_space<semaphore_mem>>
      %dma_start3A_159 = arith.constant 0 : i32
      %dma_start3A_160 = tpu.memref_slice %arg7[%add3A_41, %dma_start3A_159] : memref<10240x144xf32, #tpu.memory_space<vmem_shared>> -> memref<32x144xf32, #tpu.memory_space<vmem_shared>>
      %dma_start3A_161 = arith.constant 0 : i32
      %dma_start3A_162 = tpu.memref_slice %arg7[%add3A_41, %dma_start3A_161] : memref<10240x144xf32, #tpu.memory_space<vmem_shared>> -> memref<32x144xf32, #tpu.memory_space<vmem_shared>>
      tpu.enqueue_dma source(%arg18 : memref<32x144xf32, #tpu.memory_space<vmem>>) target(%dma_start3A_162 : memref<32x144xf32, #tpu.memory_space<vmem_shared>>) target_semaphore(%run_scoped3A : memref<!tpu.dma_semaphore, #tpu.memory_space<semaphore_mem>>)
      %dma_wait3A_163 = arith.constant 0 : i32
      %dma_wait3A_164 = tpu.memref_slice %arg7[%add3A_41, %dma_wait3A_163] : memref<10240x144xf32, #tpu.memory_space<vmem_shared>> -> memref<32x144xf32, #tpu.memory_space<vmem_shared>>
      %dma_wait3A_165 = arith.constant 0 : i32
      %dma_wait3A_166 = tpu.memref_slice %arg7[%add3A_41, %dma_wait3A_165] : memref<10240x144xf32, #tpu.memory_space<vmem_shared>> -> memref<32x144xf32, #tpu.memory_space<vmem_shared>>
      tpu.wait_dma2 semaphore(%run_scoped3A : memref<!tpu.dma_semaphore, #tpu.memory_space<semaphore_mem>>) src(%arg18 : memref<32x144xf32, #tpu.memory_space<vmem>>) dst(%dma_wait3A_166 : memref<32x144xf32, #tpu.memory_space<vmem_shared>>)
      tpu.yield
    }) : () -> ()
    %mul3A_42 = arith.constant 640 : i32
    %mul3A_43 = arith.muli %arg1, %mul3A_42 : i32
    %add3A_44 = arith.constant 288 : i32
    %add3A_45 = arith.addi %mul3A_43, %add3A_44 : i32
    "tpu.region"() ({
      %run_scoped3A = tpu.sem_alloc : memref<!tpu.dma_semaphore, #tpu.memory_space<semaphore_mem>>
      %dma_start3A_159 = arith.constant 0 : i32
      %dma_start3A_160 = tpu.memref_slice %arg7[%add3A_45, %dma_start3A_159] : memref<10240x144xf32, #tpu.memory_space<vmem_shared>> -> memref<32x144xf32, #tpu.memory_space<vmem_shared>>
      %dma_start3A_161 = arith.constant 0 : i32
      %dma_start3A_162 = tpu.memref_slice %arg7[%add3A_45, %dma_start3A_161] : memref<10240x144xf32, #tpu.memory_space<vmem_shared>> -> memref<32x144xf32, #tpu.memory_space<vmem_shared>>
      tpu.enqueue_dma source(%arg18 : memref<32x144xf32, #tpu.memory_space<vmem>>) target(%dma_start3A_162 : memref<32x144xf32, #tpu.memory_space<vmem_shared>>) target_semaphore(%run_scoped3A : memref<!tpu.dma_semaphore, #tpu.memory_space<semaphore_mem>>)
      %dma_wait3A_163 = arith.constant 0 : i32
      %dma_wait3A_164 = tpu.memref_slice %arg7[%add3A_45, %dma_wait3A_163] : memref<10240x144xf32, #tpu.memory_space<vmem_shared>> -> memref<32x144xf32, #tpu.memory_space<vmem_shared>>
      %dma_wait3A_165 = arith.constant 0 : i32
      %dma_wait3A_166 = tpu.memref_slice %arg7[%add3A_45, %dma_wait3A_165] : memref<10240x144xf32, #tpu.memory_space<vmem_shared>> -> memref<32x144xf32, #tpu.memory_space<vmem_shared>>
      tpu.wait_dma2 semaphore(%run_scoped3A : memref<!tpu.dma_semaphore, #tpu.memory_space<semaphore_mem>>) src(%arg18 : memref<32x144xf32, #tpu.memory_space<vmem>>) dst(%dma_wait3A_166 : memref<32x144xf32, #tpu.memory_space<vmem_shared>>)
      tpu.yield
    }) : () -> ()
    %mul3A_46 = arith.constant 640 : i32
    %mul3A_47 = arith.muli %arg1, %mul3A_46 : i32
    %add3A_48 = arith.constant 320 : i32
    %add3A_49 = arith.addi %mul3A_47, %add3A_48 : i32
    "tpu.region"() ({
      %run_scoped3A = tpu.sem_alloc : memref<!tpu.dma_semaphore, #tpu.memory_space<semaphore_mem>>
      %dma_start3A_159 = arith.constant 0 : i32
      %dma_start3A_160 = tpu.memref_slice %arg7[%add3A_49, %dma_start3A_159] : memref<10240x144xf32, #tpu.memory_space<vmem_shared>> -> memref<32x144xf32, #tpu.memory_space<vmem_shared>>
      %dma_start3A_161 = arith.constant 0 : i32
      %dma_start3A_162 = tpu.memref_slice %arg7[%add3A_49, %dma_start3A_161] : memref<10240x144xf32, #tpu.memory_space<vmem_shared>> -> memref<32x144xf32, #tpu.memory_space<vmem_shared>>
      tpu.enqueue_dma source(%arg18 : memref<32x144xf32, #tpu.memory_space<vmem>>) target(%dma_start3A_162 : memref<32x144xf32, #tpu.memory_space<vmem_shared>>) target_semaphore(%run_scoped3A : memref<!tpu.dma_semaphore, #tpu.memory_space<semaphore_mem>>)
      %dma_wait3A_163 = arith.constant 0 : i32
      %dma_wait3A_164 = tpu.memref_slice %arg7[%add3A_49, %dma_wait3A_163] : memref<10240x144xf32, #tpu.memory_space<vmem_shared>> -> memref<32x144xf32, #tpu.memory_space<vmem_shared>>
      %dma_wait3A_165 = arith.constant 0 : i32
      %dma_wait3A_166 = tpu.memref_slice %arg7[%add3A_49, %dma_wait3A_165] : memref<10240x144xf32, #tpu.memory_space<vmem_shared>> -> memref<32x144xf32, #tpu.memory_space<vmem_shared>>
      tpu.wait_dma2 semaphore(%run_scoped3A : memref<!tpu.dma_semaphore, #tpu.memory_space<semaphore_mem>>) src(%arg18 : memref<32x144xf32, #tpu.memory_space<vmem>>) dst(%dma_wait3A_166 : memref<32x144xf32, #tpu.memory_space<vmem_shared>>)
      tpu.yield
    }) : () -> ()
    %mul3A_50 = arith.constant 640 : i32
    %mul3A_51 = arith.muli %arg1, %mul3A_50 : i32
    %add3A_52 = arith.constant 352 : i32
    %add3A_53 = arith.addi %mul3A_51, %add3A_52 : i32
    "tpu.region"() ({
      %run_scoped3A = tpu.sem_alloc : memref<!tpu.dma_semaphore, #tpu.memory_space<semaphore_mem>>
      %dma_start3A_159 = arith.constant 0 : i32
      %dma_start3A_160 = tpu.memref_slice %arg7[%add3A_53, %dma_start3A_159] : memref<10240x144xf32, #tpu.memory_space<vmem_shared>> -> memref<32x144xf32, #tpu.memory_space<vmem_shared>>
      %dma_start3A_161 = arith.constant 0 : i32
      %dma_start3A_162 = tpu.memref_slice %arg7[%add3A_53, %dma_start3A_161] : memref<10240x144xf32, #tpu.memory_space<vmem_shared>> -> memref<32x144xf32, #tpu.memory_space<vmem_shared>>
      tpu.enqueue_dma source(%arg18 : memref<32x144xf32, #tpu.memory_space<vmem>>) target(%dma_start3A_162 : memref<32x144xf32, #tpu.memory_space<vmem_shared>>) target_semaphore(%run_scoped3A : memref<!tpu.dma_semaphore, #tpu.memory_space<semaphore_mem>>)
      %dma_wait3A_163 = arith.constant 0 : i32
      %dma_wait3A_164 = tpu.memref_slice %arg7[%add3A_53, %dma_wait3A_163] : memref<10240x144xf32, #tpu.memory_space<vmem_shared>> -> memref<32x144xf32, #tpu.memory_space<vmem_shared>>
      %dma_wait3A_165 = arith.constant 0 : i32
      %dma_wait3A_166 = tpu.memref_slice %arg7[%add3A_53, %dma_wait3A_165] : memref<10240x144xf32, #tpu.memory_space<vmem_shared>> -> memref<32x144xf32, #tpu.memory_space<vmem_shared>>
      tpu.wait_dma2 semaphore(%run_scoped3A : memref<!tpu.dma_semaphore, #tpu.memory_space<semaphore_mem>>) src(%arg18 : memref<32x144xf32, #tpu.memory_space<vmem>>) dst(%dma_wait3A_166 : memref<32x144xf32, #tpu.memory_space<vmem_shared>>)
      tpu.yield
    }) : () -> ()
    %mul3A_54 = arith.constant 640 : i32
    %mul3A_55 = arith.muli %arg1, %mul3A_54 : i32
    %add3A_56 = arith.constant 384 : i32
    %add3A_57 = arith.addi %mul3A_55, %add3A_56 : i32
    "tpu.region"() ({
      %run_scoped3A = tpu.sem_alloc : memref<!tpu.dma_semaphore, #tpu.memory_space<semaphore_mem>>
      %dma_start3A_159 = arith.constant 0 : i32
      %dma_start3A_160 = tpu.memref_slice %arg7[%add3A_57, %dma_start3A_159] : memref<10240x144xf32, #tpu.memory_space<vmem_shared>> -> memref<32x144xf32, #tpu.memory_space<vmem_shared>>
      %dma_start3A_161 = arith.constant 0 : i32
      %dma_start3A_162 = tpu.memref_slice %arg7[%add3A_57, %dma_start3A_161] : memref<10240x144xf32, #tpu.memory_space<vmem_shared>> -> memref<32x144xf32, #tpu.memory_space<vmem_shared>>
      tpu.enqueue_dma source(%arg18 : memref<32x144xf32, #tpu.memory_space<vmem>>) target(%dma_start3A_162 : memref<32x144xf32, #tpu.memory_space<vmem_shared>>) target_semaphore(%run_scoped3A : memref<!tpu.dma_semaphore, #tpu.memory_space<semaphore_mem>>)
      %dma_wait3A_163 = arith.constant 0 : i32
      %dma_wait3A_164 = tpu.memref_slice %arg7[%add3A_57, %dma_wait3A_163] : memref<10240x144xf32, #tpu.memory_space<vmem_shared>> -> memref<32x144xf32, #tpu.memory_space<vmem_shared>>
      %dma_wait3A_165 = arith.constant 0 : i32
      %dma_wait3A_166 = tpu.memref_slice %arg7[%add3A_57, %dma_wait3A_165] : memref<10240x144xf32, #tpu.memory_space<vmem_shared>> -> memref<32x144xf32, #tpu.memory_space<vmem_shared>>
      tpu.wait_dma2 semaphore(%run_scoped3A : memref<!tpu.dma_semaphore, #tpu.memory_space<semaphore_mem>>) src(%arg18 : memref<32x144xf32, #tpu.memory_space<vmem>>) dst(%dma_wait3A_166 : memref<32x144xf32, #tpu.memory_space<vmem_shared>>)
      tpu.yield
    }) : () -> ()
    %mul3A_58 = arith.constant 640 : i32
    %mul3A_59 = arith.muli %arg1, %mul3A_58 : i32
    %add3A_60 = arith.constant 416 : i32
    %add3A_61 = arith.addi %mul3A_59, %add3A_60 : i32
    "tpu.region"() ({
      %run_scoped3A = tpu.sem_alloc : memref<!tpu.dma_semaphore, #tpu.memory_space<semaphore_mem>>
      %dma_start3A_159 = arith.constant 0 : i32
      %dma_start3A_160 = tpu.memref_slice %arg7[%add3A_61, %dma_start3A_159] : memref<10240x144xf32, #tpu.memory_space<vmem_shared>> -> memref<32x144xf32, #tpu.memory_space<vmem_shared>>
      %dma_start3A_161 = arith.constant 0 : i32
      %dma_start3A_162 = tpu.memref_slice %arg7[%add3A_61, %dma_start3A_161] : memref<10240x144xf32, #tpu.memory_space<vmem_shared>> -> memref<32x144xf32, #tpu.memory_space<vmem_shared>>
      tpu.enqueue_dma source(%arg18 : memref<32x144xf32, #tpu.memory_space<vmem>>) target(%dma_start3A_162 : memref<32x144xf32, #tpu.memory_space<vmem_shared>>) target_semaphore(%run_scoped3A : memref<!tpu.dma_semaphore, #tpu.memory_space<semaphore_mem>>)
      %dma_wait3A_163 = arith.constant 0 : i32
      %dma_wait3A_164 = tpu.memref_slice %arg7[%add3A_61, %dma_wait3A_163] : memref<10240x144xf32, #tpu.memory_space<vmem_shared>> -> memref<32x144xf32, #tpu.memory_space<vmem_shared>>
      %dma_wait3A_165 = arith.constant 0 : i32
      %dma_wait3A_166 = tpu.memref_slice %arg7[%add3A_61, %dma_wait3A_165] : memref<10240x144xf32, #tpu.memory_space<vmem_shared>> -> memref<32x144xf32, #tpu.memory_space<vmem_shared>>
      tpu.wait_dma2 semaphore(%run_scoped3A : memref<!tpu.dma_semaphore, #tpu.memory_space<semaphore_mem>>) src(%arg18 : memref<32x144xf32, #tpu.memory_space<vmem>>) dst(%dma_wait3A_166 : memref<32x144xf32, #tpu.memory_space<vmem_shared>>)
      tpu.yield
    }) : () -> ()
    %mul3A_62 = arith.constant 640 : i32
    %mul3A_63 = arith.muli %arg1, %mul3A_62 : i32
    %add3A_64 = arith.constant 448 : i32
    %add3A_65 = arith.addi %mul3A_63, %add3A_64 : i32
    "tpu.region"() ({
      %run_scoped3A = tpu.sem_alloc : memref<!tpu.dma_semaphore, #tpu.memory_space<semaphore_mem>>
      %dma_start3A_159 = arith.constant 0 : i32
      %dma_start3A_160 = tpu.memref_slice %arg7[%add3A_65, %dma_start3A_159] : memref<10240x144xf32, #tpu.memory_space<vmem_shared>> -> memref<32x144xf32, #tpu.memory_space<vmem_shared>>
      %dma_start3A_161 = arith.constant 0 : i32
      %dma_start3A_162 = tpu.memref_slice %arg7[%add3A_65, %dma_start3A_161] : memref<10240x144xf32, #tpu.memory_space<vmem_shared>> -> memref<32x144xf32, #tpu.memory_space<vmem_shared>>
      tpu.enqueue_dma source(%arg18 : memref<32x144xf32, #tpu.memory_space<vmem>>) target(%dma_start3A_162 : memref<32x144xf32, #tpu.memory_space<vmem_shared>>) target_semaphore(%run_scoped3A : memref<!tpu.dma_semaphore, #tpu.memory_space<semaphore_mem>>)
      %dma_wait3A_163 = arith.constant 0 : i32
      %dma_wait3A_164 = tpu.memref_slice %arg7[%add3A_65, %dma_wait3A_163] : memref<10240x144xf32, #tpu.memory_space<vmem_shared>> -> memref<32x144xf32, #tpu.memory_space<vmem_shared>>
      %dma_wait3A_165 = arith.constant 0 : i32
      %dma_wait3A_166 = tpu.memref_slice %arg7[%add3A_65, %dma_wait3A_165] : memref<10240x144xf32, #tpu.memory_space<vmem_shared>> -> memref<32x144xf32, #tpu.memory_space<vmem_shared>>
      tpu.wait_dma2 semaphore(%run_scoped3A : memref<!tpu.dma_semaphore, #tpu.memory_space<semaphore_mem>>) src(%arg18 : memref<32x144xf32, #tpu.memory_space<vmem>>) dst(%dma_wait3A_166 : memref<32x144xf32, #tpu.memory_space<vmem_shared>>)
      tpu.yield
    }) : () -> ()
    %mul3A_66 = arith.constant 640 : i32
    %mul3A_67 = arith.muli %arg1, %mul3A_66 : i32
    %add3A_68 = arith.constant 480 : i32
    %add3A_69 = arith.addi %mul3A_67, %add3A_68 : i32
    "tpu.region"() ({
      %run_scoped3A = tpu.sem_alloc : memref<!tpu.dma_semaphore, #tpu.memory_space<semaphore_mem>>
      %dma_start3A_159 = arith.constant 0 : i32
      %dma_start3A_160 = tpu.memref_slice %arg7[%add3A_69, %dma_start3A_159] : memref<10240x144xf32, #tpu.memory_space<vmem_shared>> -> memref<32x144xf32, #tpu.memory_space<vmem_shared>>
      %dma_start3A_161 = arith.constant 0 : i32
      %dma_start3A_162 = tpu.memref_slice %arg7[%add3A_69, %dma_start3A_161] : memref<10240x144xf32, #tpu.memory_space<vmem_shared>> -> memref<32x144xf32, #tpu.memory_space<vmem_shared>>
      tpu.enqueue_dma source(%arg18 : memref<32x144xf32, #tpu.memory_space<vmem>>) target(%dma_start3A_162 : memref<32x144xf32, #tpu.memory_space<vmem_shared>>) target_semaphore(%run_scoped3A : memref<!tpu.dma_semaphore, #tpu.memory_space<semaphore_mem>>)
      %dma_wait3A_163 = arith.constant 0 : i32
      %dma_wait3A_164 = tpu.memref_slice %arg7[%add3A_69, %dma_wait3A_163] : memref<10240x144xf32, #tpu.memory_space<vmem_shared>> -> memref<32x144xf32, #tpu.memory_space<vmem_shared>>
      %dma_wait3A_165 = arith.constant 0 : i32
      %dma_wait3A_166 = tpu.memref_slice %arg7[%add3A_69, %dma_wait3A_165] : memref<10240x144xf32, #tpu.memory_space<vmem_shared>> -> memref<32x144xf32, #tpu.memory_space<vmem_shared>>
      tpu.wait_dma2 semaphore(%run_scoped3A : memref<!tpu.dma_semaphore, #tpu.memory_space<semaphore_mem>>) src(%arg18 : memref<32x144xf32, #tpu.memory_space<vmem>>) dst(%dma_wait3A_166 : memref<32x144xf32, #tpu.memory_space<vmem_shared>>)
      tpu.yield
    }) : () -> ()
    %mul3A_70 = arith.constant 640 : i32
    %mul3A_71 = arith.muli %arg1, %mul3A_70 : i32
    %add3A_72 = arith.constant 512 : i32
    %add3A_73 = arith.addi %mul3A_71, %add3A_72 : i32
    "tpu.region"() ({
      %run_scoped3A = tpu.sem_alloc : memref<!tpu.dma_semaphore, #tpu.memory_space<semaphore_mem>>
      %dma_start3A_159 = arith.constant 0 : i32
      %dma_start3A_160 = tpu.memref_slice %arg7[%add3A_73, %dma_start3A_159] : memref<10240x144xf32, #tpu.memory_space<vmem_shared>> -> memref<32x144xf32, #tpu.memory_space<vmem_shared>>
      %dma_start3A_161 = arith.constant 0 : i32
      %dma_start3A_162 = tpu.memref_slice %arg7[%add3A_73, %dma_start3A_161] : memref<10240x144xf32, #tpu.memory_space<vmem_shared>> -> memref<32x144xf32, #tpu.memory_space<vmem_shared>>
      tpu.enqueue_dma source(%arg18 : memref<32x144xf32, #tpu.memory_space<vmem>>) target(%dma_start3A_162 : memref<32x144xf32, #tpu.memory_space<vmem_shared>>) target_semaphore(%run_scoped3A : memref<!tpu.dma_semaphore, #tpu.memory_space<semaphore_mem>>)
      %dma_wait3A_163 = arith.constant 0 : i32
      %dma_wait3A_164 = tpu.memref_slice %arg7[%add3A_73, %dma_wait3A_163] : memref<10240x144xf32, #tpu.memory_space<vmem_shared>> -> memref<32x144xf32, #tpu.memory_space<vmem_shared>>
      %dma_wait3A_165 = arith.constant 0 : i32
      %dma_wait3A_166 = tpu.memref_slice %arg7[%add3A_73, %dma_wait3A_165] : memref<10240x144xf32, #tpu.memory_space<vmem_shared>> -> memref<32x144xf32, #tpu.memory_space<vmem_shared>>
      tpu.wait_dma2 semaphore(%run_scoped3A : memref<!tpu.dma_semaphore, #tpu.memory_space<semaphore_mem>>) src(%arg18 : memref<32x144xf32, #tpu.memory_space<vmem>>) dst(%dma_wait3A_166 : memref<32x144xf32, #tpu.memory_space<vmem_shared>>)
      tpu.yield
    }) : () -> ()
    %mul3A_74 = arith.constant 640 : i32
    %mul3A_75 = arith.muli %arg1, %mul3A_74 : i32
    %add3A_76 = arith.constant 544 : i32
    %add3A_77 = arith.addi %mul3A_75, %add3A_76 : i32
    "tpu.region"() ({
      %run_scoped3A = tpu.sem_alloc : memref<!tpu.dma_semaphore, #tpu.memory_space<semaphore_mem>>
      %dma_start3A_159 = arith.constant 0 : i32
      %dma_start3A_160 = tpu.memref_slice %arg7[%add3A_77, %dma_start3A_159] : memref<10240x144xf32, #tpu.memory_space<vmem_shared>> -> memref<32x144xf32, #tpu.memory_space<vmem_shared>>
      %dma_start3A_161 = arith.constant 0 : i32
      %dma_start3A_162 = tpu.memref_slice %arg7[%add3A_77, %dma_start3A_161] : memref<10240x144xf32, #tpu.memory_space<vmem_shared>> -> memref<32x144xf32, #tpu.memory_space<vmem_shared>>
      tpu.enqueue_dma source(%arg18 : memref<32x144xf32, #tpu.memory_space<vmem>>) target(%dma_start3A_162 : memref<32x144xf32, #tpu.memory_space<vmem_shared>>) target_semaphore(%run_scoped3A : memref<!tpu.dma_semaphore, #tpu.memory_space<semaphore_mem>>)
      %dma_wait3A_163 = arith.constant 0 : i32
      %dma_wait3A_164 = tpu.memref_slice %arg7[%add3A_77, %dma_wait3A_163] : memref<10240x144xf32, #tpu.memory_space<vmem_shared>> -> memref<32x144xf32, #tpu.memory_space<vmem_shared>>
      %dma_wait3A_165 = arith.constant 0 : i32
      %dma_wait3A_166 = tpu.memref_slice %arg7[%add3A_77, %dma_wait3A_165] : memref<10240x144xf32, #tpu.memory_space<vmem_shared>> -> memref<32x144xf32, #tpu.memory_space<vmem_shared>>
      tpu.wait_dma2 semaphore(%run_scoped3A : memref<!tpu.dma_semaphore, #tpu.memory_space<semaphore_mem>>) src(%arg18 : memref<32x144xf32, #tpu.memory_space<vmem>>) dst(%dma_wait3A_166 : memref<32x144xf32, #tpu.memory_space<vmem_shared>>)
      tpu.yield
    }) : () -> ()
    %mul3A_78 = arith.constant 640 : i32
    %mul3A_79 = arith.muli %arg1, %mul3A_78 : i32
    %add3A_80 = arith.constant 576 : i32
    %add3A_81 = arith.addi %mul3A_79, %add3A_80 : i32
    "tpu.region"() ({
      %run_scoped3A = tpu.sem_alloc : memref<!tpu.dma_semaphore, #tpu.memory_space<semaphore_mem>>
      %dma_start3A_159 = arith.constant 0 : i32
      %dma_start3A_160 = tpu.memref_slice %arg7[%add3A_81, %dma_start3A_159] : memref<10240x144xf32, #tpu.memory_space<vmem_shared>> -> memref<32x144xf32, #tpu.memory_space<vmem_shared>>
      %dma_start3A_161 = arith.constant 0 : i32
      %dma_start3A_162 = tpu.memref_slice %arg7[%add3A_81, %dma_start3A_161] : memref<10240x144xf32, #tpu.memory_space<vmem_shared>> -> memref<32x144xf32, #tpu.memory_space<vmem_shared>>
      tpu.enqueue_dma source(%arg18 : memref<32x144xf32, #tpu.memory_space<vmem>>) target(%dma_start3A_162 : memref<32x144xf32, #tpu.memory_space<vmem_shared>>) target_semaphore(%run_scoped3A : memref<!tpu.dma_semaphore, #tpu.memory_space<semaphore_mem>>)
      %dma_wait3A_163 = arith.constant 0 : i32
      %dma_wait3A_164 = tpu.memref_slice %arg7[%add3A_81, %dma_wait3A_163] : memref<10240x144xf32, #tpu.memory_space<vmem_shared>> -> memref<32x144xf32, #tpu.memory_space<vmem_shared>>
      %dma_wait3A_165 = arith.constant 0 : i32
      %dma_wait3A_166 = tpu.memref_slice %arg7[%add3A_81, %dma_wait3A_165] : memref<10240x144xf32, #tpu.memory_space<vmem_shared>> -> memref<32x144xf32, #tpu.memory_space<vmem_shared>>
      tpu.wait_dma2 semaphore(%run_scoped3A : memref<!tpu.dma_semaphore, #tpu.memory_space<semaphore_mem>>) src(%arg18 : memref<32x144xf32, #tpu.memory_space<vmem>>) dst(%dma_wait3A_166 : memref<32x144xf32, #tpu.memory_space<vmem_shared>>)
      tpu.yield
    }) : () -> ()
    %mul3A_82 = arith.constant 640 : i32
    %mul3A_83 = arith.muli %arg1, %mul3A_82 : i32
    %add3A_84 = arith.constant 608 : i32
    %add3A_85 = arith.addi %mul3A_83, %add3A_84 : i32
    "tpu.region"() ({
      %run_scoped3A = tpu.sem_alloc : memref<!tpu.dma_semaphore, #tpu.memory_space<semaphore_mem>>
      %dma_start3A_159 = arith.constant 0 : i32
      %dma_start3A_160 = tpu.memref_slice %arg7[%add3A_85, %dma_start3A_159] : memref<10240x144xf32, #tpu.memory_space<vmem_shared>> -> memref<32x144xf32, #tpu.memory_space<vmem_shared>>
      %dma_start3A_161 = arith.constant 0 : i32
      %dma_start3A_162 = tpu.memref_slice %arg7[%add3A_85, %dma_start3A_161] : memref<10240x144xf32, #tpu.memory_space<vmem_shared>> -> memref<32x144xf32, #tpu.memory_space<vmem_shared>>
      tpu.enqueue_dma source(%arg18 : memref<32x144xf32, #tpu.memory_space<vmem>>) target(%dma_start3A_162 : memref<32x144xf32, #tpu.memory_space<vmem_shared>>) target_semaphore(%run_scoped3A : memref<!tpu.dma_semaphore, #tpu.memory_space<semaphore_mem>>)
      %dma_wait3A_163 = arith.constant 0 : i32
      %dma_wait3A_164 = tpu.memref_slice %arg7[%add3A_85, %dma_wait3A_163] : memref<10240x144xf32, #tpu.memory_space<vmem_shared>> -> memref<32x144xf32, #tpu.memory_space<vmem_shared>>
      %dma_wait3A_165 = arith.constant 0 : i32
      %dma_wait3A_166 = tpu.memref_slice %arg7[%add3A_85, %dma_wait3A_165] : memref<10240x144xf32, #tpu.memory_space<vmem_shared>> -> memref<32x144xf32, #tpu.memory_space<vmem_shared>>
      tpu.wait_dma2 semaphore(%run_scoped3A : memref<!tpu.dma_semaphore, #tpu.memory_space<semaphore_mem>>) src(%arg18 : memref<32x144xf32, #tpu.memory_space<vmem>>) dst(%dma_wait3A_166 : memref<32x144xf32, #tpu.memory_space<vmem_shared>>)
      tpu.yield
    }) : () -> ()
    %barrier3A = arith.constant 0 : index
    tpu.barrier barrier_id(%barrier3A)
    %iota3A = tpu.iota {dimensions = array<i32: 0>} : vector<16xi32>
    %broadcast_in_dim3A = arith.constant 15 : i32
    %broadcast_in_dim3A_86 = vector.broadcast %broadcast_in_dim3A : i32 to vector<16xi32>
    %eq3A = arith.constant 0 : i32
    %eq3A_87 = vector.broadcast %eq3A : i32 to vector<16xi32>
    %eq3A_88 = arith.cmpi eq, %iota3A, %eq3A_87 : vector<16xi32>
    %eq3A_89 = arith.constant 1 : i32
    %eq3A_90 = vector.broadcast %eq3A_89 : i32 to vector<16xi32>
    %eq3A_91 = arith.cmpi eq, %iota3A, %eq3A_90 : vector<16xi32>
    %eq3A_92 = arith.constant 2 : i32
    %eq3A_93 = vector.broadcast %eq3A_92 : i32 to vector<16xi32>
    %eq3A_94 = arith.cmpi eq, %iota3A, %eq3A_93 : vector<16xi32>
    %eq3A_95 = arith.constant 3 : i32
    %eq3A_96 = vector.broadcast %eq3A_95 : i32 to vector<16xi32>
    %eq3A_97 = arith.cmpi eq, %iota3A, %eq3A_96 : vector<16xi32>
    %eq3A_98 = arith.constant 4 : i32
    %eq3A_99 = vector.broadcast %eq3A_98 : i32 to vector<16xi32>
    %eq3A_100 = arith.cmpi eq, %iota3A, %eq3A_99 : vector<16xi32>
    %eq3A_101 = arith.constant 5 : i32
    %eq3A_102 = vector.broadcast %eq3A_101 : i32 to vector<16xi32>
    %eq3A_103 = arith.cmpi eq, %iota3A, %eq3A_102 : vector<16xi32>
    %eq3A_104 = arith.constant 6 : i32
    %eq3A_105 = vector.broadcast %eq3A_104 : i32 to vector<16xi32>
    %eq3A_106 = arith.cmpi eq, %iota3A, %eq3A_105 : vector<16xi32>
    %eq3A_107 = arith.constant 7 : i32
    %eq3A_108 = vector.broadcast %eq3A_107 : i32 to vector<16xi32>
    %eq3A_109 = arith.cmpi eq, %iota3A, %eq3A_108 : vector<16xi32>
    %mul3A_110 = arith.constant 10112 : i32
    %mul3A_111 = arith.muli %add3A, %mul3A_110 : i32
    %mul3A_112 = arith.constant 0 : i32
    %mul3A_113 = arith.constant 32 : i32
    %mul3A_114 = arith.muli %mul3A_112, %mul3A_113 : i32
    %add3A_115 = arith.addi %mul3A_111, %mul3A_114 : i32
    %dma_start3A = tpu.memref_slice %arg4[%add3A_115] : memref<323584xi32, #tpu.memory_space<hbm>> -> memref<32xi32, #tpu.memory_space<hbm>>
    %dma_start3A_116 = tpu.memref_slice %arg4[%add3A_115] : memref<323584xi32, #tpu.memory_space<hbm>> -> memref<32xi32, #tpu.memory_space<hbm>>
    tpu.enqueue_dma source(%dma_start3A_116 : memref<32xi32, #tpu.memory_space<hbm>>) target(%arg8 : memref<32xi32, #tpu.memory_space<vmem>>) target_semaphore(%arg20 : memref<!tpu.dma_semaphore, #tpu.memory_space<semaphore_mem>>)
    %dma_start3A_117 = tpu.memref_slice %arg5[%add3A_115] : memref<323584xi32, #tpu.memory_space<hbm>> -> memref<32xi32, #tpu.memory_space<hbm>>
    %dma_start3A_118 = tpu.memref_slice %arg5[%add3A_115] : memref<323584xi32, #tpu.memory_space<hbm>> -> memref<32xi32, #tpu.memory_space<hbm>>
    tpu.enqueue_dma source(%dma_start3A_118 : memref<32xi32, #tpu.memory_space<hbm>>) target(%arg10 : memref<32xi32, #tpu.memory_space<vmem>>) target_semaphore(%arg20 : memref<!tpu.dma_semaphore, #tpu.memory_space<semaphore_mem>>)
    %mul3A_119 = arith.constant 10112 : i32
    %mul3A_120 = arith.muli %add3A, %mul3A_119 : i32
    %mul3A_121 = arith.constant 1 : i32
    %mul3A_122 = arith.constant 32 : i32
    %mul3A_123 = arith.muli %mul3A_121, %mul3A_122 : i32
    %add3A_124 = arith.addi %mul3A_120, %mul3A_123 : i32
    %dma_start3A_125 = tpu.memref_slice %arg4[%add3A_124] : memref<323584xi32, #tpu.memory_space<hbm>> -> memref<32xi32, #tpu.memory_space<hbm>>
    %dma_start3A_126 = tpu.memref_slice %arg4[%add3A_124] : memref<323584xi32, #tpu.memory_space<hbm>> -> memref<32xi32, #tpu.memory_space<hbm>>
    tpu.enqueue_dma source(%dma_start3A_126 : memref<32xi32, #tpu.memory_space<hbm>>) target(%arg9 : memref<32xi32, #tpu.memory_space<vmem>>) target_semaphore(%arg21 : memref<!tpu.dma_semaphore, #tpu.memory_space<semaphore_mem>>)
    %dma_start3A_127 = tpu.memref_slice %arg5[%add3A_124] : memref<323584xi32, #tpu.memory_space<hbm>> -> memref<32xi32, #tpu.memory_space<hbm>>
    %dma_start3A_128 = tpu.memref_slice %arg5[%add3A_124] : memref<323584xi32, #tpu.memory_space<hbm>> -> memref<32xi32, #tpu.memory_space<hbm>>
    tpu.enqueue_dma source(%dma_start3A_128 : memref<32xi32, #tpu.memory_space<hbm>>) target(%arg11 : memref<32xi32, #tpu.memory_space<vmem>>) target_semaphore(%arg21 : memref<!tpu.dma_semaphore, #tpu.memory_space<semaphore_mem>>)
    %dma_wait3A = arith.constant 0 : i32
    %dma_wait3A_129 = tpu.memref_slice %arg4[%dma_wait3A] : memref<323584xi32, #tpu.memory_space<hbm>> -> memref<32xi32, #tpu.memory_space<hbm>>
    %dma_wait3A_130 = arith.constant 0 : i32
    %dma_wait3A_131 = tpu.memref_slice %arg4[%dma_wait3A_130] : memref<323584xi32, #tpu.memory_space<hbm>> -> memref<32xi32, #tpu.memory_space<hbm>>
    tpu.wait_dma2 semaphore(%arg20 : memref<!tpu.dma_semaphore, #tpu.memory_space<semaphore_mem>>) src(%dma_wait3A_131 : memref<32xi32, #tpu.memory_space<hbm>>) dst(%arg8 : memref<32xi32, #tpu.memory_space<vmem>>)
    %dma_wait3A_132 = arith.constant 0 : i32
    %dma_wait3A_133 = tpu.memref_slice %arg5[%dma_wait3A_132] : memref<323584xi32, #tpu.memory_space<hbm>> -> memref<32xi32, #tpu.memory_space<hbm>>
    %dma_wait3A_134 = arith.constant 0 : i32
    %dma_wait3A_135 = tpu.memref_slice %arg5[%dma_wait3A_134] : memref<323584xi32, #tpu.memory_space<hbm>> -> memref<32xi32, #tpu.memory_space<hbm>>
    tpu.wait_dma2 semaphore(%arg20 : memref<!tpu.dma_semaphore, #tpu.memory_space<semaphore_mem>>) src(%dma_wait3A_135 : memref<32xi32, #tpu.memory_space<hbm>>) dst(%arg10 : memref<32xi32, #tpu.memory_space<vmem>>)
    %dma_start3A_136 = arith.constant 0 : i32
    %dma_start3A_137 = arith.constant 0 : i32
    %dma_start3A_138 = tpu.memref_slice %arg3[%dma_start3A_136, %dma_start3A_137] : memref<10000x256xf32, #tpu.memory_space<hbm>> -> memref<10000x256xf32, #tpu.memory_space<hbm>>
    tpu.enqueue_indirect_dma source(%dma_start3A_138 : memref<10000x256xf32, #tpu.memory_space<hbm>>) target(%arg14 : memref<32x256xf32, #tpu.memory_space<vmem>>) offsets(%arg8 : memref<32xi32, #tpu.memory_space<vmem>>) semaphore(%arg22 : memref<!tpu.dma_semaphore, #tpu.memory_space<semaphore_mem>>)
    %dma_start3A_139 = arith.constant 0 : i32
    %dma_start3A_140 = arith.constant 0 : i32
    %dma_start3A_141 = tpu.memref_slice %arg2[%dma_start3A_139, %dma_start3A_140] : memref<10000x128xf32, #tpu.memory_space<hbm>> -> memref<10000x128xf32, #tpu.memory_space<hbm>>
    tpu.enqueue_indirect_dma source(%dma_start3A_141 : memref<10000x128xf32, #tpu.memory_space<hbm>>) target(%arg16 : memref<32x128xf32, #tpu.memory_space<vmem>>) offsets(%arg10 : memref<32xi32, #tpu.memory_space<vmem>>) semaphore(%arg24 : memref<!tpu.dma_semaphore, #tpu.memory_space<semaphore_mem>>)
    %scan3A_142 = arith.constant 0 : i32
    %scan3A_143 = arith.constant 0 : i32
    %scan3A_144 = arith.constant 158 : i32
    %scan3A_145 = arith.addi %scan3A_143, %scan3A_144 : i32
    %scan3A_146 = arith.constant 1 : i32
    scf.for %scan3A_159 = %scan3A_143 to %scan3A_145 step %scan3A_146  : i32 {
      %mul3A_160 = arith.constant 2 : i32
      %mul3A_161 = arith.muli %mul3A_160, %scan3A_159 : i32
      %add3A_162 = arith.constant 0 : i32
      %add3A_163 = arith.addi %mul3A_161, %add3A_162 : i32
      %dma_wait3A_164 = arith.constant 0 : i32
      %dma_wait3A_165 = arith.constant 0 : i32
      %dma_wait3A_166 = tpu.memref_slice %arg3[%dma_wait3A_164, %dma_wait3A_165] : memref<10000x256xf32, #tpu.memory_space<hbm>> -> memref<10000x256xf32, #tpu.memory_space<hbm>>
      tpu.wait_indirect_dma semaphore(%arg22 : memref<!tpu.dma_semaphore, #tpu.memory_space<semaphore_mem>>) src(%dma_wait3A_166 : memref<10000x256xf32, #tpu.memory_space<hbm>>) dst(%arg14 : memref<32x256xf32, #tpu.memory_space<vmem>>)
      %dma_wait3A_167 = arith.constant 0 : i32
      %dma_wait3A_168 = arith.constant 0 : i32
      %dma_wait3A_169 = tpu.memref_slice %arg2[%dma_wait3A_167, %dma_wait3A_168] : memref<10000x128xf32, #tpu.memory_space<hbm>> -> memref<10000x128xf32, #tpu.memory_space<hbm>>
      tpu.wait_indirect_dma semaphore(%arg24 : memref<!tpu.dma_semaphore, #tpu.memory_space<semaphore_mem>>) src(%dma_wait3A_169 : memref<10000x128xf32, #tpu.memory_space<hbm>>) dst(%arg16 : memref<32x128xf32, #tpu.memory_space<vmem>>)
      %gt3A = arith.constant 0 : i32
      %gt3A_170 = arith.cmpi sgt, %scan3A_159, %gt3A : i32
      %convert_element_type3A = arith.extui %gt3A_170 : i1 to i32
      %cond3A = arith.constant 0 : i32
      %cond3A_171 = arith.cmpi ne, %convert_element_type3A, %cond3A : i32
      scf.if %cond3A_171 {
        %dma_wait3A_247 = arith.constant 0 : i32
        %dma_wait3A_248 = arith.constant 0 : i32
        %dma_wait3A_249 = tpu.memref_slice %arg7[%dma_wait3A_247, %dma_wait3A_248] : memref<10240x144xf32, #tpu.memory_space<vmem_shared>> -> memref<10240x144xf32, #tpu.memory_space<vmem_shared>>
        tpu.wait_indirect_dma semaphore(%arg26 : memref<!tpu.dma_semaphore, #tpu.memory_space<semaphore_mem>>) src(%arg18 : memref<32x144xf32, #tpu.memory_space<vmem>>) dst(%dma_wait3A_249 : memref<10240x144xf32, #tpu.memory_space<vmem_shared>>)
      } else {
      }
      %get3A = arith.constant 0 : index
      %get3A_172 = tpu.vector_load %arg10[%get3A] {strides = array<i32>} : memref<32xi32, #tpu.memory_space<vmem>>, vector<16xi32>,
      %swap3A = arith.constant 0 : index
      %swap3A_173 = tpu.vector_load %arg12[%swap3A] {strides = array<i32>} : memref<32xi32, #tpu.memory_space<vmem>>, vector<16xi32>,
      tpu.vector_store %arg12[%swap3A], %get3A_172 {strides = array<i32>} : memref<32xi32, #tpu.memory_space<vmem>>, vector<16xi32>,
      %get3A_174 = arith.constant 16 : index
      %get3A_175 = tpu.vector_load %arg10[%get3A_174] {strides = array<i32>} : memref<32xi32, #tpu.memory_space<vmem>>, vector<16xi32>,
      %swap3A_176 = arith.constant 16 : index
      %swap3A_177 = tpu.vector_load %arg12[%swap3A_176] {strides = array<i32>} : memref<32xi32, #tpu.memory_space<vmem>>, vector<16xi32>,
      tpu.vector_store %arg12[%swap3A_176], %get3A_175 {strides = array<i32>} : memref<32xi32, #tpu.memory_space<vmem>>, vector<16xi32>,
      %lt3A = arith.constant 157 : i32
      %lt3A_178 = arith.cmpi slt, %scan3A_159, %lt3A : i32
      %convert_element_type3A_179 = arith.extui %lt3A_178 : i1 to i32
      %cond3A_180 = arith.constant 0 : i32
      %cond3A_181 = arith.cmpi ne, %convert_element_type3A_179, %cond3A_180 : i32
      scf.if %cond3A_181 {
        %add3A_247 = arith.constant 2 : i32
        %add3A_248 = arith.addi %add3A_163, %add3A_247 : i32
        %mul3A_249 = arith.constant 10112 : i32
        %mul3A_250 = arith.muli %add3A, %mul3A_249 : i32
        %mul3A_251 = arith.constant 32 : i32
        %mul3A_252 = arith.muli %add3A_248, %mul3A_251 : i32
        %add3A_253 = arith.addi %mul3A_250, %mul3A_252 : i32
        %dma_start3A_254 = tpu.memref_slice %arg4[%add3A_253] : memref<323584xi32, #tpu.memory_space<hbm>> -> memref<32xi32, #tpu.memory_space<hbm>>
        %dma_start3A_255 = tpu.memref_slice %arg4[%add3A_253] : memref<323584xi32, #tpu.memory_space<hbm>> -> memref<32xi32, #tpu.memory_space<hbm>>
        tpu.enqueue_dma source(%dma_start3A_255 : memref<32xi32, #tpu.memory_space<hbm>>) target(%arg8 : memref<32xi32, #tpu.memory_space<vmem>>) target_semaphore(%arg20 : memref<!tpu.dma_semaphore, #tpu.memory_space<semaphore_mem>>)
        %dma_start3A_256 = tpu.memref_slice %arg5[%add3A_253] : memref<323584xi32, #tpu.memory_space<hbm>> -> memref<32xi32, #tpu.memory_space<hbm>>
        %dma_start3A_257 = tpu.memref_slice %arg5[%add3A_253] : memref<323584xi32, #tpu.memory_space<hbm>> -> memref<32xi32, #tpu.memory_space<hbm>>
        tpu.enqueue_dma source(%dma_start3A_257 : memref<32xi32, #tpu.memory_space<hbm>>) target(%arg10 : memref<32xi32, #tpu.memory_space<vmem>>) target_semaphore(%arg20 : memref<!tpu.dma_semaphore, #tpu.memory_space<semaphore_mem>>)
      } else {
      }
      %dma_wait3A_182 = arith.constant 0 : i32
      %dma_wait3A_183 = tpu.memref_slice %arg4[%dma_wait3A_182] : memref<323584xi32, #tpu.memory_space<hbm>> -> memref<32xi32, #tpu.memory_space<hbm>>
      %dma_wait3A_184 = arith.constant 0 : i32
      %dma_wait3A_185 = tpu.memref_slice %arg4[%dma_wait3A_184] : memref<323584xi32, #tpu.memory_space<hbm>> -> memref<32xi32, #tpu.memory_space<hbm>>
      tpu.wait_dma2 semaphore(%arg21 : memref<!tpu.dma_semaphore, #tpu.memory_space<semaphore_mem>>) src(%dma_wait3A_185 : memref<32xi32, #tpu.memory_space<hbm>>) dst(%arg9 : memref<32xi32, #tpu.memory_space<vmem>>)
      %dma_wait3A_186 = arith.constant 0 : i32
      %dma_wait3A_187 = tpu.memref_slice %arg5[%dma_wait3A_186] : memref<323584xi32, #tpu.memory_space<hbm>> -> memref<32xi32, #tpu.memory_space<hbm>>
      %dma_wait3A_188 = arith.constant 0 : i32
      %dma_wait3A_189 = tpu.memref_slice %arg5[%dma_wait3A_188] : memref<323584xi32, #tpu.memory_space<hbm>> -> memref<32xi32, #tpu.memory_space<hbm>>
      tpu.wait_dma2 semaphore(%arg21 : memref<!tpu.dma_semaphore, #tpu.memory_space<semaphore_mem>>) src(%dma_wait3A_189 : memref<32xi32, #tpu.memory_space<hbm>>) dst(%arg11 : memref<32xi32, #tpu.memory_space<vmem>>)
      %dma_start3A_190 = arith.constant 0 : i32
      %dma_start3A_191 = arith.constant 0 : i32
      %dma_start3A_192 = tpu.memref_slice %arg3[%dma_start3A_190, %dma_start3A_191] : memref<10000x256xf32, #tpu.memory_space<hbm>> -> memref<10000x256xf32, #tpu.memory_space<hbm>>
      tpu.enqueue_indirect_dma source(%dma_start3A_192 : memref<10000x256xf32, #tpu.memory_space<hbm>>) target(%arg15 : memref<32x256xf32, #tpu.memory_space<vmem>>) offsets(%arg9 : memref<32xi32, #tpu.memory_space<vmem>>) semaphore(%arg23 : memref<!tpu.dma_semaphore, #tpu.memory_space<semaphore_mem>>)
      %dma_start3A_193 = arith.constant 0 : i32
      %dma_start3A_194 = arith.constant 0 : i32
      %dma_start3A_195 = tpu.memref_slice %arg2[%dma_start3A_193, %dma_start3A_194] : memref<10000x128xf32, #tpu.memory_space<hbm>> -> memref<10000x128xf32, #tpu.memory_space<hbm>>
      tpu.enqueue_indirect_dma source(%dma_start3A_195 : memref<10000x128xf32, #tpu.memory_space<hbm>>) target(%arg17 : memref<32x128xf32, #tpu.memory_space<vmem>>) offsets(%arg11 : memref<32xi32, #tpu.memory_space<vmem>>) semaphore(%arg25 : memref<!tpu.dma_semaphore, #tpu.memory_space<semaphore_mem>>)
      %scan3A_196 = arith.constant 0 : i32
      %scan3A_197 = arith.constant 0 : i32
      %scan3A_198 = arith.constant 16 : i32
      %scan3A_199 = arith.addi %scan3A_197, %scan3A_198 : i32
      %scan3A_200 = arith.constant 1 : i32
      scf.for %scan3A_247 = %scan3A_197 to %scan3A_199 step %scan3A_200  : i32 {
        %mul3A_248 = arith.constant 2 : i32
        %mul3A_249 = arith.muli %scan3A_247, %mul3A_248 : i32
        %add3A_250 = arith.constant 1 : i32
        %add3A_251 = arith.addi %mul3A_249, %add3A_250 : i32
        %broadcast_in_dim3A_252 = arith.constant 0.000000e+00 : f32
        %broadcast_in_dim3A_253 = vector.broadcast %broadcast_in_dim3A_252 : f32 to vector<16xf32>
        %broadcast_in_dim3A_254 = arith.constant 0.000000e+00 : f32
        %broadcast_in_dim3A_255 = vector.broadcast %broadcast_in_dim3A_254 : f32 to vector<16xf32>
        %get3A_256 = arith.index_cast %mul3A_249 : i32 to index
        %get3A_257 = arith.constant 0 : index
        %get3A_258 = tpu.vector_load %arg14[%get3A_256, %get3A_257] {strides = array<i32>} : memref<32x256xf32, #tpu.memory_space<vmem>>, vector<16xf32>,
        %get3A_259 = arith.index_cast %mul3A_249 : i32 to index
        %get3A_260 = arith.constant 0 : index
        %get3A_261 = tpu.vector_load %arg16[%get3A_259, %get3A_260] {strides = array<i32>} : memref<32x128xf32, #tpu.memory_space<vmem>>, vector<16xf32>,
        %get3A_262 = arith.index_cast %add3A_251 : i32 to index
        %get3A_263 = arith.constant 0 : index
        %get3A_264 = tpu.vector_load %arg14[%get3A_262, %get3A_263] {strides = array<i32>} : memref<32x256xf32, #tpu.memory_space<vmem>>, vector<16xf32>,
        %get3A_265 = arith.index_cast %add3A_251 : i32 to index
        %get3A_266 = arith.constant 0 : index
        %get3A_267 = tpu.vector_load %arg16[%get3A_265, %get3A_266] {strides = array<i32>} : memref<32x128xf32, #tpu.memory_space<vmem>>, vector<16xf32>,
        %mul3A_268 = arith.mulf %get3A_258, %get3A_261 : vector<16xf32>
        %cumsum3A = arith.constant true
        %cumsum3A_269 = vector.broadcast %cumsum3A : i1 to vector<16xi1>
        %cumsum3A_270 = tpu.scan <sum>, %mul3A_268 masked %cumsum3A_269 : vector<16xf32>, vector<16xi1> -> vector<16xf32>
        %lt3A_271 = arith.constant 0 : i32
        %lt3A_272 = vector.broadcast %lt3A_271 : i32 to vector<16xi32>
        %lt3A_273 = arith.cmpi slt, %broadcast_in_dim3A_86, %lt3A_272 : vector<16xi32>
        %add3A_274 = arith.constant 16 : i32
        %add3A_275 = vector.broadcast %add3A_274 : i32 to vector<16xi32>
        %add3A_276 = arith.addi %broadcast_in_dim3A_86, %add3A_275 : vector<16xi32>
        %select_n3A = arith.select %lt3A_273, %add3A_276, %broadcast_in_dim3A_86 : vector<16xi1>, vector<16xi32>
        %broadcast_in_dim3A_277 = vector.shape_cast %select_n3A : vector<16xi32> to vector<16x1xi32>
        %gather3A = vector.shape_cast %broadcast_in_dim3A_277 : vector<16x1xi32> to vector<16xi32>
        %gather3A_278 = tpu.dynamic_gather %cumsum3A_270[%gather3A] in [0] : vector<16xf32>, vector<16xi32> -> vector<16xf32>
        %mul3A_279 = arith.mulf %get3A_264, %get3A_267 : vector<16xf32>
        %cumsum3A_280 = arith.constant true
        %cumsum3A_281 = vector.broadcast %cumsum3A_280 : i1 to vector<16xi1>
        %cumsum3A_282 = tpu.scan <sum>, %mul3A_279 masked %cumsum3A_281 : vector<16xf32>, vector<16xi1> -> vector<16xf32>
        %lt3A_283 = arith.constant 0 : i32
        %lt3A_284 = vector.broadcast %lt3A_283 : i32 to vector<16xi32>
        %lt3A_285 = arith.cmpi slt, %broadcast_in_dim3A_86, %lt3A_284 : vector<16xi32>
        %add3A_286 = arith.constant 16 : i32
        %add3A_287 = vector.broadcast %add3A_286 : i32 to vector<16xi32>
        %add3A_288 = arith.addi %broadcast_in_dim3A_86, %add3A_287 : vector<16xi32>
        %select_n3A_289 = arith.select %lt3A_285, %add3A_288, %broadcast_in_dim3A_86 : vector<16xi1>, vector<16xi32>
        %broadcast_in_dim3A_290 = vector.shape_cast %select_n3A_289 : vector<16xi32> to vector<16x1xi32>
        %gather3A_291 = vector.shape_cast %broadcast_in_dim3A_290 : vector<16x1xi32> to vector<16xi32>
        %gather3A_292 = tpu.dynamic_gather %cumsum3A_282[%gather3A_291] in [0] : vector<16xf32>, vector<16xi32> -> vector<16xf32>
        %select_n3A_293 = arith.select %eq3A_88, %gather3A_278, %broadcast_in_dim3A_253 : vector<16xi1>, vector<16xf32>
        %select_n3A_294 = arith.select %eq3A_88, %gather3A_292, %broadcast_in_dim3A_255 : vector<16xi1>, vector<16xf32>
        %get3A_295 = arith.index_cast %mul3A_249 : i32 to index
        %get3A_296 = arith.constant 16 : index
        %get3A_297 = tpu.vector_load %arg14[%get3A_295, %get3A_296] {strides = array<i32>} : memref<32x256xf32, #tpu.memory_space<vmem>>, vector<16xf32>,
        %get3A_298 = arith.index_cast %mul3A_249 : i32 to index
        %get3A_299 = arith.constant 16 : index
        %get3A_300 = tpu.vector_load %arg16[%get3A_298, %get3A_299] {strides = array<i32>} : memref<32x128xf32, #tpu.memory_space<vmem>>, vector<16xf32>,
        %get3A_301 = arith.index_cast %add3A_251 : i32 to index
        %get3A_302 = arith.constant 16 : index
        %get3A_303 = tpu.vector_load %arg14[%get3A_301, %get3A_302] {strides = array<i32>} : memref<32x256xf32, #tpu.memory_space<vmem>>, vector<16xf32>,
        %get3A_304 = arith.index_cast %add3A_251 : i32 to index
        %get3A_305 = arith.constant 16 : index
        %get3A_306 = tpu.vector_load %arg16[%get3A_304, %get3A_305] {strides = array<i32>} : memref<32x128xf32, #tpu.memory_space<vmem>>, vector<16xf32>,
        %mul3A_307 = arith.mulf %get3A_297, %get3A_300 : vector<16xf32>
        %cumsum3A_308 = arith.constant true
        %cumsum3A_309 = vector.broadcast %cumsum3A_308 : i1 to vector<16xi1>
        %cumsum3A_310 = tpu.scan <sum>, %mul3A_307 masked %cumsum3A_309 : vector<16xf32>, vector<16xi1> -> vector<16xf32>
        %lt3A_311 = arith.constant 0 : i32
        %lt3A_312 = vector.broadcast %lt3A_311 : i32 to vector<16xi32>
        %lt3A_313 = arith.cmpi slt, %broadcast_in_dim3A_86, %lt3A_312 : vector<16xi32>
        %add3A_314 = arith.constant 16 : i32
        %add3A_315 = vector.broadcast %add3A_314 : i32 to vector<16xi32>
        %add3A_316 = arith.addi %broadcast_in_dim3A_86, %add3A_315 : vector<16xi32>
        %select_n3A_317 = arith.select %lt3A_313, %add3A_316, %broadcast_in_dim3A_86 : vector<16xi1>, vector<16xi32>
        %broadcast_in_dim3A_318 = vector.shape_cast %select_n3A_317 : vector<16xi32> to vector<16x1xi32>
        %gather3A_319 = vector.shape_cast %broadcast_in_dim3A_318 : vector<16x1xi32> to vector<16xi32>
        %gather3A_320 = tpu.dynamic_gather %cumsum3A_310[%gather3A_319] in [0] : vector<16xf32>, vector<16xi32> -> vector<16xf32>
        %mul3A_321 = arith.mulf %get3A_303, %get3A_306 : vector<16xf32>
        %cumsum3A_322 = arith.constant true
        %cumsum3A_323 = vector.broadcast %cumsum3A_322 : i1 to vector<16xi1>
        %cumsum3A_324 = tpu.scan <sum>, %mul3A_321 masked %cumsum3A_323 : vector<16xf32>, vector<16xi1> -> vector<16xf32>
        %lt3A_325 = arith.constant 0 : i32
        %lt3A_326 = vector.broadcast %lt3A_325 : i32 to vector<16xi32>
        %lt3A_327 = arith.cmpi slt, %broadcast_in_dim3A_86, %lt3A_326 : vector<16xi32>
        %add3A_328 = arith.constant 16 : i32
        %add3A_329 = vector.broadcast %add3A_328 : i32 to vector<16xi32>
        %add3A_330 = arith.addi %broadcast_in_dim3A_86, %add3A_329 : vector<16xi32>
        %select_n3A_331 = arith.select %lt3A_327, %add3A_330, %broadcast_in_dim3A_86 : vector<16xi1>, vector<16xi32>
        %broadcast_in_dim3A_332 = vector.shape_cast %select_n3A_331 : vector<16xi32> to vector<16x1xi32>
        %gather3A_333 = vector.shape_cast %broadcast_in_dim3A_332 : vector<16x1xi32> to vector<16xi32>
        %gather3A_334 = tpu.dynamic_gather %cumsum3A_324[%gather3A_333] in [0] : vector<16xf32>, vector<16xi32> -> vector<16xf32>
        %select_n3A_335 = arith.select %eq3A_91, %gather3A_320, %select_n3A_293 : vector<16xi1>, vector<16xf32>
        %select_n3A_336 = arith.select %eq3A_91, %gather3A_334, %select_n3A_294 : vector<16xi1>, vector<16xf32>
        %get3A_337 = arith.index_cast %mul3A_249 : i32 to index
        %get3A_338 = arith.constant 32 : index
        %get3A_339 = tpu.vector_load %arg14[%get3A_337, %get3A_338] {strides = array<i32>} : memref<32x256xf32, #tpu.memory_space<vmem>>, vector<16xf32>,
        %get3A_340 = arith.index_cast %mul3A_249 : i32 to index
        %get3A_341 = arith.constant 32 : index
        %get3A_342 = tpu.vector_load %arg16[%get3A_340, %get3A_341] {strides = array<i32>} : memref<32x128xf32, #tpu.memory_space<vmem>>, vector<16xf32>,
        %get3A_343 = arith.index_cast %add3A_251 : i32 to index
        %get3A_344 = arith.constant 32 : index
        %get3A_345 = tpu.vector_load %arg14[%get3A_343, %get3A_344] {strides = array<i32>} : memref<32x256xf32, #tpu.memory_space<vmem>>, vector<16xf32>,
        %get3A_346 = arith.index_cast %add3A_251 : i32 to index
        %get3A_347 = arith.constant 32 : index
        %get3A_348 = tpu.vector_load %arg16[%get3A_346, %get3A_347] {strides = array<i32>} : memref<32x128xf32, #tpu.memory_space<vmem>>, vector<16xf32>,
        %mul3A_349 = arith.mulf %get3A_339, %get3A_342 : vector<16xf32>
        %cumsum3A_350 = arith.constant true
        %cumsum3A_351 = vector.broadcast %cumsum3A_350 : i1 to vector<16xi1>
        %cumsum3A_352 = tpu.scan <sum>, %mul3A_349 masked %cumsum3A_351 : vector<16xf32>, vector<16xi1> -> vector<16xf32>
        %lt3A_353 = arith.constant 0 : i32
        %lt3A_354 = vector.broadcast %lt3A_353 : i32 to vector<16xi32>
        %lt3A_355 = arith.cmpi slt, %broadcast_in_dim3A_86, %lt3A_354 : vector<16xi32>
        %add3A_356 = arith.constant 16 : i32
        %add3A_357 = vector.broadcast %add3A_356 : i32 to vector<16xi32>
        %add3A_358 = arith.addi %broadcast_in_dim3A_86, %add3A_357 : vector<16xi32>
        %select_n3A_359 = arith.select %lt3A_355, %add3A_358, %broadcast_in_dim3A_86 : vector<16xi1>, vector<16xi32>
        %broadcast_in_dim3A_360 = vector.shape_cast %select_n3A_359 : vector<16xi32> to vector<16x1xi32>
        %gather3A_361 = vector.shape_cast %broadcast_in_dim3A_360 : vector<16x1xi32> to vector<16xi32>
        %gather3A_362 = tpu.dynamic_gather %cumsum3A_352[%gather3A_361] in [0] : vector<16xf32>, vector<16xi32> -> vector<16xf32>
        %mul3A_363 = arith.mulf %get3A_345, %get3A_348 : vector<16xf32>
        %cumsum3A_364 = arith.constant true
        %cumsum3A_365 = vector.broadcast %cumsum3A_364 : i1 to vector<16xi1>
        %cumsum3A_366 = tpu.scan <sum>, %mul3A_363 masked %cumsum3A_365 : vector<16xf32>, vector<16xi1> -> vector<16xf32>
        %lt3A_367 = arith.constant 0 : i32
        %lt3A_368 = vector.broadcast %lt3A_367 : i32 to vector<16xi32>
        %lt3A_369 = arith.cmpi slt, %broadcast_in_dim3A_86, %lt3A_368 : vector<16xi32>
        %add3A_370 = arith.constant 16 : i32
        %add3A_371 = vector.broadcast %add3A_370 : i32 to vector<16xi32>
        %add3A_372 = arith.addi %broadcast_in_dim3A_86, %add3A_371 : vector<16xi32>
        %select_n3A_373 = arith.select %lt3A_369, %add3A_372, %broadcast_in_dim3A_86 : vector<16xi1>, vector<16xi32>
        %broadcast_in_dim3A_374 = vector.shape_cast %select_n3A_373 : vector<16xi32> to vector<16x1xi32>
        %gather3A_375 = vector.shape_cast %broadcast_in_dim3A_374 : vector<16x1xi32> to vector<16xi32>
        %gather3A_376 = tpu.dynamic_gather %cumsum3A_366[%gather3A_375] in [0] : vector<16xf32>, vector<16xi32> -> vector<16xf32>
        %select_n3A_377 = arith.select %eq3A_94, %gather3A_362, %select_n3A_335 : vector<16xi1>, vector<16xf32>
        %select_n3A_378 = arith.select %eq3A_94, %gather3A_376, %select_n3A_336 : vector<16xi1>, vector<16xf32>
        %get3A_379 = arith.index_cast %mul3A_249 : i32 to index
        %get3A_380 = arith.constant 48 : index
        %get3A_381 = tpu.vector_load %arg14[%get3A_379, %get3A_380] {strides = array<i32>} : memref<32x256xf32, #tpu.memory_space<vmem>>, vector<16xf32>,
        %get3A_382 = arith.index_cast %mul3A_249 : i32 to index
        %get3A_383 = arith.constant 48 : index
        %get3A_384 = tpu.vector_load %arg16[%get3A_382, %get3A_383] {strides = array<i32>} : memref<32x128xf32, #tpu.memory_space<vmem>>, vector<16xf32>,
        %get3A_385 = arith.index_cast %add3A_251 : i32 to index
        %get3A_386 = arith.constant 48 : index
        %get3A_387 = tpu.vector_load %arg14[%get3A_385, %get3A_386] {strides = array<i32>} : memref<32x256xf32, #tpu.memory_space<vmem>>, vector<16xf32>,
        %get3A_388 = arith.index_cast %add3A_251 : i32 to index
        %get3A_389 = arith.constant 48 : index
        %get3A_390 = tpu.vector_load %arg16[%get3A_388, %get3A_389] {strides = array<i32>} : memref<32x128xf32, #tpu.memory_space<vmem>>, vector<16xf32>,
        %mul3A_391 = arith.mulf %get3A_381, %get3A_384 : vector<16xf32>
        %cumsum3A_392 = arith.constant true
        %cumsum3A_393 = vector.broadcast %cumsum3A_392 : i1 to vector<16xi1>
        %cumsum3A_394 = tpu.scan <sum>, %mul3A_391 masked %cumsum3A_393 : vector<16xf32>, vector<16xi1> -> vector<16xf32>
        %lt3A_395 = arith.constant 0 : i32
        %lt3A_396 = vector.broadcast %lt3A_395 : i32 to vector<16xi32>
        %lt3A_397 = arith.cmpi slt, %broadcast_in_dim3A_86, %lt3A_396 : vector<16xi32>
        %add3A_398 = arith.constant 16 : i32
        %add3A_399 = vector.broadcast %add3A_398 : i32 to vector<16xi32>
        %add3A_400 = arith.addi %broadcast_in_dim3A_86, %add3A_399 : vector<16xi32>
        %select_n3A_401 = arith.select %lt3A_397, %add3A_400, %broadcast_in_dim3A_86 : vector<16xi1>, vector<16xi32>
        %broadcast_in_dim3A_402 = vector.shape_cast %select_n3A_401 : vector<16xi32> to vector<16x1xi32>
        %gather3A_403 = vector.shape_cast %broadcast_in_dim3A_402 : vector<16x1xi32> to vector<16xi32>
        %gather3A_404 = tpu.dynamic_gather %cumsum3A_394[%gather3A_403] in [0] : vector<16xf32>, vector<16xi32> -> vector<16xf32>
        %mul3A_405 = arith.mulf %get3A_387, %get3A_390 : vector<16xf32>
        %cumsum3A_406 = arith.constant true
        %cumsum3A_407 = vector.broadcast %cumsum3A_406 : i1 to vector<16xi1>
        %cumsum3A_408 = tpu.scan <sum>, %mul3A_405 masked %cumsum3A_407 : vector<16xf32>, vector<16xi1> -> vector<16xf32>
        %lt3A_409 = arith.constant 0 : i32
        %lt3A_410 = vector.broadcast %lt3A_409 : i32 to vector<16xi32>
        %lt3A_411 = arith.cmpi slt, %broadcast_in_dim3A_86, %lt3A_410 : vector<16xi32>
        %add3A_412 = arith.constant 16 : i32
        %add3A_413 = vector.broadcast %add3A_412 : i32 to vector<16xi32>
        %add3A_414 = arith.addi %broadcast_in_dim3A_86, %add3A_413 : vector<16xi32>
        %select_n3A_415 = arith.select %lt3A_411, %add3A_414, %broadcast_in_dim3A_86 : vector<16xi1>, vector<16xi32>
        %broadcast_in_dim3A_416 = vector.shape_cast %select_n3A_415 : vector<16xi32> to vector<16x1xi32>
        %gather3A_417 = vector.shape_cast %broadcast_in_dim3A_416 : vector<16x1xi32> to vector<16xi32>
        %gather3A_418 = tpu.dynamic_gather %cumsum3A_408[%gather3A_417] in [0] : vector<16xf32>, vector<16xi32> -> vector<16xf32>
        %select_n3A_419 = arith.select %eq3A_97, %gather3A_404, %select_n3A_377 : vector<16xi1>, vector<16xf32>
        %select_n3A_420 = arith.select %eq3A_97, %gather3A_418, %select_n3A_378 : vector<16xi1>, vector<16xf32>
        %get3A_421 = arith.index_cast %mul3A_249 : i32 to index
        %get3A_422 = arith.constant 64 : index
        %get3A_423 = tpu.vector_load %arg14[%get3A_421, %get3A_422] {strides = array<i32>} : memref<32x256xf32, #tpu.memory_space<vmem>>, vector<16xf32>,
        %get3A_424 = arith.index_cast %mul3A_249 : i32 to index
        %get3A_425 = arith.constant 64 : index
        %get3A_426 = tpu.vector_load %arg16[%get3A_424, %get3A_425] {strides = array<i32>} : memref<32x128xf32, #tpu.memory_space<vmem>>, vector<16xf32>,
        %get3A_427 = arith.index_cast %add3A_251 : i32 to index
        %get3A_428 = arith.constant 64 : index
        %get3A_429 = tpu.vector_load %arg14[%get3A_427, %get3A_428] {strides = array<i32>} : memref<32x256xf32, #tpu.memory_space<vmem>>, vector<16xf32>,
        %get3A_430 = arith.index_cast %add3A_251 : i32 to index
        %get3A_431 = arith.constant 64 : index
        %get3A_432 = tpu.vector_load %arg16[%get3A_430, %get3A_431] {strides = array<i32>} : memref<32x128xf32, #tpu.memory_space<vmem>>, vector<16xf32>,
        %mul3A_433 = arith.mulf %get3A_423, %get3A_426 : vector<16xf32>
        %cumsum3A_434 = arith.constant true
        %cumsum3A_435 = vector.broadcast %cumsum3A_434 : i1 to vector<16xi1>
        %cumsum3A_436 = tpu.scan <sum>, %mul3A_433 masked %cumsum3A_435 : vector<16xf32>, vector<16xi1> -> vector<16xf32>
        %lt3A_437 = arith.constant 0 : i32
        %lt3A_438 = vector.broadcast %lt3A_437 : i32 to vector<16xi32>
        %lt3A_439 = arith.cmpi slt, %broadcast_in_dim3A_86, %lt3A_438 : vector<16xi32>
        %add3A_440 = arith.constant 16 : i32
        %add3A_441 = vector.broadcast %add3A_440 : i32 to vector<16xi32>
        %add3A_442 = arith.addi %broadcast_in_dim3A_86, %add3A_441 : vector<16xi32>
        %select_n3A_443 = arith.select %lt3A_439, %add3A_442, %broadcast_in_dim3A_86 : vector<16xi1>, vector<16xi32>
        %broadcast_in_dim3A_444 = vector.shape_cast %select_n3A_443 : vector<16xi32> to vector<16x1xi32>
        %gather3A_445 = vector.shape_cast %broadcast_in_dim3A_444 : vector<16x1xi32> to vector<16xi32>
        %gather3A_446 = tpu.dynamic_gather %cumsum3A_436[%gather3A_445] in [0] : vector<16xf32>, vector<16xi32> -> vector<16xf32>
        %mul3A_447 = arith.mulf %get3A_429, %get3A_432 : vector<16xf32>
        %cumsum3A_448 = arith.constant true
        %cumsum3A_449 = vector.broadcast %cumsum3A_448 : i1 to vector<16xi1>
        %cumsum3A_450 = tpu.scan <sum>, %mul3A_447 masked %cumsum3A_449 : vector<16xf32>, vector<16xi1> -> vector<16xf32>
        %lt3A_451 = arith.constant 0 : i32
        %lt3A_452 = vector.broadcast %lt3A_451 : i32 to vector<16xi32>
        %lt3A_453 = arith.cmpi slt, %broadcast_in_dim3A_86, %lt3A_452 : vector<16xi32>
        %add3A_454 = arith.constant 16 : i32
        %add3A_455 = vector.broadcast %add3A_454 : i32 to vector<16xi32>
        %add3A_456 = arith.addi %broadcast_in_dim3A_86, %add3A_455 : vector<16xi32>
        %select_n3A_457 = arith.select %lt3A_453, %add3A_456, %broadcast_in_dim3A_86 : vector<16xi1>, vector<16xi32>
        %broadcast_in_dim3A_458 = vector.shape_cast %select_n3A_457 : vector<16xi32> to vector<16x1xi32>
        %gather3A_459 = vector.shape_cast %broadcast_in_dim3A_458 : vector<16x1xi32> to vector<16xi32>
        %gather3A_460 = tpu.dynamic_gather %cumsum3A_450[%gather3A_459] in [0] : vector<16xf32>, vector<16xi32> -> vector<16xf32>
        %select_n3A_461 = arith.select %eq3A_100, %gather3A_446, %select_n3A_419 : vector<16xi1>, vector<16xf32>
        %select_n3A_462 = arith.select %eq3A_100, %gather3A_460, %select_n3A_420 : vector<16xi1>, vector<16xf32>
        %get3A_463 = arith.index_cast %mul3A_249 : i32 to index
        %get3A_464 = arith.constant 80 : index
        %get3A_465 = tpu.vector_load %arg14[%get3A_463, %get3A_464] {strides = array<i32>} : memref<32x256xf32, #tpu.memory_space<vmem>>, vector<16xf32>,
        %get3A_466 = arith.index_cast %mul3A_249 : i32 to index
        %get3A_467 = arith.constant 80 : index
        %get3A_468 = tpu.vector_load %arg16[%get3A_466, %get3A_467] {strides = array<i32>} : memref<32x128xf32, #tpu.memory_space<vmem>>, vector<16xf32>,
        %get3A_469 = arith.index_cast %add3A_251 : i32 to index
        %get3A_470 = arith.constant 80 : index
        %get3A_471 = tpu.vector_load %arg14[%get3A_469, %get3A_470] {strides = array<i32>} : memref<32x256xf32, #tpu.memory_space<vmem>>, vector<16xf32>,
        %get3A_472 = arith.index_cast %add3A_251 : i32 to index
        %get3A_473 = arith.constant 80 : index
        %get3A_474 = tpu.vector_load %arg16[%get3A_472, %get3A_473] {strides = array<i32>} : memref<32x128xf32, #tpu.memory_space<vmem>>, vector<16xf32>,
        %mul3A_475 = arith.mulf %get3A_465, %get3A_468 : vector<16xf32>
        %cumsum3A_476 = arith.constant true
        %cumsum3A_477 = vector.broadcast %cumsum3A_476 : i1 to vector<16xi1>
        %cumsum3A_478 = tpu.scan <sum>, %mul3A_475 masked %cumsum3A_477 : vector<16xf32>, vector<16xi1> -> vector<16xf32>
        %lt3A_479 = arith.constant 0 : i32
        %lt3A_480 = vector.broadcast %lt3A_479 : i32 to vector<16xi32>
        %lt3A_481 = arith.cmpi slt, %broadcast_in_dim3A_86, %lt3A_480 : vector<16xi32>
        %add3A_482 = arith.constant 16 : i32
        %add3A_483 = vector.broadcast %add3A_482 : i32 to vector<16xi32>
        %add3A_484 = arith.addi %broadcast_in_dim3A_86, %add3A_483 : vector<16xi32>
        %select_n3A_485 = arith.select %lt3A_481, %add3A_484, %broadcast_in_dim3A_86 : vector<16xi1>, vector<16xi32>
        %broadcast_in_dim3A_486 = vector.shape_cast %select_n3A_485 : vector<16xi32> to vector<16x1xi32>
        %gather3A_487 = vector.shape_cast %broadcast_in_dim3A_486 : vector<16x1xi32> to vector<16xi32>
        %gather3A_488 = tpu.dynamic_gather %cumsum3A_478[%gather3A_487] in [0] : vector<16xf32>, vector<16xi32> -> vector<16xf32>
        %mul3A_489 = arith.mulf %get3A_471, %get3A_474 : vector<16xf32>
        %cumsum3A_490 = arith.constant true
        %cumsum3A_491 = vector.broadcast %cumsum3A_490 : i1 to vector<16xi1>
        %cumsum3A_492 = tpu.scan <sum>, %mul3A_489 masked %cumsum3A_491 : vector<16xf32>, vector<16xi1> -> vector<16xf32>
        %lt3A_493 = arith.constant 0 : i32
        %lt3A_494 = vector.broadcast %lt3A_493 : i32 to vector<16xi32>
        %lt3A_495 = arith.cmpi slt, %broadcast_in_dim3A_86, %lt3A_494 : vector<16xi32>
        %add3A_496 = arith.constant 16 : i32
        %add3A_497 = vector.broadcast %add3A_496 : i32 to vector<16xi32>
        %add3A_498 = arith.addi %broadcast_in_dim3A_86, %add3A_497 : vector<16xi32>
        %select_n3A_499 = arith.select %lt3A_495, %add3A_498, %broadcast_in_dim3A_86 : vector<16xi1>, vector<16xi32>
        %broadcast_in_dim3A_500 = vector.shape_cast %select_n3A_499 : vector<16xi32> to vector<16x1xi32>
        %gather3A_501 = vector.shape_cast %broadcast_in_dim3A_500 : vector<16x1xi32> to vector<16xi32>
        %gather3A_502 = tpu.dynamic_gather %cumsum3A_492[%gather3A_501] in [0] : vector<16xf32>, vector<16xi32> -> vector<16xf32>
        %select_n3A_503 = arith.select %eq3A_103, %gather3A_488, %select_n3A_461 : vector<16xi1>, vector<16xf32>
        %select_n3A_504 = arith.select %eq3A_103, %gather3A_502, %select_n3A_462 : vector<16xi1>, vector<16xf32>
        %get3A_505 = arith.index_cast %mul3A_249 : i32 to index
        %get3A_506 = arith.constant 96 : index
        %get3A_507 = tpu.vector_load %arg14[%get3A_505, %get3A_506] {strides = array<i32>} : memref<32x256xf32, #tpu.memory_space<vmem>>, vector<16xf32>,
        %get3A_508 = arith.index_cast %mul3A_249 : i32 to index
        %get3A_509 = arith.constant 96 : index
        %get3A_510 = tpu.vector_load %arg16[%get3A_508, %get3A_509] {strides = array<i32>} : memref<32x128xf32, #tpu.memory_space<vmem>>, vector<16xf32>,
        %get3A_511 = arith.index_cast %add3A_251 : i32 to index
        %get3A_512 = arith.constant 96 : index
        %get3A_513 = tpu.vector_load %arg14[%get3A_511, %get3A_512] {strides = array<i32>} : memref<32x256xf32, #tpu.memory_space<vmem>>, vector<16xf32>,
        %get3A_514 = arith.index_cast %add3A_251 : i32 to index
        %get3A_515 = arith.constant 96 : index
        %get3A_516 = tpu.vector_load %arg16[%get3A_514, %get3A_515] {strides = array<i32>} : memref<32x128xf32, #tpu.memory_space<vmem>>, vector<16xf32>,
        %mul3A_517 = arith.mulf %get3A_507, %get3A_510 : vector<16xf32>
        %cumsum3A_518 = arith.constant true
        %cumsum3A_519 = vector.broadcast %cumsum3A_518 : i1 to vector<16xi1>
        %cumsum3A_520 = tpu.scan <sum>, %mul3A_517 masked %cumsum3A_519 : vector<16xf32>, vector<16xi1> -> vector<16xf32>
        %lt3A_521 = arith.constant 0 : i32
        %lt3A_522 = vector.broadcast %lt3A_521 : i32 to vector<16xi32>
        %lt3A_523 = arith.cmpi slt, %broadcast_in_dim3A_86, %lt3A_522 : vector<16xi32>
        %add3A_524 = arith.constant 16 : i32
        %add3A_525 = vector.broadcast %add3A_524 : i32 to vector<16xi32>
        %add3A_526 = arith.addi %broadcast_in_dim3A_86, %add3A_525 : vector<16xi32>
        %select_n3A_527 = arith.select %lt3A_523, %add3A_526, %broadcast_in_dim3A_86 : vector<16xi1>, vector<16xi32>
        %broadcast_in_dim3A_528 = vector.shape_cast %select_n3A_527 : vector<16xi32> to vector<16x1xi32>
        %gather3A_529 = vector.shape_cast %broadcast_in_dim3A_528 : vector<16x1xi32> to vector<16xi32>
        %gather3A_530 = tpu.dynamic_gather %cumsum3A_520[%gather3A_529] in [0] : vector<16xf32>, vector<16xi32> -> vector<16xf32>
        %mul3A_531 = arith.mulf %get3A_513, %get3A_516 : vector<16xf32>
        %cumsum3A_532 = arith.constant true
        %cumsum3A_533 = vector.broadcast %cumsum3A_532 : i1 to vector<16xi1>
        %cumsum3A_534 = tpu.scan <sum>, %mul3A_531 masked %cumsum3A_533 : vector<16xf32>, vector<16xi1> -> vector<16xf32>
        %lt3A_535 = arith.constant 0 : i32
        %lt3A_536 = vector.broadcast %lt3A_535 : i32 to vector<16xi32>
        %lt3A_537 = arith.cmpi slt, %broadcast_in_dim3A_86, %lt3A_536 : vector<16xi32>
        %add3A_538 = arith.constant 16 : i32
        %add3A_539 = vector.broadcast %add3A_538 : i32 to vector<16xi32>
        %add3A_540 = arith.addi %broadcast_in_dim3A_86, %add3A_539 : vector<16xi32>
        %select_n3A_541 = arith.select %lt3A_537, %add3A_540, %broadcast_in_dim3A_86 : vector<16xi1>, vector<16xi32>
        %broadcast_in_dim3A_542 = vector.shape_cast %select_n3A_541 : vector<16xi32> to vector<16x1xi32>
        %gather3A_543 = vector.shape_cast %broadcast_in_dim3A_542 : vector<16x1xi32> to vector<16xi32>
        %gather3A_544 = tpu.dynamic_gather %cumsum3A_534[%gather3A_543] in [0] : vector<16xf32>, vector<16xi32> -> vector<16xf32>
        %select_n3A_545 = arith.select %eq3A_106, %gather3A_530, %select_n3A_503 : vector<16xi1>, vector<16xf32>
        %select_n3A_546 = arith.select %eq3A_106, %gather3A_544, %select_n3A_504 : vector<16xi1>, vector<16xf32>
        %get3A_547 = arith.index_cast %mul3A_249 : i32 to index
        %get3A_548 = arith.constant 112 : index
        %get3A_549 = tpu.vector_load %arg14[%get3A_547, %get3A_548] {strides = array<i32>} : memref<32x256xf32, #tpu.memory_space<vmem>>, vector<16xf32>,
        %get3A_550 = arith.index_cast %mul3A_249 : i32 to index
        %get3A_551 = arith.constant 112 : index
        %get3A_552 = tpu.vector_load %arg16[%get3A_550, %get3A_551] {strides = array<i32>} : memref<32x128xf32, #tpu.memory_space<vmem>>, vector<16xf32>,
        %get3A_553 = arith.index_cast %add3A_251 : i32 to index
        %get3A_554 = arith.constant 112 : index
        %get3A_555 = tpu.vector_load %arg14[%get3A_553, %get3A_554] {strides = array<i32>} : memref<32x256xf32, #tpu.memory_space<vmem>>, vector<16xf32>,
        %get3A_556 = arith.index_cast %add3A_251 : i32 to index
        %get3A_557 = arith.constant 112 : index
        %get3A_558 = tpu.vector_load %arg16[%get3A_556, %get3A_557] {strides = array<i32>} : memref<32x128xf32, #tpu.memory_space<vmem>>, vector<16xf32>,
        %mul3A_559 = arith.mulf %get3A_549, %get3A_552 : vector<16xf32>
        %cumsum3A_560 = arith.constant true
        %cumsum3A_561 = vector.broadcast %cumsum3A_560 : i1 to vector<16xi1>
        %cumsum3A_562 = tpu.scan <sum>, %mul3A_559 masked %cumsum3A_561 : vector<16xf32>, vector<16xi1> -> vector<16xf32>
        %lt3A_563 = arith.constant 0 : i32
        %lt3A_564 = vector.broadcast %lt3A_563 : i32 to vector<16xi32>
        %lt3A_565 = arith.cmpi slt, %broadcast_in_dim3A_86, %lt3A_564 : vector<16xi32>
        %add3A_566 = arith.constant 16 : i32
        %add3A_567 = vector.broadcast %add3A_566 : i32 to vector<16xi32>
        %add3A_568 = arith.addi %broadcast_in_dim3A_86, %add3A_567 : vector<16xi32>
        %select_n3A_569 = arith.select %lt3A_565, %add3A_568, %broadcast_in_dim3A_86 : vector<16xi1>, vector<16xi32>
        %broadcast_in_dim3A_570 = vector.shape_cast %select_n3A_569 : vector<16xi32> to vector<16x1xi32>
        %gather3A_571 = vector.shape_cast %broadcast_in_dim3A_570 : vector<16x1xi32> to vector<16xi32>
        %gather3A_572 = tpu.dynamic_gather %cumsum3A_562[%gather3A_571] in [0] : vector<16xf32>, vector<16xi32> -> vector<16xf32>
        %mul3A_573 = arith.mulf %get3A_555, %get3A_558 : vector<16xf32>
        %cumsum3A_574 = arith.constant true
        %cumsum3A_575 = vector.broadcast %cumsum3A_574 : i1 to vector<16xi1>
        %cumsum3A_576 = tpu.scan <sum>, %mul3A_573 masked %cumsum3A_575 : vector<16xf32>, vector<16xi1> -> vector<16xf32>
        %lt3A_577 = arith.constant 0 : i32
        %lt3A_578 = vector.broadcast %lt3A_577 : i32 to vector<16xi32>
        %lt3A_579 = arith.cmpi slt, %broadcast_in_dim3A_86, %lt3A_578 : vector<16xi32>
        %add3A_580 = arith.constant 16 : i32
        %add3A_581 = vector.broadcast %add3A_580 : i32 to vector<16xi32>
        %add3A_582 = arith.addi %broadcast_in_dim3A_86, %add3A_581 : vector<16xi32>
        %select_n3A_583 = arith.select %lt3A_579, %add3A_582, %broadcast_in_dim3A_86 : vector<16xi1>, vector<16xi32>
        %broadcast_in_dim3A_584 = vector.shape_cast %select_n3A_583 : vector<16xi32> to vector<16x1xi32>
        %gather3A_585 = vector.shape_cast %broadcast_in_dim3A_584 : vector<16x1xi32> to vector<16xi32>
        %gather3A_586 = tpu.dynamic_gather %cumsum3A_576[%gather3A_585] in [0] : vector<16xf32>, vector<16xi32> -> vector<16xf32>
        %select_n3A_587 = arith.select %eq3A_109, %gather3A_572, %select_n3A_545 : vector<16xi1>, vector<16xf32>
        %select_n3A_588 = arith.select %eq3A_109, %gather3A_586, %select_n3A_546 : vector<16xi1>, vector<16xf32>
        %max3A = arith.constant -1.000000e+01 : f32
        %max3A_589 = vector.broadcast %max3A : f32 to vector<16xf32>
        %max3A_590 = arith.maximumf %select_n3A_587, %max3A_589 : vector<16xf32>
        %min3A = arith.constant 1.000000e+01 : f32
        %min3A_591 = vector.broadcast %min3A : f32 to vector<16xf32>
        %min3A_592 = arith.minimumf %max3A_590, %min3A_591 : vector<16xf32>
        %exp3A = math.exp %min3A_592 : vector<16xf32>
        %max3A_593 = arith.constant -1.000000e+01 : f32
        %max3A_594 = vector.broadcast %max3A_593 : f32 to vector<16xf32>
        %max3A_595 = arith.maximumf %select_n3A_588, %max3A_594 : vector<16xf32>
        %min3A_596 = arith.constant 1.000000e+01 : f32
        %min3A_597 = vector.broadcast %min3A_596 : f32 to vector<16xf32>
        %min3A_598 = arith.minimumf %max3A_595, %min3A_597 : vector<16xf32>
        %exp3A_599 = math.exp %min3A_598 : vector<16xf32>
        %swap3A_600 = arith.index_cast %mul3A_249 : i32 to index
        %swap3A_601 = arith.constant 128 : index
        %swap3A_602 = tpu.vector_load %arg18[%swap3A_600, %swap3A_601] {strides = array<i32>} : memref<32x144xf32, #tpu.memory_space<vmem>>, vector<16xf32>,
        tpu.vector_store %arg18[%swap3A_600, %swap3A_601], %exp3A {strides = array<i32>} : memref<32x144xf32, #tpu.memory_space<vmem>>, vector<16xf32>,
        %swap3A_603 = arith.index_cast %add3A_251 : i32 to index
        %swap3A_604 = arith.constant 128 : index
        %swap3A_605 = tpu.vector_load %arg18[%swap3A_603, %swap3A_604] {strides = array<i32>} : memref<32x144xf32, #tpu.memory_space<vmem>>, vector<16xf32>,
        tpu.vector_store %arg18[%swap3A_603, %swap3A_604], %exp3A_599 {strides = array<i32>} : memref<32x144xf32, #tpu.memory_space<vmem>>, vector<16xf32>,
        %broadcast_in_dim3A_606 = arith.constant 0 : i32
        %broadcast_in_dim3A_607 = vector.broadcast %broadcast_in_dim3A_606 : i32 to vector<16xi32>
        %get3A_608 = arith.index_cast %mul3A_249 : i32 to index
        %get3A_609 = arith.constant 128 : index
        %get3A_610 = tpu.vector_load %arg14[%get3A_608, %get3A_609] {strides = array<i32>} : memref<32x256xf32, #tpu.memory_space<vmem>>, vector<16xf32>,
        %get3A_611 = arith.index_cast %add3A_251 : i32 to index
        %get3A_612 = arith.constant 128 : index
        %get3A_613 = tpu.vector_load %arg14[%get3A_611, %get3A_612] {strides = array<i32>} : memref<32x256xf32, #tpu.memory_space<vmem>>, vector<16xf32>,
        %lt3A_614 = arith.constant 0 : i32
        %lt3A_615 = vector.broadcast %lt3A_614 : i32 to vector<16xi32>
        %lt3A_616 = arith.cmpi slt, %broadcast_in_dim3A_607, %lt3A_615 : vector<16xi32>
        %add3A_617 = arith.constant 16 : i32
        %add3A_618 = vector.broadcast %add3A_617 : i32 to vector<16xi32>
        %add3A_619 = arith.addi %broadcast_in_dim3A_607, %add3A_618 : vector<16xi32>
        %select_n3A_620 = arith.select %lt3A_616, %add3A_619, %broadcast_in_dim3A_607 : vector<16xi1>, vector<16xi32>
        %broadcast_in_dim3A_621 = vector.shape_cast %select_n3A_620 : vector<16xi32> to vector<16x1xi32>
        %gather3A_622 = vector.shape_cast %broadcast_in_dim3A_621 : vector<16x1xi32> to vector<16xi32>
        %gather3A_623 = tpu.dynamic_gather %exp3A[%gather3A_622] in [0] : vector<16xf32>, vector<16xi32> -> vector<16xf32>
        %mul3A_624 = arith.mulf %get3A_610, %gather3A_623 : vector<16xf32>
        %swap3A_625 = arith.index_cast %mul3A_249 : i32 to index
        %swap3A_626 = arith.constant 0 : index
        %swap3A_627 = tpu.vector_load %arg18[%swap3A_625, %swap3A_626] {strides = array<i32>} : memref<32x144xf32, #tpu.memory_space<vmem>>, vector<16xf32>,
        tpu.vector_store %arg18[%swap3A_625, %swap3A_626], %mul3A_624 {strides = array<i32>} : memref<32x144xf32, #tpu.memory_space<vmem>>, vector<16xf32>,
        %lt3A_628 = arith.constant 0 : i32
        %lt3A_629 = vector.broadcast %lt3A_628 : i32 to vector<16xi32>
        %lt3A_630 = arith.cmpi slt, %broadcast_in_dim3A_607, %lt3A_629 : vector<16xi32>
        %add3A_631 = arith.constant 16 : i32
        %add3A_632 = vector.broadcast %add3A_631 : i32 to vector<16xi32>
        %add3A_633 = arith.addi %broadcast_in_dim3A_607, %add3A_632 : vector<16xi32>
        %select_n3A_634 = arith.select %lt3A_630, %add3A_633, %broadcast_in_dim3A_607 : vector<16xi1>, vector<16xi32>
        %broadcast_in_dim3A_635 = vector.shape_cast %select_n3A_634 : vector<16xi32> to vector<16x1xi32>
        %gather3A_636 = vector.shape_cast %broadcast_in_dim3A_635 : vector<16x1xi32> to vector<16xi32>
        %gather3A_637 = tpu.dynamic_gather %exp3A_599[%gather3A_636] in [0] : vector<16xf32>, vector<16xi32> -> vector<16xf32>
        %mul3A_638 = arith.mulf %get3A_613, %gather3A_637 : vector<16xf32>
        %swap3A_639 = arith.index_cast %add3A_251 : i32 to index
        %swap3A_640 = arith.constant 0 : index
        %swap3A_641 = tpu.vector_load %arg18[%swap3A_639, %swap3A_640] {strides = array<i32>} : memref<32x144xf32, #tpu.memory_space<vmem>>, vector<16xf32>,
        tpu.vector_store %arg18[%swap3A_639, %swap3A_640], %mul3A_638 {strides = array<i32>} : memref<32x144xf32, #tpu.memory_space<vmem>>, vector<16xf32>,
        %broadcast_in_dim3A_642 = arith.constant 1 : i32
        %broadcast_in_dim3A_643 = vector.broadcast %broadcast_in_dim3A_642 : i32 to vector<16xi32>
        %get3A_644 = arith.index_cast %mul3A_249 : i32 to index
        %get3A_645 = arith.constant 144 : index
        %get3A_646 = tpu.vector_load %arg14[%get3A_644, %get3A_645] {strides = array<i32>} : memref<32x256xf32, #tpu.memory_space<vmem>>, vector<16xf32>,
        %get3A_647 = arith.index_cast %add3A_251 : i32 to index
        %get3A_648 = arith.constant 144 : index
        %get3A_649 = tpu.vector_load %arg14[%get3A_647, %get3A_648] {strides = array<i32>} : memref<32x256xf32, #tpu.memory_space<vmem>>, vector<16xf32>,
        %lt3A_650 = arith.constant 0 : i32
        %lt3A_651 = vector.broadcast %lt3A_650 : i32 to vector<16xi32>
        %lt3A_652 = arith.cmpi slt, %broadcast_in_dim3A_643, %lt3A_651 : vector<16xi32>
        %add3A_653 = arith.constant 16 : i32
        %add3A_654 = vector.broadcast %add3A_653 : i32 to vector<16xi32>
        %add3A_655 = arith.addi %broadcast_in_dim3A_643, %add3A_654 : vector<16xi32>
        %select_n3A_656 = arith.select %lt3A_652, %add3A_655, %broadcast_in_dim3A_643 : vector<16xi1>, vector<16xi32>
        %broadcast_in_dim3A_657 = vector.shape_cast %select_n3A_656 : vector<16xi32> to vector<16x1xi32>
        %gather3A_658 = vector.shape_cast %broadcast_in_dim3A_657 : vector<16x1xi32> to vector<16xi32>
        %gather3A_659 = tpu.dynamic_gather %exp3A[%gather3A_658] in [0] : vector<16xf32>, vector<16xi32> -> vector<16xf32>
        %mul3A_660 = arith.mulf %get3A_646, %gather3A_659 : vector<16xf32>
        %swap3A_661 = arith.index_cast %mul3A_249 : i32 to index
        %swap3A_662 = arith.constant 16 : index
        %swap3A_663 = tpu.vector_load %arg18[%swap3A_661, %swap3A_662] {strides = array<i32>} : memref<32x144xf32, #tpu.memory_space<vmem>>, vector<16xf32>,
        tpu.vector_store %arg18[%swap3A_661, %swap3A_662], %mul3A_660 {strides = array<i32>} : memref<32x144xf32, #tpu.memory_space<vmem>>, vector<16xf32>,
        %lt3A_664 = arith.constant 0 : i32
        %lt3A_665 = vector.broadcast %lt3A_664 : i32 to vector<16xi32>
        %lt3A_666 = arith.cmpi slt, %broadcast_in_dim3A_643, %lt3A_665 : vector<16xi32>
        %add3A_667 = arith.constant 16 : i32
        %add3A_668 = vector.broadcast %add3A_667 : i32 to vector<16xi32>
        %add3A_669 = arith.addi %broadcast_in_dim3A_643, %add3A_668 : vector<16xi32>
        %select_n3A_670 = arith.select %lt3A_666, %add3A_669, %broadcast_in_dim3A_643 : vector<16xi1>, vector<16xi32>
        %broadcast_in_dim3A_671 = vector.shape_cast %select_n3A_670 : vector<16xi32> to vector<16x1xi32>
        %gather3A_672 = vector.shape_cast %broadcast_in_dim3A_671 : vector<16x1xi32> to vector<16xi32>
        %gather3A_673 = tpu.dynamic_gather %exp3A_599[%gather3A_672] in [0] : vector<16xf32>, vector<16xi32> -> vector<16xf32>
        %mul3A_674 = arith.mulf %get3A_649, %gather3A_673 : vector<16xf32>
        %swap3A_675 = arith.index_cast %add3A_251 : i32 to index
        %swap3A_676 = arith.constant 16 : index
        %swap3A_677 = tpu.vector_load %arg18[%swap3A_675, %swap3A_676] {strides = array<i32>} : memref<32x144xf32, #tpu.memory_space<vmem>>, vector<16xf32>,
        tpu.vector_store %arg18[%swap3A_675, %swap3A_676], %mul3A_674 {strides = array<i32>} : memref<32x144xf32, #tpu.memory_space<vmem>>, vector<16xf32>,
        %broadcast_in_dim3A_678 = arith.constant 2 : i32
        %broadcast_in_dim3A_679 = vector.broadcast %broadcast_in_dim3A_678 : i32 to vector<16xi32>
        %get3A_680 = arith.index_cast %mul3A_249 : i32 to index
        %get3A_681 = arith.constant 160 : index
        %get3A_682 = tpu.vector_load %arg14[%get3A_680, %get3A_681] {strides = array<i32>} : memref<32x256xf32, #tpu.memory_space<vmem>>, vector<16xf32>,
        %get3A_683 = arith.index_cast %add3A_251 : i32 to index
        %get3A_684 = arith.constant 160 : index
        %get3A_685 = tpu.vector_load %arg14[%get3A_683, %get3A_684] {strides = array<i32>} : memref<32x256xf32, #tpu.memory_space<vmem>>, vector<16xf32>,
        %lt3A_686 = arith.constant 0 : i32
        %lt3A_687 = vector.broadcast %lt3A_686 : i32 to vector<16xi32>
        %lt3A_688 = arith.cmpi slt, %broadcast_in_dim3A_679, %lt3A_687 : vector<16xi32>
        %add3A_689 = arith.constant 16 : i32
        %add3A_690 = vector.broadcast %add3A_689 : i32 to vector<16xi32>
        %add3A_691 = arith.addi %broadcast_in_dim3A_679, %add3A_690 : vector<16xi32>
        %select_n3A_692 = arith.select %lt3A_688, %add3A_691, %broadcast_in_dim3A_679 : vector<16xi1>, vector<16xi32>
        %broadcast_in_dim3A_693 = vector.shape_cast %select_n3A_692 : vector<16xi32> to vector<16x1xi32>
        %gather3A_694 = vector.shape_cast %broadcast_in_dim3A_693 : vector<16x1xi32> to vector<16xi32>
        %gather3A_695 = tpu.dynamic_gather %exp3A[%gather3A_694] in [0] : vector<16xf32>, vector<16xi32> -> vector<16xf32>
        %mul3A_696 = arith.mulf %get3A_682, %gather3A_695 : vector<16xf32>
        %swap3A_697 = arith.index_cast %mul3A_249 : i32 to index
        %swap3A_698 = arith.constant 32 : index
        %swap3A_699 = tpu.vector_load %arg18[%swap3A_697, %swap3A_698] {strides = array<i32>} : memref<32x144xf32, #tpu.memory_space<vmem>>, vector<16xf32>,
        tpu.vector_store %arg18[%swap3A_697, %swap3A_698], %mul3A_696 {strides = array<i32>} : memref<32x144xf32, #tpu.memory_space<vmem>>, vector<16xf32>,
        %lt3A_700 = arith.constant 0 : i32
        %lt3A_701 = vector.broadcast %lt3A_700 : i32 to vector<16xi32>
        %lt3A_702 = arith.cmpi slt, %broadcast_in_dim3A_679, %lt3A_701 : vector<16xi32>
        %add3A_703 = arith.constant 16 : i32
        %add3A_704 = vector.broadcast %add3A_703 : i32 to vector<16xi32>
        %add3A_705 = arith.addi %broadcast_in_dim3A_679, %add3A_704 : vector<16xi32>
        %select_n3A_706 = arith.select %lt3A_702, %add3A_705, %broadcast_in_dim3A_679 : vector<16xi1>, vector<16xi32>
        %broadcast_in_dim3A_707 = vector.shape_cast %select_n3A_706 : vector<16xi32> to vector<16x1xi32>
        %gather3A_708 = vector.shape_cast %broadcast_in_dim3A_707 : vector<16x1xi32> to vector<16xi32>
        %gather3A_709 = tpu.dynamic_gather %exp3A_599[%gather3A_708] in [0] : vector<16xf32>, vector<16xi32> -> vector<16xf32>
        %mul3A_710 = arith.mulf %get3A_685, %gather3A_709 : vector<16xf32>
        %swap3A_711 = arith.index_cast %add3A_251 : i32 to index
        %swap3A_712 = arith.constant 32 : index
        %swap3A_713 = tpu.vector_load %arg18[%swap3A_711, %swap3A_712] {strides = array<i32>} : memref<32x144xf32, #tpu.memory_space<vmem>>, vector<16xf32>,
        tpu.vector_store %arg18[%swap3A_711, %swap3A_712], %mul3A_710 {strides = array<i32>} : memref<32x144xf32, #tpu.memory_space<vmem>>, vector<16xf32>,
        %broadcast_in_dim3A_714 = arith.constant 3 : i32
        %broadcast_in_dim3A_715 = vector.broadcast %broadcast_in_dim3A_714 : i32 to vector<16xi32>
        %get3A_716 = arith.index_cast %mul3A_249 : i32 to index
        %get3A_717 = arith.constant 176 : index
        %get3A_718 = tpu.vector_load %arg14[%get3A_716, %get3A_717] {strides = array<i32>} : memref<32x256xf32, #tpu.memory_space<vmem>>, vector<16xf32>,
        %get3A_719 = arith.index_cast %add3A_251 : i32 to index
        %get3A_720 = arith.constant 176 : index
        %get3A_721 = tpu.vector_load %arg14[%get3A_719, %get3A_720] {strides = array<i32>} : memref<32x256xf32, #tpu.memory_space<vmem>>, vector<16xf32>,
        %lt3A_722 = arith.constant 0 : i32
        %lt3A_723 = vector.broadcast %lt3A_722 : i32 to vector<16xi32>
        %lt3A_724 = arith.cmpi slt, %broadcast_in_dim3A_715, %lt3A_723 : vector<16xi32>
        %add3A_725 = arith.constant 16 : i32
        %add3A_726 = vector.broadcast %add3A_725 : i32 to vector<16xi32>
        %add3A_727 = arith.addi %broadcast_in_dim3A_715, %add3A_726 : vector<16xi32>
        %select_n3A_728 = arith.select %lt3A_724, %add3A_727, %broadcast_in_dim3A_715 : vector<16xi1>, vector<16xi32>
        %broadcast_in_dim3A_729 = vector.shape_cast %select_n3A_728 : vector<16xi32> to vector<16x1xi32>
        %gather3A_730 = vector.shape_cast %broadcast_in_dim3A_729 : vector<16x1xi32> to vector<16xi32>
        %gather3A_731 = tpu.dynamic_gather %exp3A[%gather3A_730] in [0] : vector<16xf32>, vector<16xi32> -> vector<16xf32>
        %mul3A_732 = arith.mulf %get3A_718, %gather3A_731 : vector<16xf32>
        %swap3A_733 = arith.index_cast %mul3A_249 : i32 to index
        %swap3A_734 = arith.constant 48 : index
        %swap3A_735 = tpu.vector_load %arg18[%swap3A_733, %swap3A_734] {strides = array<i32>} : memref<32x144xf32, #tpu.memory_space<vmem>>, vector<16xf32>,
        tpu.vector_store %arg18[%swap3A_733, %swap3A_734], %mul3A_732 {strides = array<i32>} : memref<32x144xf32, #tpu.memory_space<vmem>>, vector<16xf32>,
        %lt3A_736 = arith.constant 0 : i32
        %lt3A_737 = vector.broadcast %lt3A_736 : i32 to vector<16xi32>
        %lt3A_738 = arith.cmpi slt, %broadcast_in_dim3A_715, %lt3A_737 : vector<16xi32>
        %add3A_739 = arith.constant 16 : i32
        %add3A_740 = vector.broadcast %add3A_739 : i32 to vector<16xi32>
        %add3A_741 = arith.addi %broadcast_in_dim3A_715, %add3A_740 : vector<16xi32>
        %select_n3A_742 = arith.select %lt3A_738, %add3A_741, %broadcast_in_dim3A_715 : vector<16xi1>, vector<16xi32>
        %broadcast_in_dim3A_743 = vector.shape_cast %select_n3A_742 : vector<16xi32> to vector<16x1xi32>
        %gather3A_744 = vector.shape_cast %broadcast_in_dim3A_743 : vector<16x1xi32> to vector<16xi32>
        %gather3A_745 = tpu.dynamic_gather %exp3A_599[%gather3A_744] in [0] : vector<16xf32>, vector<16xi32> -> vector<16xf32>
        %mul3A_746 = arith.mulf %get3A_721, %gather3A_745 : vector<16xf32>
        %swap3A_747 = arith.index_cast %add3A_251 : i32 to index
        %swap3A_748 = arith.constant 48 : index
        %swap3A_749 = tpu.vector_load %arg18[%swap3A_747, %swap3A_748] {strides = array<i32>} : memref<32x144xf32, #tpu.memory_space<vmem>>, vector<16xf32>,
        tpu.vector_store %arg18[%swap3A_747, %swap3A_748], %mul3A_746 {strides = array<i32>} : memref<32x144xf32, #tpu.memory_space<vmem>>, vector<16xf32>,
        %broadcast_in_dim3A_750 = arith.constant 4 : i32
        %broadcast_in_dim3A_751 = vector.broadcast %broadcast_in_dim3A_750 : i32 to vector<16xi32>
        %get3A_752 = arith.index_cast %mul3A_249 : i32 to index
        %get3A_753 = arith.constant 192 : index
        %get3A_754 = tpu.vector_load %arg14[%get3A_752, %get3A_753] {strides = array<i32>} : memref<32x256xf32, #tpu.memory_space<vmem>>, vector<16xf32>,
        %get3A_755 = arith.index_cast %add3A_251 : i32 to index
        %get3A_756 = arith.constant 192 : index
        %get3A_757 = tpu.vector_load %arg14[%get3A_755, %get3A_756] {strides = array<i32>} : memref<32x256xf32, #tpu.memory_space<vmem>>, vector<16xf32>,
        %lt3A_758 = arith.constant 0 : i32
        %lt3A_759 = vector.broadcast %lt3A_758 : i32 to vector<16xi32>
        %lt3A_760 = arith.cmpi slt, %broadcast_in_dim3A_751, %lt3A_759 : vector<16xi32>
        %add3A_761 = arith.constant 16 : i32
        %add3A_762 = vector.broadcast %add3A_761 : i32 to vector<16xi32>
        %add3A_763 = arith.addi %broadcast_in_dim3A_751, %add3A_762 : vector<16xi32>
        %select_n3A_764 = arith.select %lt3A_760, %add3A_763, %broadcast_in_dim3A_751 : vector<16xi1>, vector<16xi32>
        %broadcast_in_dim3A_765 = vector.shape_cast %select_n3A_764 : vector<16xi32> to vector<16x1xi32>
        %gather3A_766 = vector.shape_cast %broadcast_in_dim3A_765 : vector<16x1xi32> to vector<16xi32>
        %gather3A_767 = tpu.dynamic_gather %exp3A[%gather3A_766] in [0] : vector<16xf32>, vector<16xi32> -> vector<16xf32>
        %mul3A_768 = arith.mulf %get3A_754, %gather3A_767 : vector<16xf32>
        %swap3A_769 = arith.index_cast %mul3A_249 : i32 to index
        %swap3A_770 = arith.constant 64 : index
        %swap3A_771 = tpu.vector_load %arg18[%swap3A_769, %swap3A_770] {strides = array<i32>} : memref<32x144xf32, #tpu.memory_space<vmem>>, vector<16xf32>,
        tpu.vector_store %arg18[%swap3A_769, %swap3A_770], %mul3A_768 {strides = array<i32>} : memref<32x144xf32, #tpu.memory_space<vmem>>, vector<16xf32>,
        %lt3A_772 = arith.constant 0 : i32
        %lt3A_773 = vector.broadcast %lt3A_772 : i32 to vector<16xi32>
        %lt3A_774 = arith.cmpi slt, %broadcast_in_dim3A_751, %lt3A_773 : vector<16xi32>
        %add3A_775 = arith.constant 16 : i32
        %add3A_776 = vector.broadcast %add3A_775 : i32 to vector<16xi32>
        %add3A_777 = arith.addi %broadcast_in_dim3A_751, %add3A_776 : vector<16xi32>
        %select_n3A_778 = arith.select %lt3A_774, %add3A_777, %broadcast_in_dim3A_751 : vector<16xi1>, vector<16xi32>
        %broadcast_in_dim3A_779 = vector.shape_cast %select_n3A_778 : vector<16xi32> to vector<16x1xi32>
        %gather3A_780 = vector.shape_cast %broadcast_in_dim3A_779 : vector<16x1xi32> to vector<16xi32>
        %gather3A_781 = tpu.dynamic_gather %exp3A_599[%gather3A_780] in [0] : vector<16xf32>, vector<16xi32> -> vector<16xf32>
        %mul3A_782 = arith.mulf %get3A_757, %gather3A_781 : vector<16xf32>
        %swap3A_783 = arith.index_cast %add3A_251 : i32 to index
        %swap3A_784 = arith.constant 64 : index
        %swap3A_785 = tpu.vector_load %arg18[%swap3A_783, %swap3A_784] {strides = array<i32>} : memref<32x144xf32, #tpu.memory_space<vmem>>, vector<16xf32>,
        tpu.vector_store %arg18[%swap3A_783, %swap3A_784], %mul3A_782 {strides = array<i32>} : memref<32x144xf32, #tpu.memory_space<vmem>>, vector<16xf32>,
        %broadcast_in_dim3A_786 = arith.constant 5 : i32
        %broadcast_in_dim3A_787 = vector.broadcast %broadcast_in_dim3A_786 : i32 to vector<16xi32>
        %get3A_788 = arith.index_cast %mul3A_249 : i32 to index
        %get3A_789 = arith.constant 208 : index
        %get3A_790 = tpu.vector_load %arg14[%get3A_788, %get3A_789] {strides = array<i32>} : memref<32x256xf32, #tpu.memory_space<vmem>>, vector<16xf32>,
        %get3A_791 = arith.index_cast %add3A_251 : i32 to index
        %get3A_792 = arith.constant 208 : index
        %get3A_793 = tpu.vector_load %arg14[%get3A_791, %get3A_792] {strides = array<i32>} : memref<32x256xf32, #tpu.memory_space<vmem>>, vector<16xf32>,
        %lt3A_794 = arith.constant 0 : i32
        %lt3A_795 = vector.broadcast %lt3A_794 : i32 to vector<16xi32>
        %lt3A_796 = arith.cmpi slt, %broadcast_in_dim3A_787, %lt3A_795 : vector<16xi32>
        %add3A_797 = arith.constant 16 : i32
        %add3A_798 = vector.broadcast %add3A_797 : i32 to vector<16xi32>
        %add3A_799 = arith.addi %broadcast_in_dim3A_787, %add3A_798 : vector<16xi32>
        %select_n3A_800 = arith.select %lt3A_796, %add3A_799, %broadcast_in_dim3A_787 : vector<16xi1>, vector<16xi32>
        %broadcast_in_dim3A_801 = vector.shape_cast %select_n3A_800 : vector<16xi32> to vector<16x1xi32>
        %gather3A_802 = vector.shape_cast %broadcast_in_dim3A_801 : vector<16x1xi32> to vector<16xi32>
        %gather3A_803 = tpu.dynamic_gather %exp3A[%gather3A_802] in [0] : vector<16xf32>, vector<16xi32> -> vector<16xf32>
        %mul3A_804 = arith.mulf %get3A_790, %gather3A_803 : vector<16xf32>
        %swap3A_805 = arith.index_cast %mul3A_249 : i32 to index
        %swap3A_806 = arith.constant 80 : index
        %swap3A_807 = tpu.vector_load %arg18[%swap3A_805, %swap3A_806] {strides = array<i32>} : memref<32x144xf32, #tpu.memory_space<vmem>>, vector<16xf32>,
        tpu.vector_store %arg18[%swap3A_805, %swap3A_806], %mul3A_804 {strides = array<i32>} : memref<32x144xf32, #tpu.memory_space<vmem>>, vector<16xf32>,
        %lt3A_808 = arith.constant 0 : i32
        %lt3A_809 = vector.broadcast %lt3A_808 : i32 to vector<16xi32>
        %lt3A_810 = arith.cmpi slt, %broadcast_in_dim3A_787, %lt3A_809 : vector<16xi32>
        %add3A_811 = arith.constant 16 : i32
        %add3A_812 = vector.broadcast %add3A_811 : i32 to vector<16xi32>
        %add3A_813 = arith.addi %broadcast_in_dim3A_787, %add3A_812 : vector<16xi32>
        %select_n3A_814 = arith.select %lt3A_810, %add3A_813, %broadcast_in_dim3A_787 : vector<16xi1>, vector<16xi32>
        %broadcast_in_dim3A_815 = vector.shape_cast %select_n3A_814 : vector<16xi32> to vector<16x1xi32>
        %gather3A_816 = vector.shape_cast %broadcast_in_dim3A_815 : vector<16x1xi32> to vector<16xi32>
        %gather3A_817 = tpu.dynamic_gather %exp3A_599[%gather3A_816] in [0] : vector<16xf32>, vector<16xi32> -> vector<16xf32>
        %mul3A_818 = arith.mulf %get3A_793, %gather3A_817 : vector<16xf32>
        %swap3A_819 = arith.index_cast %add3A_251 : i32 to index
        %swap3A_820 = arith.constant 80 : index
        %swap3A_821 = tpu.vector_load %arg18[%swap3A_819, %swap3A_820] {strides = array<i32>} : memref<32x144xf32, #tpu.memory_space<vmem>>, vector<16xf32>,
        tpu.vector_store %arg18[%swap3A_819, %swap3A_820], %mul3A_818 {strides = array<i32>} : memref<32x144xf32, #tpu.memory_space<vmem>>, vector<16xf32>,
        %broadcast_in_dim3A_822 = arith.constant 6 : i32
        %broadcast_in_dim3A_823 = vector.broadcast %broadcast_in_dim3A_822 : i32 to vector<16xi32>
        %get3A_824 = arith.index_cast %mul3A_249 : i32 to index
        %get3A_825 = arith.constant 224 : index
        %get3A_826 = tpu.vector_load %arg14[%get3A_824, %get3A_825] {strides = array<i32>} : memref<32x256xf32, #tpu.memory_space<vmem>>, vector<16xf32>,
        %get3A_827 = arith.index_cast %add3A_251 : i32 to index
        %get3A_828 = arith.constant 224 : index
        %get3A_829 = tpu.vector_load %arg14[%get3A_827, %get3A_828] {strides = array<i32>} : memref<32x256xf32, #tpu.memory_space<vmem>>, vector<16xf32>,
        %lt3A_830 = arith.constant 0 : i32
        %lt3A_831 = vector.broadcast %lt3A_830 : i32 to vector<16xi32>
        %lt3A_832 = arith.cmpi slt, %broadcast_in_dim3A_823, %lt3A_831 : vector<16xi32>
        %add3A_833 = arith.constant 16 : i32
        %add3A_834 = vector.broadcast %add3A_833 : i32 to vector<16xi32>
        %add3A_835 = arith.addi %broadcast_in_dim3A_823, %add3A_834 : vector<16xi32>
        %select_n3A_836 = arith.select %lt3A_832, %add3A_835, %broadcast_in_dim3A_823 : vector<16xi1>, vector<16xi32>
        %broadcast_in_dim3A_837 = vector.shape_cast %select_n3A_836 : vector<16xi32> to vector<16x1xi32>
        %gather3A_838 = vector.shape_cast %broadcast_in_dim3A_837 : vector<16x1xi32> to vector<16xi32>
        %gather3A_839 = tpu.dynamic_gather %exp3A[%gather3A_838] in [0] : vector<16xf32>, vector<16xi32> -> vector<16xf32>
        %mul3A_840 = arith.mulf %get3A_826, %gather3A_839 : vector<16xf32>
        %swap3A_841 = arith.index_cast %mul3A_249 : i32 to index
        %swap3A_842 = arith.constant 96 : index
        %swap3A_843 = tpu.vector_load %arg18[%swap3A_841, %swap3A_842] {strides = array<i32>} : memref<32x144xf32, #tpu.memory_space<vmem>>, vector<16xf32>,
        tpu.vector_store %arg18[%swap3A_841, %swap3A_842], %mul3A_840 {strides = array<i32>} : memref<32x144xf32, #tpu.memory_space<vmem>>, vector<16xf32>,
        %lt3A_844 = arith.constant 0 : i32
        %lt3A_845 = vector.broadcast %lt3A_844 : i32 to vector<16xi32>
        %lt3A_846 = arith.cmpi slt, %broadcast_in_dim3A_823, %lt3A_845 : vector<16xi32>
        %add3A_847 = arith.constant 16 : i32
        %add3A_848 = vector.broadcast %add3A_847 : i32 to vector<16xi32>
        %add3A_849 = arith.addi %broadcast_in_dim3A_823, %add3A_848 : vector<16xi32>
        %select_n3A_850 = arith.select %lt3A_846, %add3A_849, %broadcast_in_dim3A_823 : vector<16xi1>, vector<16xi32>
        %broadcast_in_dim3A_851 = vector.shape_cast %select_n3A_850 : vector<16xi32> to vector<16x1xi32>
        %gather3A_852 = vector.shape_cast %broadcast_in_dim3A_851 : vector<16x1xi32> to vector<16xi32>
        %gather3A_853 = tpu.dynamic_gather %exp3A_599[%gather3A_852] in [0] : vector<16xf32>, vector<16xi32> -> vector<16xf32>
        %mul3A_854 = arith.mulf %get3A_829, %gather3A_853 : vector<16xf32>
        %swap3A_855 = arith.index_cast %add3A_251 : i32 to index
        %swap3A_856 = arith.constant 96 : index
        %swap3A_857 = tpu.vector_load %arg18[%swap3A_855, %swap3A_856] {strides = array<i32>} : memref<32x144xf32, #tpu.memory_space<vmem>>, vector<16xf32>,
        tpu.vector_store %arg18[%swap3A_855, %swap3A_856], %mul3A_854 {strides = array<i32>} : memref<32x144xf32, #tpu.memory_space<vmem>>, vector<16xf32>,
        %broadcast_in_dim3A_858 = arith.constant 7 : i32
        %broadcast_in_dim3A_859 = vector.broadcast %broadcast_in_dim3A_858 : i32 to vector<16xi32>
        %get3A_860 = arith.index_cast %mul3A_249 : i32 to index
        %get3A_861 = arith.constant 240 : index
        %get3A_862 = tpu.vector_load %arg14[%get3A_860, %get3A_861] {strides = array<i32>} : memref<32x256xf32, #tpu.memory_space<vmem>>, vector<16xf32>,
        %get3A_863 = arith.index_cast %add3A_251 : i32 to index
        %get3A_864 = arith.constant 240 : index
        %get3A_865 = tpu.vector_load %arg14[%get3A_863, %get3A_864] {strides = array<i32>} : memref<32x256xf32, #tpu.memory_space<vmem>>, vector<16xf32>,
        %lt3A_866 = arith.constant 0 : i32
        %lt3A_867 = vector.broadcast %lt3A_866 : i32 to vector<16xi32>
        %lt3A_868 = arith.cmpi slt, %broadcast_in_dim3A_859, %lt3A_867 : vector<16xi32>
        %add3A_869 = arith.constant 16 : i32
        %add3A_870 = vector.broadcast %add3A_869 : i32 to vector<16xi32>
        %add3A_871 = arith.addi %broadcast_in_dim3A_859, %add3A_870 : vector<16xi32>
        %select_n3A_872 = arith.select %lt3A_868, %add3A_871, %broadcast_in_dim3A_859 : vector<16xi1>, vector<16xi32>
        %broadcast_in_dim3A_873 = vector.shape_cast %select_n3A_872 : vector<16xi32> to vector<16x1xi32>
        %gather3A_874 = vector.shape_cast %broadcast_in_dim3A_873 : vector<16x1xi32> to vector<16xi32>
        %gather3A_875 = tpu.dynamic_gather %exp3A[%gather3A_874] in [0] : vector<16xf32>, vector<16xi32> -> vector<16xf32>
        %mul3A_876 = arith.mulf %get3A_862, %gather3A_875 : vector<16xf32>
        %swap3A_877 = arith.index_cast %mul3A_249 : i32 to index
        %swap3A_878 = arith.constant 112 : index
        %swap3A_879 = tpu.vector_load %arg18[%swap3A_877, %swap3A_878] {strides = array<i32>} : memref<32x144xf32, #tpu.memory_space<vmem>>, vector<16xf32>,
        tpu.vector_store %arg18[%swap3A_877, %swap3A_878], %mul3A_876 {strides = array<i32>} : memref<32x144xf32, #tpu.memory_space<vmem>>, vector<16xf32>,
        %lt3A_880 = arith.constant 0 : i32
        %lt3A_881 = vector.broadcast %lt3A_880 : i32 to vector<16xi32>
        %lt3A_882 = arith.cmpi slt, %broadcast_in_dim3A_859, %lt3A_881 : vector<16xi32>
        %add3A_883 = arith.constant 16 : i32
        %add3A_884 = vector.broadcast %add3A_883 : i32 to vector<16xi32>
        %add3A_885 = arith.addi %broadcast_in_dim3A_859, %add3A_884 : vector<16xi32>
        %select_n3A_886 = arith.select %lt3A_882, %add3A_885, %broadcast_in_dim3A_859 : vector<16xi1>, vector<16xi32>
        %broadcast_in_dim3A_887 = vector.shape_cast %select_n3A_886 : vector<16xi32> to vector<16x1xi32>
        %gather3A_888 = vector.shape_cast %broadcast_in_dim3A_887 : vector<16x1xi32> to vector<16xi32>
        %gather3A_889 = tpu.dynamic_gather %exp3A_599[%gather3A_888] in [0] : vector<16xf32>, vector<16xi32> -> vector<16xf32>
        %mul3A_890 = arith.mulf %get3A_865, %gather3A_889 : vector<16xf32>
        %swap3A_891 = arith.index_cast %add3A_251 : i32 to index
        %swap3A_892 = arith.constant 112 : index
        %swap3A_893 = tpu.vector_load %arg18[%swap3A_891, %swap3A_892] {strides = array<i32>} : memref<32x144xf32, #tpu.memory_space<vmem>>, vector<16xf32>,
        tpu.vector_store %arg18[%swap3A_891, %swap3A_892], %mul3A_890 {strides = array<i32>} : memref<32x144xf32, #tpu.memory_space<vmem>>, vector<16xf32>,
      }
      %scan3A_201 = arith.constant 16 : i32
      %dma_start3A_202 = arith.constant 0 : i32
      %dma_start3A_203 = arith.constant 0 : i32
      %dma_start3A_204 = tpu.memref_slice %arg7[%dma_start3A_202, %dma_start3A_203] : memref<10240x144xf32, #tpu.memory_space<vmem_shared>> -> memref<10240x144xf32, #tpu.memory_space<vmem_shared>>
      tpu.enqueue_indirect_dma source(%arg18 : memref<32x144xf32, #tpu.memory_space<vmem>>) target(%dma_start3A_204 : memref<10240x144xf32, #tpu.memory_space<vmem_shared>>) offsets(%arg12 : memref<32xi32, #tpu.memory_space<vmem>>) semaphore(%arg26 : memref<!tpu.dma_semaphore, #tpu.memory_space<semaphore_mem>>) {add = true}
      %mul3A_205 = arith.constant 2 : i32
      %mul3A_206 = arith.muli %mul3A_205, %scan3A_159 : i32
      %add3A_207 = arith.constant 1 : i32
      %add3A_208 = arith.addi %mul3A_206, %add3A_207 : i32
      %dma_wait3A_209 = arith.constant 0 : i32
      %dma_wait3A_210 = arith.constant 0 : i32
      %dma_wait3A_211 = tpu.memref_slice %arg3[%dma_wait3A_209, %dma_wait3A_210] : memref<10000x256xf32, #tpu.memory_space<hbm>> -> memref<10000x256xf32, #tpu.memory_space<hbm>>
      tpu.wait_indirect_dma semaphore(%arg23 : memref<!tpu.dma_semaphore, #tpu.memory_space<semaphore_mem>>) src(%dma_wait3A_211 : memref<10000x256xf32, #tpu.memory_space<hbm>>) dst(%arg15 : memref<32x256xf32, #tpu.memory_space<vmem>>)
      %dma_wait3A_212 = arith.constant 0 : i32
      %dma_wait3A_213 = arith.constant 0 : i32
      %dma_wait3A_214 = tpu.memref_slice %arg2[%dma_wait3A_212, %dma_wait3A_213] : memref<10000x128xf32, #tpu.memory_space<hbm>> -> memref<10000x128xf32, #tpu.memory_space<hbm>>
      tpu.wait_indirect_dma semaphore(%arg25 : memref<!tpu.dma_semaphore, #tpu.memory_space<semaphore_mem>>) src(%dma_wait3A_214 : memref<10000x128xf32, #tpu.memory_space<hbm>>) dst(%arg17 : memref<32x128xf32, #tpu.memory_space<vmem>>)
      %gt3A_215 = arith.constant 0 : i32
      %gt3A_216 = arith.cmpi sgt, %scan3A_159, %gt3A_215 : i32
      %convert_element_type3A_217 = arith.extui %gt3A_216 : i1 to i32
      %cond3A_218 = arith.constant 0 : i32
      %cond3A_219 = arith.cmpi ne, %convert_element_type3A_217, %cond3A_218 : i32
      scf.if %cond3A_219 {
        %dma_wait3A_247 = arith.constant 0 : i32
        %dma_wait3A_248 = arith.constant 0 : i32
        %dma_wait3A_249 = tpu.memref_slice %arg7[%dma_wait3A_247, %dma_wait3A_248] : memref<10240x144xf32, #tpu.memory_space<vmem_shared>> -> memref<10240x144xf32, #tpu.memory_space<vmem_shared>>
        tpu.wait_indirect_dma semaphore(%arg27 : memref<!tpu.dma_semaphore, #tpu.memory_space<semaphore_mem>>) src(%arg19 : memref<32x144xf32, #tpu.memory_space<vmem>>) dst(%dma_wait3A_249 : memref<10240x144xf32, #tpu.memory_space<vmem_shared>>)
      } else {
      }
      %get3A_220 = arith.constant 0 : index
      %get3A_221 = tpu.vector_load %arg11[%get3A_220] {strides = array<i32>} : memref<32xi32, #tpu.memory_space<vmem>>, vector<16xi32>,
      %swap3A_222 = arith.constant 0 : index
      %swap3A_223 = tpu.vector_load %arg13[%swap3A_222] {strides = array<i32>} : memref<32xi32, #tpu.memory_space<vmem>>, vector<16xi32>,
      tpu.vector_store %arg13[%swap3A_222], %get3A_221 {strides = array<i32>} : memref<32xi32, #tpu.memory_space<vmem>>, vector<16xi32>,
      %get3A_224 = arith.constant 16 : index
      %get3A_225 = tpu.vector_load %arg11[%get3A_224] {strides = array<i32>} : memref<32xi32, #tpu.memory_space<vmem>>, vector<16xi32>,
      %swap3A_226 = arith.constant 16 : index
      %swap3A_227 = tpu.vector_load %arg13[%swap3A_226] {strides = array<i32>} : memref<32xi32, #tpu.memory_space<vmem>>, vector<16xi32>,
      tpu.vector_store %arg13[%swap3A_226], %get3A_225 {strides = array<i32>} : memref<32xi32, #tpu.memory_space<vmem>>, vector<16xi32>,
      %lt3A_228 = arith.constant 157 : i32
      %lt3A_229 = arith.cmpi slt, %scan3A_159, %lt3A_228 : i32
      %convert_element_type3A_230 = arith.extui %lt3A_229 : i1 to i32
      %cond3A_231 = arith.constant 0 : i32
      %cond3A_232 = arith.cmpi ne, %convert_element_type3A_230, %cond3A_231 : i32
      scf.if %cond3A_232 {
        %add3A_247 = arith.constant 2 : i32
        %add3A_248 = arith.addi %add3A_208, %add3A_247 : i32
        %mul3A_249 = arith.constant 10112 : i32
        %mul3A_250 = arith.muli %add3A, %mul3A_249 : i32
        %mul3A_251 = arith.constant 32 : i32
        %mul3A_252 = arith.muli %add3A_248, %mul3A_251 : i32
        %add3A_253 = arith.addi %mul3A_250, %mul3A_252 : i32
        %dma_start3A_254 = tpu.memref_slice %arg4[%add3A_253] : memref<323584xi32, #tpu.memory_space<hbm>> -> memref<32xi32, #tpu.memory_space<hbm>>
        %dma_start3A_255 = tpu.memref_slice %arg4[%add3A_253] : memref<323584xi32, #tpu.memory_space<hbm>> -> memref<32xi32, #tpu.memory_space<hbm>>
        tpu.enqueue_dma source(%dma_start3A_255 : memref<32xi32, #tpu.memory_space<hbm>>) target(%arg9 : memref<32xi32, #tpu.memory_space<vmem>>) target_semaphore(%arg21 : memref<!tpu.dma_semaphore, #tpu.memory_space<semaphore_mem>>)
        %dma_start3A_256 = tpu.memref_slice %arg5[%add3A_253] : memref<323584xi32, #tpu.memory_space<hbm>> -> memref<32xi32, #tpu.memory_space<hbm>>
        %dma_start3A_257 = tpu.memref_slice %arg5[%add3A_253] : memref<323584xi32, #tpu.memory_space<hbm>> -> memref<32xi32, #tpu.memory_space<hbm>>
        tpu.enqueue_dma source(%dma_start3A_257 : memref<32xi32, #tpu.memory_space<hbm>>) target(%arg11 : memref<32xi32, #tpu.memory_space<vmem>>) target_semaphore(%arg21 : memref<!tpu.dma_semaphore, #tpu.memory_space<semaphore_mem>>)
      } else {
      }
      %lt3A_233 = arith.constant 157 : i32
      %lt3A_234 = arith.cmpi slt, %scan3A_159, %lt3A_233 : i32
      %convert_element_type3A_235 = arith.extui %lt3A_234 : i1 to i32
      %cond3A_236 = arith.constant 0 : i32
      %cond3A_237 = arith.cmpi ne, %convert_element_type3A_235, %cond3A_236 : i32
      scf.if %cond3A_237 {
        %dma_wait3A_247 = arith.constant 0 : i32
        %dma_wait3A_248 = tpu.memref_slice %arg4[%dma_wait3A_247] : memref<323584xi32, #tpu.memory_space<hbm>> -> memref<32xi32, #tpu.memory_space<hbm>>
        %dma_wait3A_249 = arith.constant 0 : i32
        %dma_wait3A_250 = tpu.memref_slice %arg4[%dma_wait3A_249] : memref<323584xi32, #tpu.memory_space<hbm>> -> memref<32xi32, #tpu.memory_space<hbm>>
        tpu.wait_dma2 semaphore(%arg20 : memref<!tpu.dma_semaphore, #tpu.memory_space<semaphore_mem>>) src(%dma_wait3A_250 : memref<32xi32, #tpu.memory_space<hbm>>) dst(%arg8 : memref<32xi32, #tpu.memory_space<vmem>>)
        %dma_wait3A_251 = arith.constant 0 : i32
        %dma_wait3A_252 = tpu.memref_slice %arg5[%dma_wait3A_251] : memref<323584xi32, #tpu.memory_space<hbm>> -> memref<32xi32, #tpu.memory_space<hbm>>
        %dma_wait3A_253 = arith.constant 0 : i32
        %dma_wait3A_254 = tpu.memref_slice %arg5[%dma_wait3A_253] : memref<323584xi32, #tpu.memory_space<hbm>> -> memref<32xi32, #tpu.memory_space<hbm>>
        tpu.wait_dma2 semaphore(%arg20 : memref<!tpu.dma_semaphore, #tpu.memory_space<semaphore_mem>>) src(%dma_wait3A_254 : memref<32xi32, #tpu.memory_space<hbm>>) dst(%arg10 : memref<32xi32, #tpu.memory_space<vmem>>)
        %dma_start3A_255 = arith.constant 0 : i32
        %dma_start3A_256 = arith.constant 0 : i32
        %dma_start3A_257 = tpu.memref_slice %arg3[%dma_start3A_255, %dma_start3A_256] : memref<10000x256xf32, #tpu.memory_space<hbm>> -> memref<10000x256xf32, #tpu.memory_space<hbm>>
        tpu.enqueue_indirect_dma source(%dma_start3A_257 : memref<10000x256xf32, #tpu.memory_space<hbm>>) target(%arg14 : memref<32x256xf32, #tpu.memory_space<vmem>>) offsets(%arg8 : memref<32xi32, #tpu.memory_space<vmem>>) semaphore(%arg22 : memref<!tpu.dma_semaphore, #tpu.memory_space<semaphore_mem>>)
        %dma_start3A_258 = arith.constant 0 : i32
        %dma_start3A_259 = arith.constant 0 : i32
        %dma_start3A_260 = tpu.memref_slice %arg2[%dma_start3A_258, %dma_start3A_259] : memref<10000x128xf32, #tpu.memory_space<hbm>> -> memref<10000x128xf32, #tpu.memory_space<hbm>>
        tpu.enqueue_indirect_dma source(%dma_start3A_260 : memref<10000x128xf32, #tpu.memory_space<hbm>>) target(%arg16 : memref<32x128xf32, #tpu.memory_space<vmem>>) offsets(%arg10 : memref<32xi32, #tpu.memory_space<vmem>>) semaphore(%arg24 : memref<!tpu.dma_semaphore, #tpu.memory_space<semaphore_mem>>)
      } else {
      }
      %scan3A_238 = arith.constant 0 : i32
      %scan3A_239 = arith.constant 0 : i32
      %scan3A_240 = arith.constant 16 : i32
      %scan3A_241 = arith.addi %scan3A_239, %scan3A_240 : i32
      %scan3A_242 = arith.constant 1 : i32
      scf.for %scan3A_247 = %scan3A_239 to %scan3A_241 step %scan3A_242  : i32 {
        %mul3A_248 = arith.constant 2 : i32
        %mul3A_249 = arith.muli %scan3A_247, %mul3A_248 : i32
        %add3A_250 = arith.constant 1 : i32
        %add3A_251 = arith.addi %mul3A_249, %add3A_250 : i32
        %broadcast_in_dim3A_252 = arith.constant 0.000000e+00 : f32
        %broadcast_in_dim3A_253 = vector.broadcast %broadcast_in_dim3A_252 : f32 to vector<16xf32>
        %broadcast_in_dim3A_254 = arith.constant 0.000000e+00 : f32
        %broadcast_in_dim3A_255 = vector.broadcast %broadcast_in_dim3A_254 : f32 to vector<16xf32>
        %get3A_256 = arith.index_cast %mul3A_249 : i32 to index
        %get3A_257 = arith.constant 0 : index
        %get3A_258 = tpu.vector_load %arg15[%get3A_256, %get3A_257] {strides = array<i32>} : memref<32x256xf32, #tpu.memory_space<vmem>>, vector<16xf32>,
        %get3A_259 = arith.index_cast %mul3A_249 : i32 to index
        %get3A_260 = arith.constant 0 : index
        %get3A_261 = tpu.vector_load %arg17[%get3A_259, %get3A_260] {strides = array<i32>} : memref<32x128xf32, #tpu.memory_space<vmem>>, vector<16xf32>,
        %get3A_262 = arith.index_cast %add3A_251 : i32 to index
        %get3A_263 = arith.constant 0 : index
        %get3A_264 = tpu.vector_load %arg15[%get3A_262, %get3A_263] {strides = array<i32>} : memref<32x256xf32, #tpu.memory_space<vmem>>, vector<16xf32>,
        %get3A_265 = arith.index_cast %add3A_251 : i32 to index
        %get3A_266 = arith.constant 0 : index
        %get3A_267 = tpu.vector_load %arg17[%get3A_265, %get3A_266] {strides = array<i32>} : memref<32x128xf32, #tpu.memory_space<vmem>>, vector<16xf32>,
        %mul3A_268 = arith.mulf %get3A_258, %get3A_261 : vector<16xf32>
        %cumsum3A = arith.constant true
        %cumsum3A_269 = vector.broadcast %cumsum3A : i1 to vector<16xi1>
        %cumsum3A_270 = tpu.scan <sum>, %mul3A_268 masked %cumsum3A_269 : vector<16xf32>, vector<16xi1> -> vector<16xf32>
        %lt3A_271 = arith.constant 0 : i32
        %lt3A_272 = vector.broadcast %lt3A_271 : i32 to vector<16xi32>
        %lt3A_273 = arith.cmpi slt, %broadcast_in_dim3A_86, %lt3A_272 : vector<16xi32>
        %add3A_274 = arith.constant 16 : i32
        %add3A_275 = vector.broadcast %add3A_274 : i32 to vector<16xi32>
        %add3A_276 = arith.addi %broadcast_in_dim3A_86, %add3A_275 : vector<16xi32>
        %select_n3A = arith.select %lt3A_273, %add3A_276, %broadcast_in_dim3A_86 : vector<16xi1>, vector<16xi32>
        %broadcast_in_dim3A_277 = vector.shape_cast %select_n3A : vector<16xi32> to vector<16x1xi32>
        %gather3A = vector.shape_cast %broadcast_in_dim3A_277 : vector<16x1xi32> to vector<16xi32>
        %gather3A_278 = tpu.dynamic_gather %cumsum3A_270[%gather3A] in [0] : vector<16xf32>, vector<16xi32> -> vector<16xf32>
        %mul3A_279 = arith.mulf %get3A_264, %get3A_267 : vector<16xf32>
        %cumsum3A_280 = arith.constant true
        %cumsum3A_281 = vector.broadcast %cumsum3A_280 : i1 to vector<16xi1>
        %cumsum3A_282 = tpu.scan <sum>, %mul3A_279 masked %cumsum3A_281 : vector<16xf32>, vector<16xi1> -> vector<16xf32>
        %lt3A_283 = arith.constant 0 : i32
        %lt3A_284 = vector.broadcast %lt3A_283 : i32 to vector<16xi32>
        %lt3A_285 = arith.cmpi slt, %broadcast_in_dim3A_86, %lt3A_284 : vector<16xi32>
        %add3A_286 = arith.constant 16 : i32
        %add3A_287 = vector.broadcast %add3A_286 : i32 to vector<16xi32>
        %add3A_288 = arith.addi %broadcast_in_dim3A_86, %add3A_287 : vector<16xi32>
        %select_n3A_289 = arith.select %lt3A_285, %add3A_288, %broadcast_in_dim3A_86 : vector<16xi1>, vector<16xi32>
        %broadcast_in_dim3A_290 = vector.shape_cast %select_n3A_289 : vector<16xi32> to vector<16x1xi32>
        %gather3A_291 = vector.shape_cast %broadcast_in_dim3A_290 : vector<16x1xi32> to vector<16xi32>
        %gather3A_292 = tpu.dynamic_gather %cumsum3A_282[%gather3A_291] in [0] : vector<16xf32>, vector<16xi32> -> vector<16xf32>
        %select_n3A_293 = arith.select %eq3A_88, %gather3A_278, %broadcast_in_dim3A_253 : vector<16xi1>, vector<16xf32>
        %select_n3A_294 = arith.select %eq3A_88, %gather3A_292, %broadcast_in_dim3A_255 : vector<16xi1>, vector<16xf32>
        %get3A_295 = arith.index_cast %mul3A_249 : i32 to index
        %get3A_296 = arith.constant 16 : index
        %get3A_297 = tpu.vector_load %arg15[%get3A_295, %get3A_296] {strides = array<i32>} : memref<32x256xf32, #tpu.memory_space<vmem>>, vector<16xf32>,
        %get3A_298 = arith.index_cast %mul3A_249 : i32 to index
        %get3A_299 = arith.constant 16 : index
        %get3A_300 = tpu.vector_load %arg17[%get3A_298, %get3A_299] {strides = array<i32>} : memref<32x128xf32, #tpu.memory_space<vmem>>, vector<16xf32>,
        %get3A_301 = arith.index_cast %add3A_251 : i32 to index
        %get3A_302 = arith.constant 16 : index
        %get3A_303 = tpu.vector_load %arg15[%get3A_301, %get3A_302] {strides = array<i32>} : memref<32x256xf32, #tpu.memory_space<vmem>>, vector<16xf32>,
        %get3A_304 = arith.index_cast %add3A_251 : i32 to index
        %get3A_305 = arith.constant 16 : index
        %get3A_306 = tpu.vector_load %arg17[%get3A_304, %get3A_305] {strides = array<i32>} : memref<32x128xf32, #tpu.memory_space<vmem>>, vector<16xf32>,
        %mul3A_307 = arith.mulf %get3A_297, %get3A_300 : vector<16xf32>
        %cumsum3A_308 = arith.constant true
        %cumsum3A_309 = vector.broadcast %cumsum3A_308 : i1 to vector<16xi1>
        %cumsum3A_310 = tpu.scan <sum>, %mul3A_307 masked %cumsum3A_309 : vector<16xf32>, vector<16xi1> -> vector<16xf32>
        %lt3A_311 = arith.constant 0 : i32
        %lt3A_312 = vector.broadcast %lt3A_311 : i32 to vector<16xi32>
        %lt3A_313 = arith.cmpi slt, %broadcast_in_dim3A_86, %lt3A_312 : vector<16xi32>
        %add3A_314 = arith.constant 16 : i32
        %add3A_315 = vector.broadcast %add3A_314 : i32 to vector<16xi32>
        %add3A_316 = arith.addi %broadcast_in_dim3A_86, %add3A_315 : vector<16xi32>
        %select_n3A_317 = arith.select %lt3A_313, %add3A_316, %broadcast_in_dim3A_86 : vector<16xi1>, vector<16xi32>
        %broadcast_in_dim3A_318 = vector.shape_cast %select_n3A_317 : vector<16xi32> to vector<16x1xi32>
        %gather3A_319 = vector.shape_cast %broadcast_in_dim3A_318 : vector<16x1xi32> to vector<16xi32>
        %gather3A_320 = tpu.dynamic_gather %cumsum3A_310[%gather3A_319] in [0] : vector<16xf32>, vector<16xi32> -> vector<16xf32>
        %mul3A_321 = arith.mulf %get3A_303, %get3A_306 : vector<16xf32>
        %cumsum3A_322 = arith.constant true
        %cumsum3A_323 = vector.broadcast %cumsum3A_322 : i1 to vector<16xi1>
        %cumsum3A_324 = tpu.scan <sum>, %mul3A_321 masked %cumsum3A_323 : vector<16xf32>, vector<16xi1> -> vector<16xf32>
        %lt3A_325 = arith.constant 0 : i32
        %lt3A_326 = vector.broadcast %lt3A_325 : i32 to vector<16xi32>
        %lt3A_327 = arith.cmpi slt, %broadcast_in_dim3A_86, %lt3A_326 : vector<16xi32>
        %add3A_328 = arith.constant 16 : i32
        %add3A_329 = vector.broadcast %add3A_328 : i32 to vector<16xi32>
        %add3A_330 = arith.addi %broadcast_in_dim3A_86, %add3A_329 : vector<16xi32>
        %select_n3A_331 = arith.select %lt3A_327, %add3A_330, %broadcast_in_dim3A_86 : vector<16xi1>, vector<16xi32>
        %broadcast_in_dim3A_332 = vector.shape_cast %select_n3A_331 : vector<16xi32> to vector<16x1xi32>
        %gather3A_333 = vector.shape_cast %broadcast_in_dim3A_332 : vector<16x1xi32> to vector<16xi32>
        %gather3A_334 = tpu.dynamic_gather %cumsum3A_324[%gather3A_333] in [0] : vector<16xf32>, vector<16xi32> -> vector<16xf32>
        %select_n3A_335 = arith.select %eq3A_91, %gather3A_320, %select_n3A_293 : vector<16xi1>, vector<16xf32>
        %select_n3A_336 = arith.select %eq3A_91, %gather3A_334, %select_n3A_294 : vector<16xi1>, vector<16xf32>
        %get3A_337 = arith.index_cast %mul3A_249 : i32 to index
        %get3A_338 = arith.constant 32 : index
        %get3A_339 = tpu.vector_load %arg15[%get3A_337, %get3A_338] {strides = array<i32>} : memref<32x256xf32, #tpu.memory_space<vmem>>, vector<16xf32>,
        %get3A_340 = arith.index_cast %mul3A_249 : i32 to index
        %get3A_341 = arith.constant 32 : index
        %get3A_342 = tpu.vector_load %arg17[%get3A_340, %get3A_341] {strides = array<i32>} : memref<32x128xf32, #tpu.memory_space<vmem>>, vector<16xf32>,
        %get3A_343 = arith.index_cast %add3A_251 : i32 to index
        %get3A_344 = arith.constant 32 : index
        %get3A_345 = tpu.vector_load %arg15[%get3A_343, %get3A_344] {strides = array<i32>} : memref<32x256xf32, #tpu.memory_space<vmem>>, vector<16xf32>,
        %get3A_346 = arith.index_cast %add3A_251 : i32 to index
        %get3A_347 = arith.constant 32 : index
        %get3A_348 = tpu.vector_load %arg17[%get3A_346, %get3A_347] {strides = array<i32>} : memref<32x128xf32, #tpu.memory_space<vmem>>, vector<16xf32>,
        %mul3A_349 = arith.mulf %get3A_339, %get3A_342 : vector<16xf32>
        %cumsum3A_350 = arith.constant true
        %cumsum3A_351 = vector.broadcast %cumsum3A_350 : i1 to vector<16xi1>
        %cumsum3A_352 = tpu.scan <sum>, %mul3A_349 masked %cumsum3A_351 : vector<16xf32>, vector<16xi1> -> vector<16xf32>
        %lt3A_353 = arith.constant 0 : i32
        %lt3A_354 = vector.broadcast %lt3A_353 : i32 to vector<16xi32>
        %lt3A_355 = arith.cmpi slt, %broadcast_in_dim3A_86, %lt3A_354 : vector<16xi32>
        %add3A_356 = arith.constant 16 : i32
        %add3A_357 = vector.broadcast %add3A_356 : i32 to vector<16xi32>
        %add3A_358 = arith.addi %broadcast_in_dim3A_86, %add3A_357 : vector<16xi32>
        %select_n3A_359 = arith.select %lt3A_355, %add3A_358, %broadcast_in_dim3A_86 : vector<16xi1>, vector<16xi32>
        %broadcast_in_dim3A_360 = vector.shape_cast %select_n3A_359 : vector<16xi32> to vector<16x1xi32>
        %gather3A_361 = vector.shape_cast %broadcast_in_dim3A_360 : vector<16x1xi32> to vector<16xi32>
        %gather3A_362 = tpu.dynamic_gather %cumsum3A_352[%gather3A_361] in [0] : vector<16xf32>, vector<16xi32> -> vector<16xf32>
        %mul3A_363 = arith.mulf %get3A_345, %get3A_348 : vector<16xf32>
        %cumsum3A_364 = arith.constant true
        %cumsum3A_365 = vector.broadcast %cumsum3A_364 : i1 to vector<16xi1>
        %cumsum3A_366 = tpu.scan <sum>, %mul3A_363 masked %cumsum3A_365 : vector<16xf32>, vector<16xi1> -> vector<16xf32>
        %lt3A_367 = arith.constant 0 : i32
        %lt3A_368 = vector.broadcast %lt3A_367 : i32 to vector<16xi32>
        %lt3A_369 = arith.cmpi slt, %broadcast_in_dim3A_86, %lt3A_368 : vector<16xi32>
        %add3A_370 = arith.constant 16 : i32
        %add3A_371 = vector.broadcast %add3A_370 : i32 to vector<16xi32>
        %add3A_372 = arith.addi %broadcast_in_dim3A_86, %add3A_371 : vector<16xi32>
        %select_n3A_373 = arith.select %lt3A_369, %add3A_372, %broadcast_in_dim3A_86 : vector<16xi1>, vector<16xi32>
        %broadcast_in_dim3A_374 = vector.shape_cast %select_n3A_373 : vector<16xi32> to vector<16x1xi32>
        %gather3A_375 = vector.shape_cast %broadcast_in_dim3A_374 : vector<16x1xi32> to vector<16xi32>
        %gather3A_376 = tpu.dynamic_gather %cumsum3A_366[%gather3A_375] in [0] : vector<16xf32>, vector<16xi32> -> vector<16xf32>
        %select_n3A_377 = arith.select %eq3A_94, %gather3A_362, %select_n3A_335 : vector<16xi1>, vector<16xf32>
        %select_n3A_378 = arith.select %eq3A_94, %gather3A_376, %select_n3A_336 : vector<16xi1>, vector<16xf32>
        %get3A_379 = arith.index_cast %mul3A_249 : i32 to index
        %get3A_380 = arith.constant 48 : index
        %get3A_381 = tpu.vector_load %arg15[%get3A_379, %get3A_380] {strides = array<i32>} : memref<32x256xf32, #tpu.memory_space<vmem>>, vector<16xf32>,
        %get3A_382 = arith.index_cast %mul3A_249 : i32 to index
        %get3A_383 = arith.constant 48 : index
        %get3A_384 = tpu.vector_load %arg17[%get3A_382, %get3A_383] {strides = array<i32>} : memref<32x128xf32, #tpu.memory_space<vmem>>, vector<16xf32>,
        %get3A_385 = arith.index_cast %add3A_251 : i32 to index
        %get3A_386 = arith.constant 48 : index
        %get3A_387 = tpu.vector_load %arg15[%get3A_385, %get3A_386] {strides = array<i32>} : memref<32x256xf32, #tpu.memory_space<vmem>>, vector<16xf32>,
        %get3A_388 = arith.index_cast %add3A_251 : i32 to index
        %get3A_389 = arith.constant 48 : index
        %get3A_390 = tpu.vector_load %arg17[%get3A_388, %get3A_389] {strides = array<i32>} : memref<32x128xf32, #tpu.memory_space<vmem>>, vector<16xf32>,
        %mul3A_391 = arith.mulf %get3A_381, %get3A_384 : vector<16xf32>
        %cumsum3A_392 = arith.constant true
        %cumsum3A_393 = vector.broadcast %cumsum3A_392 : i1 to vector<16xi1>
        %cumsum3A_394 = tpu.scan <sum>, %mul3A_391 masked %cumsum3A_393 : vector<16xf32>, vector<16xi1> -> vector<16xf32>
        %lt3A_395 = arith.constant 0 : i32
        %lt3A_396 = vector.broadcast %lt3A_395 : i32 to vector<16xi32>
        %lt3A_397 = arith.cmpi slt, %broadcast_in_dim3A_86, %lt3A_396 : vector<16xi32>
        %add3A_398 = arith.constant 16 : i32
        %add3A_399 = vector.broadcast %add3A_398 : i32 to vector<16xi32>
        %add3A_400 = arith.addi %broadcast_in_dim3A_86, %add3A_399 : vector<16xi32>
        %select_n3A_401 = arith.select %lt3A_397, %add3A_400, %broadcast_in_dim3A_86 : vector<16xi1>, vector<16xi32>
        %broadcast_in_dim3A_402 = vector.shape_cast %select_n3A_401 : vector<16xi32> to vector<16x1xi32>
        %gather3A_403 = vector.shape_cast %broadcast_in_dim3A_402 : vector<16x1xi32> to vector<16xi32>
        %gather3A_404 = tpu.dynamic_gather %cumsum3A_394[%gather3A_403] in [0] : vector<16xf32>, vector<16xi32> -> vector<16xf32>
        %mul3A_405 = arith.mulf %get3A_387, %get3A_390 : vector<16xf32>
        %cumsum3A_406 = arith.constant true
        %cumsum3A_407 = vector.broadcast %cumsum3A_406 : i1 to vector<16xi1>
        %cumsum3A_408 = tpu.scan <sum>, %mul3A_405 masked %cumsum3A_407 : vector<16xf32>, vector<16xi1> -> vector<16xf32>
        %lt3A_409 = arith.constant 0 : i32
        %lt3A_410 = vector.broadcast %lt3A_409 : i32 to vector<16xi32>
        %lt3A_411 = arith.cmpi slt, %broadcast_in_dim3A_86, %lt3A_410 : vector<16xi32>
        %add3A_412 = arith.constant 16 : i32
        %add3A_413 = vector.broadcast %add3A_412 : i32 to vector<16xi32>
        %add3A_414 = arith.addi %broadcast_in_dim3A_86, %add3A_413 : vector<16xi32>
        %select_n3A_415 = arith.select %lt3A_411, %add3A_414, %broadcast_in_dim3A_86 : vector<16xi1>, vector<16xi32>
        %broadcast_in_dim3A_416 = vector.shape_cast %select_n3A_415 : vector<16xi32> to vector<16x1xi32>
        %gather3A_417 = vector.shape_cast %broadcast_in_dim3A_416 : vector<16x1xi32> to vector<16xi32>
        %gather3A_418 = tpu.dynamic_gather %cumsum3A_408[%gather3A_417] in [0] : vector<16xf32>, vector<16xi32> -> vector<16xf32>
        %select_n3A_419 = arith.select %eq3A_97, %gather3A_404, %select_n3A_377 : vector<16xi1>, vector<16xf32>
        %select_n3A_420 = arith.select %eq3A_97, %gather3A_418, %select_n3A_378 : vector<16xi1>, vector<16xf32>
        %get3A_421 = arith.index_cast %mul3A_249 : i32 to index
        %get3A_422 = arith.constant 64 : index
        %get3A_423 = tpu.vector_load %arg15[%get3A_421, %get3A_422] {strides = array<i32>} : memref<32x256xf32, #tpu.memory_space<vmem>>, vector<16xf32>,
        %get3A_424 = arith.index_cast %mul3A_249 : i32 to index
        %get3A_425 = arith.constant 64 : index
        %get3A_426 = tpu.vector_load %arg17[%get3A_424, %get3A_425] {strides = array<i32>} : memref<32x128xf32, #tpu.memory_space<vmem>>, vector<16xf32>,
        %get3A_427 = arith.index_cast %add3A_251 : i32 to index
        %get3A_428 = arith.constant 64 : index
        %get3A_429 = tpu.vector_load %arg15[%get3A_427, %get3A_428] {strides = array<i32>} : memref<32x256xf32, #tpu.memory_space<vmem>>, vector<16xf32>,
        %get3A_430 = arith.index_cast %add3A_251 : i32 to index
        %get3A_431 = arith.constant 64 : index
        %get3A_432 = tpu.vector_load %arg17[%get3A_430, %get3A_431] {strides = array<i32>} : memref<32x128xf32, #tpu.memory_space<vmem>>, vector<16xf32>,
        %mul3A_433 = arith.mulf %get3A_423, %get3A_426 : vector<16xf32>
        %cumsum3A_434 = arith.constant true
        %cumsum3A_435 = vector.broadcast %cumsum3A_434 : i1 to vector<16xi1>
        %cumsum3A_436 = tpu.scan <sum>, %mul3A_433 masked %cumsum3A_435 : vector<16xf32>, vector<16xi1> -> vector<16xf32>
        %lt3A_437 = arith.constant 0 : i32
        %lt3A_438 = vector.broadcast %lt3A_437 : i32 to vector<16xi32>
        %lt3A_439 = arith.cmpi slt, %broadcast_in_dim3A_86, %lt3A_438 : vector<16xi32>
        %add3A_440 = arith.constant 16 : i32
        %add3A_441 = vector.broadcast %add3A_440 : i32 to vector<16xi32>
        %add3A_442 = arith.addi %broadcast_in_dim3A_86, %add3A_441 : vector<16xi32>
        %select_n3A_443 = arith.select %lt3A_439, %add3A_442, %broadcast_in_dim3A_86 : vector<16xi1>, vector<16xi32>
        %broadcast_in_dim3A_444 = vector.shape_cast %select_n3A_443 : vector<16xi32> to vector<16x1xi32>
        %gather3A_445 = vector.shape_cast %broadcast_in_dim3A_444 : vector<16x1xi32> to vector<16xi32>
        %gather3A_446 = tpu.dynamic_gather %cumsum3A_436[%gather3A_445] in [0] : vector<16xf32>, vector<16xi32> -> vector<16xf32>
        %mul3A_447 = arith.mulf %get3A_429, %get3A_432 : vector<16xf32>
        %cumsum3A_448 = arith.constant true
        %cumsum3A_449 = vector.broadcast %cumsum3A_448 : i1 to vector<16xi1>
        %cumsum3A_450 = tpu.scan <sum>, %mul3A_447 masked %cumsum3A_449 : vector<16xf32>, vector<16xi1> -> vector<16xf32>
        %lt3A_451 = arith.constant 0 : i32
        %lt3A_452 = vector.broadcast %lt3A_451 : i32 to vector<16xi32>
        %lt3A_453 = arith.cmpi slt, %broadcast_in_dim3A_86, %lt3A_452 : vector<16xi32>
        %add3A_454 = arith.constant 16 : i32
        %add3A_455 = vector.broadcast %add3A_454 : i32 to vector<16xi32>
        %add3A_456 = arith.addi %broadcast_in_dim3A_86, %add3A_455 : vector<16xi32>
        %select_n3A_457 = arith.select %lt3A_453, %add3A_456, %broadcast_in_dim3A_86 : vector<16xi1>, vector<16xi32>
        %broadcast_in_dim3A_458 = vector.shape_cast %select_n3A_457 : vector<16xi32> to vector<16x1xi32>
        %gather3A_459 = vector.shape_cast %broadcast_in_dim3A_458 : vector<16x1xi32> to vector<16xi32>
        %gather3A_460 = tpu.dynamic_gather %cumsum3A_450[%gather3A_459] in [0] : vector<16xf32>, vector<16xi32> -> vector<16xf32>
        %select_n3A_461 = arith.select %eq3A_100, %gather3A_446, %select_n3A_419 : vector<16xi1>, vector<16xf32>
        %select_n3A_462 = arith.select %eq3A_100, %gather3A_460, %select_n3A_420 : vector<16xi1>, vector<16xf32>
        %get3A_463 = arith.index_cast %mul3A_249 : i32 to index
        %get3A_464 = arith.constant 80 : index
        %get3A_465 = tpu.vector_load %arg15[%get3A_463, %get3A_464] {strides = array<i32>} : memref<32x256xf32, #tpu.memory_space<vmem>>, vector<16xf32>,
        %get3A_466 = arith.index_cast %mul3A_249 : i32 to index
        %get3A_467 = arith.constant 80 : index
        %get3A_468 = tpu.vector_load %arg17[%get3A_466, %get3A_467] {strides = array<i32>} : memref<32x128xf32, #tpu.memory_space<vmem>>, vector<16xf32>,
        %get3A_469 = arith.index_cast %add3A_251 : i32 to index
        %get3A_470 = arith.constant 80 : index
        %get3A_471 = tpu.vector_load %arg15[%get3A_469, %get3A_470] {strides = array<i32>} : memref<32x256xf32, #tpu.memory_space<vmem>>, vector<16xf32>,
        %get3A_472 = arith.index_cast %add3A_251 : i32 to index
        %get3A_473 = arith.constant 80 : index
        %get3A_474 = tpu.vector_load %arg17[%get3A_472, %get3A_473] {strides = array<i32>} : memref<32x128xf32, #tpu.memory_space<vmem>>, vector<16xf32>,
        %mul3A_475 = arith.mulf %get3A_465, %get3A_468 : vector<16xf32>
        %cumsum3A_476 = arith.constant true
        %cumsum3A_477 = vector.broadcast %cumsum3A_476 : i1 to vector<16xi1>
        %cumsum3A_478 = tpu.scan <sum>, %mul3A_475 masked %cumsum3A_477 : vector<16xf32>, vector<16xi1> -> vector<16xf32>
        %lt3A_479 = arith.constant 0 : i32
        %lt3A_480 = vector.broadcast %lt3A_479 : i32 to vector<16xi32>
        %lt3A_481 = arith.cmpi slt, %broadcast_in_dim3A_86, %lt3A_480 : vector<16xi32>
        %add3A_482 = arith.constant 16 : i32
        %add3A_483 = vector.broadcast %add3A_482 : i32 to vector<16xi32>
        %add3A_484 = arith.addi %broadcast_in_dim3A_86, %add3A_483 : vector<16xi32>
        %select_n3A_485 = arith.select %lt3A_481, %add3A_484, %broadcast_in_dim3A_86 : vector<16xi1>, vector<16xi32>
        %broadcast_in_dim3A_486 = vector.shape_cast %select_n3A_485 : vector<16xi32> to vector<16x1xi32>
        %gather3A_487 = vector.shape_cast %broadcast_in_dim3A_486 : vector<16x1xi32> to vector<16xi32>
        %gather3A_488 = tpu.dynamic_gather %cumsum3A_478[%gather3A_487] in [0] : vector<16xf32>, vector<16xi32> -> vector<16xf32>
        %mul3A_489 = arith.mulf %get3A_471, %get3A_474 : vector<16xf32>
        %cumsum3A_490 = arith.constant true
        %cumsum3A_491 = vector.broadcast %cumsum3A_490 : i1 to vector<16xi1>
        %cumsum3A_492 = tpu.scan <sum>, %mul3A_489 masked %cumsum3A_491 : vector<16xf32>, vector<16xi1> -> vector<16xf32>
        %lt3A_493 = arith.constant 0 : i32
        %lt3A_494 = vector.broadcast %lt3A_493 : i32 to vector<16xi32>
        %lt3A_495 = arith.cmpi slt, %broadcast_in_dim3A_86, %lt3A_494 : vector<16xi32>
        %add3A_496 = arith.constant 16 : i32
        %add3A_497 = vector.broadcast %add3A_496 : i32 to vector<16xi32>
        %add3A_498 = arith.addi %broadcast_in_dim3A_86, %add3A_497 : vector<16xi32>
        %select_n3A_499 = arith.select %lt3A_495, %add3A_498, %broadcast_in_dim3A_86 : vector<16xi1>, vector<16xi32>
        %broadcast_in_dim3A_500 = vector.shape_cast %select_n3A_499 : vector<16xi32> to vector<16x1xi32>
        %gather3A_501 = vector.shape_cast %broadcast_in_dim3A_500 : vector<16x1xi32> to vector<16xi32>
        %gather3A_502 = tpu.dynamic_gather %cumsum3A_492[%gather3A_501] in [0] : vector<16xf32>, vector<16xi32> -> vector<16xf32>
        %select_n3A_503 = arith.select %eq3A_103, %gather3A_488, %select_n3A_461 : vector<16xi1>, vector<16xf32>
        %select_n3A_504 = arith.select %eq3A_103, %gather3A_502, %select_n3A_462 : vector<16xi1>, vector<16xf32>
        %get3A_505 = arith.index_cast %mul3A_249 : i32 to index
        %get3A_506 = arith.constant 96 : index
        %get3A_507 = tpu.vector_load %arg15[%get3A_505, %get3A_506] {strides = array<i32>} : memref<32x256xf32, #tpu.memory_space<vmem>>, vector<16xf32>,
        %get3A_508 = arith.index_cast %mul3A_249 : i32 to index
        %get3A_509 = arith.constant 96 : index
        %get3A_510 = tpu.vector_load %arg17[%get3A_508, %get3A_509] {strides = array<i32>} : memref<32x128xf32, #tpu.memory_space<vmem>>, vector<16xf32>,
        %get3A_511 = arith.index_cast %add3A_251 : i32 to index
        %get3A_512 = arith.constant 96 : index
        %get3A_513 = tpu.vector_load %arg15[%get3A_511, %get3A_512] {strides = array<i32>} : memref<32x256xf32, #tpu.memory_space<vmem>>, vector<16xf32>,
        %get3A_514 = arith.index_cast %add3A_251 : i32 to index
        %get3A_515 = arith.constant 96 : index
        %get3A_516 = tpu.vector_load %arg17[%get3A_514, %get3A_515] {strides = array<i32>} : memref<32x128xf32, #tpu.memory_space<vmem>>, vector<16xf32>,
        %mul3A_517 = arith.mulf %get3A_507, %get3A_510 : vector<16xf32>
        %cumsum3A_518 = arith.constant true
        %cumsum3A_519 = vector.broadcast %cumsum3A_518 : i1 to vector<16xi1>
        %cumsum3A_520 = tpu.scan <sum>, %mul3A_517 masked %cumsum3A_519 : vector<16xf32>, vector<16xi1> -> vector<16xf32>
        %lt3A_521 = arith.constant 0 : i32
        %lt3A_522 = vector.broadcast %lt3A_521 : i32 to vector<16xi32>
        %lt3A_523 = arith.cmpi slt, %broadcast_in_dim3A_86, %lt3A_522 : vector<16xi32>
        %add3A_524 = arith.constant 16 : i32
        %add3A_525 = vector.broadcast %add3A_524 : i32 to vector<16xi32>
        %add3A_526 = arith.addi %broadcast_in_dim3A_86, %add3A_525 : vector<16xi32>
        %select_n3A_527 = arith.select %lt3A_523, %add3A_526, %broadcast_in_dim3A_86 : vector<16xi1>, vector<16xi32>
        %broadcast_in_dim3A_528 = vector.shape_cast %select_n3A_527 : vector<16xi32> to vector<16x1xi32>
        %gather3A_529 = vector.shape_cast %broadcast_in_dim3A_528 : vector<16x1xi32> to vector<16xi32>
        %gather3A_530 = tpu.dynamic_gather %cumsum3A_520[%gather3A_529] in [0] : vector<16xf32>, vector<16xi32> -> vector<16xf32>
        %mul3A_531 = arith.mulf %get3A_513, %get3A_516 : vector<16xf32>
        %cumsum3A_532 = arith.constant true
        %cumsum3A_533 = vector.broadcast %cumsum3A_532 : i1 to vector<16xi1>
        %cumsum3A_534 = tpu.scan <sum>, %mul3A_531 masked %cumsum3A_533 : vector<16xf32>, vector<16xi1> -> vector<16xf32>
        %lt3A_535 = arith.constant 0 : i32
        %lt3A_536 = vector.broadcast %lt3A_535 : i32 to vector<16xi32>
        %lt3A_537 = arith.cmpi slt, %broadcast_in_dim3A_86, %lt3A_536 : vector<16xi32>
        %add3A_538 = arith.constant 16 : i32
        %add3A_539 = vector.broadcast %add3A_538 : i32 to vector<16xi32>
        %add3A_540 = arith.addi %broadcast_in_dim3A_86, %add3A_539 : vector<16xi32>
        %select_n3A_541 = arith.select %lt3A_537, %add3A_540, %broadcast_in_dim3A_86 : vector<16xi1>, vector<16xi32>
        %broadcast_in_dim3A_542 = vector.shape_cast %select_n3A_541 : vector<16xi32> to vector<16x1xi32>
        %gather3A_543 = vector.shape_cast %broadcast_in_dim3A_542 : vector<16x1xi32> to vector<16xi32>
        %gather3A_544 = tpu.dynamic_gather %cumsum3A_534[%gather3A_543] in [0] : vector<16xf32>, vector<16xi32> -> vector<16xf32>
        %select_n3A_545 = arith.select %eq3A_106, %gather3A_530, %select_n3A_503 : vector<16xi1>, vector<16xf32>
        %select_n3A_546 = arith.select %eq3A_106, %gather3A_544, %select_n3A_504 : vector<16xi1>, vector<16xf32>
        %get3A_547 = arith.index_cast %mul3A_249 : i32 to index
        %get3A_548 = arith.constant 112 : index
        %get3A_549 = tpu.vector_load %arg15[%get3A_547, %get3A_548] {strides = array<i32>} : memref<32x256xf32, #tpu.memory_space<vmem>>, vector<16xf32>,
        %get3A_550 = arith.index_cast %mul3A_249 : i32 to index
        %get3A_551 = arith.constant 112 : index
        %get3A_552 = tpu.vector_load %arg17[%get3A_550, %get3A_551] {strides = array<i32>} : memref<32x128xf32, #tpu.memory_space<vmem>>, vector<16xf32>,
        %get3A_553 = arith.index_cast %add3A_251 : i32 to index
        %get3A_554 = arith.constant 112 : index
        %get3A_555 = tpu.vector_load %arg15[%get3A_553, %get3A_554] {strides = array<i32>} : memref<32x256xf32, #tpu.memory_space<vmem>>, vector<16xf32>,
        %get3A_556 = arith.index_cast %add3A_251 : i32 to index
        %get3A_557 = arith.constant 112 : index
        %get3A_558 = tpu.vector_load %arg17[%get3A_556, %get3A_557] {strides = array<i32>} : memref<32x128xf32, #tpu.memory_space<vmem>>, vector<16xf32>,
        %mul3A_559 = arith.mulf %get3A_549, %get3A_552 : vector<16xf32>
        %cumsum3A_560 = arith.constant true
        %cumsum3A_561 = vector.broadcast %cumsum3A_560 : i1 to vector<16xi1>
        %cumsum3A_562 = tpu.scan <sum>, %mul3A_559 masked %cumsum3A_561 : vector<16xf32>, vector<16xi1> -> vector<16xf32>
        %lt3A_563 = arith.constant 0 : i32
        %lt3A_564 = vector.broadcast %lt3A_563 : i32 to vector<16xi32>
        %lt3A_565 = arith.cmpi slt, %broadcast_in_dim3A_86, %lt3A_564 : vector<16xi32>
        %add3A_566 = arith.constant 16 : i32
        %add3A_567 = vector.broadcast %add3A_566 : i32 to vector<16xi32>
        %add3A_568 = arith.addi %broadcast_in_dim3A_86, %add3A_567 : vector<16xi32>
        %select_n3A_569 = arith.select %lt3A_565, %add3A_568, %broadcast_in_dim3A_86 : vector<16xi1>, vector<16xi32>
        %broadcast_in_dim3A_570 = vector.shape_cast %select_n3A_569 : vector<16xi32> to vector<16x1xi32>
        %gather3A_571 = vector.shape_cast %broadcast_in_dim3A_570 : vector<16x1xi32> to vector<16xi32>
        %gather3A_572 = tpu.dynamic_gather %cumsum3A_562[%gather3A_571] in [0] : vector<16xf32>, vector<16xi32> -> vector<16xf32>
        %mul3A_573 = arith.mulf %get3A_555, %get3A_558 : vector<16xf32>
        %cumsum3A_574 = arith.constant true
        %cumsum3A_575 = vector.broadcast %cumsum3A_574 : i1 to vector<16xi1>
        %cumsum3A_576 = tpu.scan <sum>, %mul3A_573 masked %cumsum3A_575 : vector<16xf32>, vector<16xi1> -> vector<16xf32>
        %lt3A_577 = arith.constant 0 : i32
        %lt3A_578 = vector.broadcast %lt3A_577 : i32 to vector<16xi32>
        %lt3A_579 = arith.cmpi slt, %broadcast_in_dim3A_86, %lt3A_578 : vector<16xi32>
        %add3A_580 = arith.constant 16 : i32
        %add3A_581 = vector.broadcast %add3A_580 : i32 to vector<16xi32>
        %add3A_582 = arith.addi %broadcast_in_dim3A_86, %add3A_581 : vector<16xi32>
        %select_n3A_583 = arith.select %lt3A_579, %add3A_582, %broadcast_in_dim3A_86 : vector<16xi1>, vector<16xi32>
        %broadcast_in_dim3A_584 = vector.shape_cast %select_n3A_583 : vector<16xi32> to vector<16x1xi32>
        %gather3A_585 = vector.shape_cast %broadcast_in_dim3A_584 : vector<16x1xi32> to vector<16xi32>
        %gather3A_586 = tpu.dynamic_gather %cumsum3A_576[%gather3A_585] in [0] : vector<16xf32>, vector<16xi32> -> vector<16xf32>
        %select_n3A_587 = arith.select %eq3A_109, %gather3A_572, %select_n3A_545 : vector<16xi1>, vector<16xf32>
        %select_n3A_588 = arith.select %eq3A_109, %gather3A_586, %select_n3A_546 : vector<16xi1>, vector<16xf32>
        %max3A = arith.constant -1.000000e+01 : f32
        %max3A_589 = vector.broadcast %max3A : f32 to vector<16xf32>
        %max3A_590 = arith.maximumf %select_n3A_587, %max3A_589 : vector<16xf32>
        %min3A = arith.constant 1.000000e+01 : f32
        %min3A_591 = vector.broadcast %min3A : f32 to vector<16xf32>
        %min3A_592 = arith.minimumf %max3A_590, %min3A_591 : vector<16xf32>
        %exp3A = math.exp %min3A_592 : vector<16xf32>
        %max3A_593 = arith.constant -1.000000e+01 : f32
        %max3A_594 = vector.broadcast %max3A_593 : f32 to vector<16xf32>
        %max3A_595 = arith.maximumf %select_n3A_588, %max3A_594 : vector<16xf32>
        %min3A_596 = arith.constant 1.000000e+01 : f32
        %min3A_597 = vector.broadcast %min3A_596 : f32 to vector<16xf32>
        %min3A_598 = arith.minimumf %max3A_595, %min3A_597 : vector<16xf32>
        %exp3A_599 = math.exp %min3A_598 : vector<16xf32>
        %swap3A_600 = arith.index_cast %mul3A_249 : i32 to index
        %swap3A_601 = arith.constant 128 : index
        %swap3A_602 = tpu.vector_load %arg19[%swap3A_600, %swap3A_601] {strides = array<i32>} : memref<32x144xf32, #tpu.memory_space<vmem>>, vector<16xf32>,
        tpu.vector_store %arg19[%swap3A_600, %swap3A_601], %exp3A {strides = array<i32>} : memref<32x144xf32, #tpu.memory_space<vmem>>, vector<16xf32>,
        %swap3A_603 = arith.index_cast %add3A_251 : i32 to index
        %swap3A_604 = arith.constant 128 : index
        %swap3A_605 = tpu.vector_load %arg19[%swap3A_603, %swap3A_604] {strides = array<i32>} : memref<32x144xf32, #tpu.memory_space<vmem>>, vector<16xf32>,
        tpu.vector_store %arg19[%swap3A_603, %swap3A_604], %exp3A_599 {strides = array<i32>} : memref<32x144xf32, #tpu.memory_space<vmem>>, vector<16xf32>,
        %broadcast_in_dim3A_606 = arith.constant 0 : i32
        %broadcast_in_dim3A_607 = vector.broadcast %broadcast_in_dim3A_606 : i32 to vector<16xi32>
        %get3A_608 = arith.index_cast %mul3A_249 : i32 to index
        %get3A_609 = arith.constant 128 : index
        %get3A_610 = tpu.vector_load %arg15[%get3A_608, %get3A_609] {strides = array<i32>} : memref<32x256xf32, #tpu.memory_space<vmem>>, vector<16xf32>,
        %get3A_611 = arith.index_cast %add3A_251 : i32 to index
        %get3A_612 = arith.constant 128 : index
        %get3A_613 = tpu.vector_load %arg15[%get3A_611, %get3A_612] {strides = array<i32>} : memref<32x256xf32, #tpu.memory_space<vmem>>, vector<16xf32>,
        %lt3A_614 = arith.constant 0 : i32
        %lt3A_615 = vector.broadcast %lt3A_614 : i32 to vector<16xi32>
        %lt3A_616 = arith.cmpi slt, %broadcast_in_dim3A_607, %lt3A_615 : vector<16xi32>
        %add3A_617 = arith.constant 16 : i32
        %add3A_618 = vector.broadcast %add3A_617 : i32 to vector<16xi32>
        %add3A_619 = arith.addi %broadcast_in_dim3A_607, %add3A_618 : vector<16xi32>
        %select_n3A_620 = arith.select %lt3A_616, %add3A_619, %broadcast_in_dim3A_607 : vector<16xi1>, vector<16xi32>
        %broadcast_in_dim3A_621 = vector.shape_cast %select_n3A_620 : vector<16xi32> to vector<16x1xi32>
        %gather3A_622 = vector.shape_cast %broadcast_in_dim3A_621 : vector<16x1xi32> to vector<16xi32>
        %gather3A_623 = tpu.dynamic_gather %exp3A[%gather3A_622] in [0] : vector<16xf32>, vector<16xi32> -> vector<16xf32>
        %mul3A_624 = arith.mulf %get3A_610, %gather3A_623 : vector<16xf32>
        %swap3A_625 = arith.index_cast %mul3A_249 : i32 to index
        %swap3A_626 = arith.constant 0 : index
        %swap3A_627 = tpu.vector_load %arg19[%swap3A_625, %swap3A_626] {strides = array<i32>} : memref<32x144xf32, #tpu.memory_space<vmem>>, vector<16xf32>,
        tpu.vector_store %arg19[%swap3A_625, %swap3A_626], %mul3A_624 {strides = array<i32>} : memref<32x144xf32, #tpu.memory_space<vmem>>, vector<16xf32>,
        %lt3A_628 = arith.constant 0 : i32
        %lt3A_629 = vector.broadcast %lt3A_628 : i32 to vector<16xi32>
        %lt3A_630 = arith.cmpi slt, %broadcast_in_dim3A_607, %lt3A_629 : vector<16xi32>
        %add3A_631 = arith.constant 16 : i32
        %add3A_632 = vector.broadcast %add3A_631 : i32 to vector<16xi32>
        %add3A_633 = arith.addi %broadcast_in_dim3A_607, %add3A_632 : vector<16xi32>
        %select_n3A_634 = arith.select %lt3A_630, %add3A_633, %broadcast_in_dim3A_607 : vector<16xi1>, vector<16xi32>
        %broadcast_in_dim3A_635 = vector.shape_cast %select_n3A_634 : vector<16xi32> to vector<16x1xi32>
        %gather3A_636 = vector.shape_cast %broadcast_in_dim3A_635 : vector<16x1xi32> to vector<16xi32>
        %gather3A_637 = tpu.dynamic_gather %exp3A_599[%gather3A_636] in [0] : vector<16xf32>, vector<16xi32> -> vector<16xf32>
        %mul3A_638 = arith.mulf %get3A_613, %gather3A_637 : vector<16xf32>
        %swap3A_639 = arith.index_cast %add3A_251 : i32 to index
        %swap3A_640 = arith.constant 0 : index
        %swap3A_641 = tpu.vector_load %arg19[%swap3A_639, %swap3A_640] {strides = array<i32>} : memref<32x144xf32, #tpu.memory_space<vmem>>, vector<16xf32>,
        tpu.vector_store %arg19[%swap3A_639, %swap3A_640], %mul3A_638 {strides = array<i32>} : memref<32x144xf32, #tpu.memory_space<vmem>>, vector<16xf32>,
        %broadcast_in_dim3A_642 = arith.constant 1 : i32
        %broadcast_in_dim3A_643 = vector.broadcast %broadcast_in_dim3A_642 : i32 to vector<16xi32>
        %get3A_644 = arith.index_cast %mul3A_249 : i32 to index
        %get3A_645 = arith.constant 144 : index
        %get3A_646 = tpu.vector_load %arg15[%get3A_644, %get3A_645] {strides = array<i32>} : memref<32x256xf32, #tpu.memory_space<vmem>>, vector<16xf32>,
        %get3A_647 = arith.index_cast %add3A_251 : i32 to index
        %get3A_648 = arith.constant 144 : index
        %get3A_649 = tpu.vector_load %arg15[%get3A_647, %get3A_648] {strides = array<i32>} : memref<32x256xf32, #tpu.memory_space<vmem>>, vector<16xf32>,
        %lt3A_650 = arith.constant 0 : i32
        %lt3A_651 = vector.broadcast %lt3A_650 : i32 to vector<16xi32>
        %lt3A_652 = arith.cmpi slt, %broadcast_in_dim3A_643, %lt3A_651 : vector<16xi32>
        %add3A_653 = arith.constant 16 : i32
        %add3A_654 = vector.broadcast %add3A_653 : i32 to vector<16xi32>
        %add3A_655 = arith.addi %broadcast_in_dim3A_643, %add3A_654 : vector<16xi32>
        %select_n3A_656 = arith.select %lt3A_652, %add3A_655, %broadcast_in_dim3A_643 : vector<16xi1>, vector<16xi32>
        %broadcast_in_dim3A_657 = vector.shape_cast %select_n3A_656 : vector<16xi32> to vector<16x1xi32>
        %gather3A_658 = vector.shape_cast %broadcast_in_dim3A_657 : vector<16x1xi32> to vector<16xi32>
        %gather3A_659 = tpu.dynamic_gather %exp3A[%gather3A_658] in [0] : vector<16xf32>, vector<16xi32> -> vector<16xf32>
        %mul3A_660 = arith.mulf %get3A_646, %gather3A_659 : vector<16xf32>
        %swap3A_661 = arith.index_cast %mul3A_249 : i32 to index
        %swap3A_662 = arith.constant 16 : index
        %swap3A_663 = tpu.vector_load %arg19[%swap3A_661, %swap3A_662] {strides = array<i32>} : memref<32x144xf32, #tpu.memory_space<vmem>>, vector<16xf32>,
        tpu.vector_store %arg19[%swap3A_661, %swap3A_662], %mul3A_660 {strides = array<i32>} : memref<32x144xf32, #tpu.memory_space<vmem>>, vector<16xf32>,
        %lt3A_664 = arith.constant 0 : i32
        %lt3A_665 = vector.broadcast %lt3A_664 : i32 to vector<16xi32>
        %lt3A_666 = arith.cmpi slt, %broadcast_in_dim3A_643, %lt3A_665 : vector<16xi32>
        %add3A_667 = arith.constant 16 : i32
        %add3A_668 = vector.broadcast %add3A_667 : i32 to vector<16xi32>
        %add3A_669 = arith.addi %broadcast_in_dim3A_643, %add3A_668 : vector<16xi32>
        %select_n3A_670 = arith.select %lt3A_666, %add3A_669, %broadcast_in_dim3A_643 : vector<16xi1>, vector<16xi32>
        %broadcast_in_dim3A_671 = vector.shape_cast %select_n3A_670 : vector<16xi32> to vector<16x1xi32>
        %gather3A_672 = vector.shape_cast %broadcast_in_dim3A_671 : vector<16x1xi32> to vector<16xi32>
        %gather3A_673 = tpu.dynamic_gather %exp3A_599[%gather3A_672] in [0] : vector<16xf32>, vector<16xi32> -> vector<16xf32>
        %mul3A_674 = arith.mulf %get3A_649, %gather3A_673 : vector<16xf32>
        %swap3A_675 = arith.index_cast %add3A_251 : i32 to index
        %swap3A_676 = arith.constant 16 : index
        %swap3A_677 = tpu.vector_load %arg19[%swap3A_675, %swap3A_676] {strides = array<i32>} : memref<32x144xf32, #tpu.memory_space<vmem>>, vector<16xf32>,
        tpu.vector_store %arg19[%swap3A_675, %swap3A_676], %mul3A_674 {strides = array<i32>} : memref<32x144xf32, #tpu.memory_space<vmem>>, vector<16xf32>,
        %broadcast_in_dim3A_678 = arith.constant 2 : i32
        %broadcast_in_dim3A_679 = vector.broadcast %broadcast_in_dim3A_678 : i32 to vector<16xi32>
        %get3A_680 = arith.index_cast %mul3A_249 : i32 to index
        %get3A_681 = arith.constant 160 : index
        %get3A_682 = tpu.vector_load %arg15[%get3A_680, %get3A_681] {strides = array<i32>} : memref<32x256xf32, #tpu.memory_space<vmem>>, vector<16xf32>,
        %get3A_683 = arith.index_cast %add3A_251 : i32 to index
        %get3A_684 = arith.constant 160 : index
        %get3A_685 = tpu.vector_load %arg15[%get3A_683, %get3A_684] {strides = array<i32>} : memref<32x256xf32, #tpu.memory_space<vmem>>, vector<16xf32>,
        %lt3A_686 = arith.constant 0 : i32
        %lt3A_687 = vector.broadcast %lt3A_686 : i32 to vector<16xi32>
        %lt3A_688 = arith.cmpi slt, %broadcast_in_dim3A_679, %lt3A_687 : vector<16xi32>
        %add3A_689 = arith.constant 16 : i32
        %add3A_690 = vector.broadcast %add3A_689 : i32 to vector<16xi32>
        %add3A_691 = arith.addi %broadcast_in_dim3A_679, %add3A_690 : vector<16xi32>
        %select_n3A_692 = arith.select %lt3A_688, %add3A_691, %broadcast_in_dim3A_679 : vector<16xi1>, vector<16xi32>
        %broadcast_in_dim3A_693 = vector.shape_cast %select_n3A_692 : vector<16xi32> to vector<16x1xi32>
        %gather3A_694 = vector.shape_cast %broadcast_in_dim3A_693 : vector<16x1xi32> to vector<16xi32>
        %gather3A_695 = tpu.dynamic_gather %exp3A[%gather3A_694] in [0] : vector<16xf32>, vector<16xi32> -> vector<16xf32>
        %mul3A_696 = arith.mulf %get3A_682, %gather3A_695 : vector<16xf32>
        %swap3A_697 = arith.index_cast %mul3A_249 : i32 to index
        %swap3A_698 = arith.constant 32 : index
        %swap3A_699 = tpu.vector_load %arg19[%swap3A_697, %swap3A_698] {strides = array<i32>} : memref<32x144xf32, #tpu.memory_space<vmem>>, vector<16xf32>,
        tpu.vector_store %arg19[%swap3A_697, %swap3A_698], %mul3A_696 {strides = array<i32>} : memref<32x144xf32, #tpu.memory_space<vmem>>, vector<16xf32>,
        %lt3A_700 = arith.constant 0 : i32
        %lt3A_701 = vector.broadcast %lt3A_700 : i32 to vector<16xi32>
        %lt3A_702 = arith.cmpi slt, %broadcast_in_dim3A_679, %lt3A_701 : vector<16xi32>
        %add3A_703 = arith.constant 16 : i32
        %add3A_704 = vector.broadcast %add3A_703 : i32 to vector<16xi32>
        %add3A_705 = arith.addi %broadcast_in_dim3A_679, %add3A_704 : vector<16xi32>
        %select_n3A_706 = arith.select %lt3A_702, %add3A_705, %broadcast_in_dim3A_679 : vector<16xi1>, vector<16xi32>
        %broadcast_in_dim3A_707 = vector.shape_cast %select_n3A_706 : vector<16xi32> to vector<16x1xi32>
        %gather3A_708 = vector.shape_cast %broadcast_in_dim3A_707 : vector<16x1xi32> to vector<16xi32>
        %gather3A_709 = tpu.dynamic_gather %exp3A_599[%gather3A_708] in [0] : vector<16xf32>, vector<16xi32> -> vector<16xf32>
        %mul3A_710 = arith.mulf %get3A_685, %gather3A_709 : vector<16xf32>
        %swap3A_711 = arith.index_cast %add3A_251 : i32 to index
        %swap3A_712 = arith.constant 32 : index
        %swap3A_713 = tpu.vector_load %arg19[%swap3A_711, %swap3A_712] {strides = array<i32>} : memref<32x144xf32, #tpu.memory_space<vmem>>, vector<16xf32>,
        tpu.vector_store %arg19[%swap3A_711, %swap3A_712], %mul3A_710 {strides = array<i32>} : memref<32x144xf32, #tpu.memory_space<vmem>>, vector<16xf32>,
        %broadcast_in_dim3A_714 = arith.constant 3 : i32
        %broadcast_in_dim3A_715 = vector.broadcast %broadcast_in_dim3A_714 : i32 to vector<16xi32>
        %get3A_716 = arith.index_cast %mul3A_249 : i32 to index
        %get3A_717 = arith.constant 176 : index
        %get3A_718 = tpu.vector_load %arg15[%get3A_716, %get3A_717] {strides = array<i32>} : memref<32x256xf32, #tpu.memory_space<vmem>>, vector<16xf32>,
        %get3A_719 = arith.index_cast %add3A_251 : i32 to index
        %get3A_720 = arith.constant 176 : index
        %get3A_721 = tpu.vector_load %arg15[%get3A_719, %get3A_720] {strides = array<i32>} : memref<32x256xf32, #tpu.memory_space<vmem>>, vector<16xf32>,
        %lt3A_722 = arith.constant 0 : i32
        %lt3A_723 = vector.broadcast %lt3A_722 : i32 to vector<16xi32>
        %lt3A_724 = arith.cmpi slt, %broadcast_in_dim3A_715, %lt3A_723 : vector<16xi32>
        %add3A_725 = arith.constant 16 : i32
        %add3A_726 = vector.broadcast %add3A_725 : i32 to vector<16xi32>
        %add3A_727 = arith.addi %broadcast_in_dim3A_715, %add3A_726 : vector<16xi32>
        %select_n3A_728 = arith.select %lt3A_724, %add3A_727, %broadcast_in_dim3A_715 : vector<16xi1>, vector<16xi32>
        %broadcast_in_dim3A_729 = vector.shape_cast %select_n3A_728 : vector<16xi32> to vector<16x1xi32>
        %gather3A_730 = vector.shape_cast %broadcast_in_dim3A_729 : vector<16x1xi32> to vector<16xi32>
        %gather3A_731 = tpu.dynamic_gather %exp3A[%gather3A_730] in [0] : vector<16xf32>, vector<16xi32> -> vector<16xf32>
        %mul3A_732 = arith.mulf %get3A_718, %gather3A_731 : vector<16xf32>
        %swap3A_733 = arith.index_cast %mul3A_249 : i32 to index
        %swap3A_734 = arith.constant 48 : index
        %swap3A_735 = tpu.vector_load %arg19[%swap3A_733, %swap3A_734] {strides = array<i32>} : memref<32x144xf32, #tpu.memory_space<vmem>>, vector<16xf32>,
        tpu.vector_store %arg19[%swap3A_733, %swap3A_734], %mul3A_732 {strides = array<i32>} : memref<32x144xf32, #tpu.memory_space<vmem>>, vector<16xf32>,
        %lt3A_736 = arith.constant 0 : i32
        %lt3A_737 = vector.broadcast %lt3A_736 : i32 to vector<16xi32>
        %lt3A_738 = arith.cmpi slt, %broadcast_in_dim3A_715, %lt3A_737 : vector<16xi32>
        %add3A_739 = arith.constant 16 : i32
        %add3A_740 = vector.broadcast %add3A_739 : i32 to vector<16xi32>
        %add3A_741 = arith.addi %broadcast_in_dim3A_715, %add3A_740 : vector<16xi32>
        %select_n3A_742 = arith.select %lt3A_738, %add3A_741, %broadcast_in_dim3A_715 : vector<16xi1>, vector<16xi32>
        %broadcast_in_dim3A_743 = vector.shape_cast %select_n3A_742 : vector<16xi32> to vector<16x1xi32>
        %gather3A_744 = vector.shape_cast %broadcast_in_dim3A_743 : vector<16x1xi32> to vector<16xi32>
        %gather3A_745 = tpu.dynamic_gather %exp3A_599[%gather3A_744] in [0] : vector<16xf32>, vector<16xi32> -> vector<16xf32>
        %mul3A_746 = arith.mulf %get3A_721, %gather3A_745 : vector<16xf32>
        %swap3A_747 = arith.index_cast %add3A_251 : i32 to index
        %swap3A_748 = arith.constant 48 : index
        %swap3A_749 = tpu.vector_load %arg19[%swap3A_747, %swap3A_748] {strides = array<i32>} : memref<32x144xf32, #tpu.memory_space<vmem>>, vector<16xf32>,
        tpu.vector_store %arg19[%swap3A_747, %swap3A_748], %mul3A_746 {strides = array<i32>} : memref<32x144xf32, #tpu.memory_space<vmem>>, vector<16xf32>,
        %broadcast_in_dim3A_750 = arith.constant 4 : i32
        %broadcast_in_dim3A_751 = vector.broadcast %broadcast_in_dim3A_750 : i32 to vector<16xi32>
        %get3A_752 = arith.index_cast %mul3A_249 : i32 to index
        %get3A_753 = arith.constant 192 : index
        %get3A_754 = tpu.vector_load %arg15[%get3A_752, %get3A_753] {strides = array<i32>} : memref<32x256xf32, #tpu.memory_space<vmem>>, vector<16xf32>,
        %get3A_755 = arith.index_cast %add3A_251 : i32 to index
        %get3A_756 = arith.constant 192 : index
        %get3A_757 = tpu.vector_load %arg15[%get3A_755, %get3A_756] {strides = array<i32>} : memref<32x256xf32, #tpu.memory_space<vmem>>, vector<16xf32>,
        %lt3A_758 = arith.constant 0 : i32
        %lt3A_759 = vector.broadcast %lt3A_758 : i32 to vector<16xi32>
        %lt3A_760 = arith.cmpi slt, %broadcast_in_dim3A_751, %lt3A_759 : vector<16xi32>
        %add3A_761 = arith.constant 16 : i32
        %add3A_762 = vector.broadcast %add3A_761 : i32 to vector<16xi32>
        %add3A_763 = arith.addi %broadcast_in_dim3A_751, %add3A_762 : vector<16xi32>
        %select_n3A_764 = arith.select %lt3A_760, %add3A_763, %broadcast_in_dim3A_751 : vector<16xi1>, vector<16xi32>
        %broadcast_in_dim3A_765 = vector.shape_cast %select_n3A_764 : vector<16xi32> to vector<16x1xi32>
        %gather3A_766 = vector.shape_cast %broadcast_in_dim3A_765 : vector<16x1xi32> to vector<16xi32>
        %gather3A_767 = tpu.dynamic_gather %exp3A[%gather3A_766] in [0] : vector<16xf32>, vector<16xi32> -> vector<16xf32>
        %mul3A_768 = arith.mulf %get3A_754, %gather3A_767 : vector<16xf32>
        %swap3A_769 = arith.index_cast %mul3A_249 : i32 to index
        %swap3A_770 = arith.constant 64 : index
        %swap3A_771 = tpu.vector_load %arg19[%swap3A_769, %swap3A_770] {strides = array<i32>} : memref<32x144xf32, #tpu.memory_space<vmem>>, vector<16xf32>,
        tpu.vector_store %arg19[%swap3A_769, %swap3A_770], %mul3A_768 {strides = array<i32>} : memref<32x144xf32, #tpu.memory_space<vmem>>, vector<16xf32>,
        %lt3A_772 = arith.constant 0 : i32
        %lt3A_773 = vector.broadcast %lt3A_772 : i32 to vector<16xi32>
        %lt3A_774 = arith.cmpi slt, %broadcast_in_dim3A_751, %lt3A_773 : vector<16xi32>
        %add3A_775 = arith.constant 16 : i32
        %add3A_776 = vector.broadcast %add3A_775 : i32 to vector<16xi32>
        %add3A_777 = arith.addi %broadcast_in_dim3A_751, %add3A_776 : vector<16xi32>
        %select_n3A_778 = arith.select %lt3A_774, %add3A_777, %broadcast_in_dim3A_751 : vector<16xi1>, vector<16xi32>
        %broadcast_in_dim3A_779 = vector.shape_cast %select_n3A_778 : vector<16xi32> to vector<16x1xi32>
        %gather3A_780 = vector.shape_cast %broadcast_in_dim3A_779 : vector<16x1xi32> to vector<16xi32>
        %gather3A_781 = tpu.dynamic_gather %exp3A_599[%gather3A_780] in [0] : vector<16xf32>, vector<16xi32> -> vector<16xf32>
        %mul3A_782 = arith.mulf %get3A_757, %gather3A_781 : vector<16xf32>
        %swap3A_783 = arith.index_cast %add3A_251 : i32 to index
        %swap3A_784 = arith.constant 64 : index
        %swap3A_785 = tpu.vector_load %arg19[%swap3A_783, %swap3A_784] {strides = array<i32>} : memref<32x144xf32, #tpu.memory_space<vmem>>, vector<16xf32>,
        tpu.vector_store %arg19[%swap3A_783, %swap3A_784], %mul3A_782 {strides = array<i32>} : memref<32x144xf32, #tpu.memory_space<vmem>>, vector<16xf32>,
        %broadcast_in_dim3A_786 = arith.constant 5 : i32
        %broadcast_in_dim3A_787 = vector.broadcast %broadcast_in_dim3A_786 : i32 to vector<16xi32>
        %get3A_788 = arith.index_cast %mul3A_249 : i32 to index
        %get3A_789 = arith.constant 208 : index
        %get3A_790 = tpu.vector_load %arg15[%get3A_788, %get3A_789] {strides = array<i32>} : memref<32x256xf32, #tpu.memory_space<vmem>>, vector<16xf32>,
        %get3A_791 = arith.index_cast %add3A_251 : i32 to index
        %get3A_792 = arith.constant 208 : index
        %get3A_793 = tpu.vector_load %arg15[%get3A_791, %get3A_792] {strides = array<i32>} : memref<32x256xf32, #tpu.memory_space<vmem>>, vector<16xf32>,
        %lt3A_794 = arith.constant 0 : i32
        %lt3A_795 = vector.broadcast %lt3A_794 : i32 to vector<16xi32>
        %lt3A_796 = arith.cmpi slt, %broadcast_in_dim3A_787, %lt3A_795 : vector<16xi32>
        %add3A_797 = arith.constant 16 : i32
        %add3A_798 = vector.broadcast %add3A_797 : i32 to vector<16xi32>
        %add3A_799 = arith.addi %broadcast_in_dim3A_787, %add3A_798 : vector<16xi32>
        %select_n3A_800 = arith.select %lt3A_796, %add3A_799, %broadcast_in_dim3A_787 : vector<16xi1>, vector<16xi32>
        %broadcast_in_dim3A_801 = vector.shape_cast %select_n3A_800 : vector<16xi32> to vector<16x1xi32>
        %gather3A_802 = vector.shape_cast %broadcast_in_dim3A_801 : vector<16x1xi32> to vector<16xi32>
        %gather3A_803 = tpu.dynamic_gather %exp3A[%gather3A_802] in [0] : vector<16xf32>, vector<16xi32> -> vector<16xf32>
        %mul3A_804 = arith.mulf %get3A_790, %gather3A_803 : vector<16xf32>
        %swap3A_805 = arith.index_cast %mul3A_249 : i32 to index
        %swap3A_806 = arith.constant 80 : index
        %swap3A_807 = tpu.vector_load %arg19[%swap3A_805, %swap3A_806] {strides = array<i32>} : memref<32x144xf32, #tpu.memory_space<vmem>>, vector<16xf32>,
        tpu.vector_store %arg19[%swap3A_805, %swap3A_806], %mul3A_804 {strides = array<i32>} : memref<32x144xf32, #tpu.memory_space<vmem>>, vector<16xf32>,
        %lt3A_808 = arith.constant 0 : i32
        %lt3A_809 = vector.broadcast %lt3A_808 : i32 to vector<16xi32>
        %lt3A_810 = arith.cmpi slt, %broadcast_in_dim3A_787, %lt3A_809 : vector<16xi32>
        %add3A_811 = arith.constant 16 : i32
        %add3A_812 = vector.broadcast %add3A_811 : i32 to vector<16xi32>
        %add3A_813 = arith.addi %broadcast_in_dim3A_787, %add3A_812 : vector<16xi32>
        %select_n3A_814 = arith.select %lt3A_810, %add3A_813, %broadcast_in_dim3A_787 : vector<16xi1>, vector<16xi32>
        %broadcast_in_dim3A_815 = vector.shape_cast %select_n3A_814 : vector<16xi32> to vector<16x1xi32>
        %gather3A_816 = vector.shape_cast %broadcast_in_dim3A_815 : vector<16x1xi32> to vector<16xi32>
        %gather3A_817 = tpu.dynamic_gather %exp3A_599[%gather3A_816] in [0] : vector<16xf32>, vector<16xi32> -> vector<16xf32>
        %mul3A_818 = arith.mulf %get3A_793, %gather3A_817 : vector<16xf32>
        %swap3A_819 = arith.index_cast %add3A_251 : i32 to index
        %swap3A_820 = arith.constant 80 : index
        %swap3A_821 = tpu.vector_load %arg19[%swap3A_819, %swap3A_820] {strides = array<i32>} : memref<32x144xf32, #tpu.memory_space<vmem>>, vector<16xf32>,
        tpu.vector_store %arg19[%swap3A_819, %swap3A_820], %mul3A_818 {strides = array<i32>} : memref<32x144xf32, #tpu.memory_space<vmem>>, vector<16xf32>,
        %broadcast_in_dim3A_822 = arith.constant 6 : i32
        %broadcast_in_dim3A_823 = vector.broadcast %broadcast_in_dim3A_822 : i32 to vector<16xi32>
        %get3A_824 = arith.index_cast %mul3A_249 : i32 to index
        %get3A_825 = arith.constant 224 : index
        %get3A_826 = tpu.vector_load %arg15[%get3A_824, %get3A_825] {strides = array<i32>} : memref<32x256xf32, #tpu.memory_space<vmem>>, vector<16xf32>,
        %get3A_827 = arith.index_cast %add3A_251 : i32 to index
        %get3A_828 = arith.constant 224 : index
        %get3A_829 = tpu.vector_load %arg15[%get3A_827, %get3A_828] {strides = array<i32>} : memref<32x256xf32, #tpu.memory_space<vmem>>, vector<16xf32>,
        %lt3A_830 = arith.constant 0 : i32
        %lt3A_831 = vector.broadcast %lt3A_830 : i32 to vector<16xi32>
        %lt3A_832 = arith.cmpi slt, %broadcast_in_dim3A_823, %lt3A_831 : vector<16xi32>
        %add3A_833 = arith.constant 16 : i32
        %add3A_834 = vector.broadcast %add3A_833 : i32 to vector<16xi32>
        %add3A_835 = arith.addi %broadcast_in_dim3A_823, %add3A_834 : vector<16xi32>
        %select_n3A_836 = arith.select %lt3A_832, %add3A_835, %broadcast_in_dim3A_823 : vector<16xi1>, vector<16xi32>
        %broadcast_in_dim3A_837 = vector.shape_cast %select_n3A_836 : vector<16xi32> to vector<16x1xi32>
        %gather3A_838 = vector.shape_cast %broadcast_in_dim3A_837 : vector<16x1xi32> to vector<16xi32>
        %gather3A_839 = tpu.dynamic_gather %exp3A[%gather3A_838] in [0] : vector<16xf32>, vector<16xi32> -> vector<16xf32>
        %mul3A_840 = arith.mulf %get3A_826, %gather3A_839 : vector<16xf32>
        %swap3A_841 = arith.index_cast %mul3A_249 : i32 to index
        %swap3A_842 = arith.constant 96 : index
        %swap3A_843 = tpu.vector_load %arg19[%swap3A_841, %swap3A_842] {strides = array<i32>} : memref<32x144xf32, #tpu.memory_space<vmem>>, vector<16xf32>,
        tpu.vector_store %arg19[%swap3A_841, %swap3A_842], %mul3A_840 {strides = array<i32>} : memref<32x144xf32, #tpu.memory_space<vmem>>, vector<16xf32>,
        %lt3A_844 = arith.constant 0 : i32
        %lt3A_845 = vector.broadcast %lt3A_844 : i32 to vector<16xi32>
        %lt3A_846 = arith.cmpi slt, %broadcast_in_dim3A_823, %lt3A_845 : vector<16xi32>
        %add3A_847 = arith.constant 16 : i32
        %add3A_848 = vector.broadcast %add3A_847 : i32 to vector<16xi32>
        %add3A_849 = arith.addi %broadcast_in_dim3A_823, %add3A_848 : vector<16xi32>
        %select_n3A_850 = arith.select %lt3A_846, %add3A_849, %broadcast_in_dim3A_823 : vector<16xi1>, vector<16xi32>
        %broadcast_in_dim3A_851 = vector.shape_cast %select_n3A_850 : vector<16xi32> to vector<16x1xi32>
        %gather3A_852 = vector.shape_cast %broadcast_in_dim3A_851 : vector<16x1xi32> to vector<16xi32>
        %gather3A_853 = tpu.dynamic_gather %exp3A_599[%gather3A_852] in [0] : vector<16xf32>, vector<16xi32> -> vector<16xf32>
        %mul3A_854 = arith.mulf %get3A_829, %gather3A_853 : vector<16xf32>
        %swap3A_855 = arith.index_cast %add3A_251 : i32 to index
        %swap3A_856 = arith.constant 96 : index
        %swap3A_857 = tpu.vector_load %arg19[%swap3A_855, %swap3A_856] {strides = array<i32>} : memref<32x144xf32, #tpu.memory_space<vmem>>, vector<16xf32>,
        tpu.vector_store %arg19[%swap3A_855, %swap3A_856], %mul3A_854 {strides = array<i32>} : memref<32x144xf32, #tpu.memory_space<vmem>>, vector<16xf32>,
        %broadcast_in_dim3A_858 = arith.constant 7 : i32
        %broadcast_in_dim3A_859 = vector.broadcast %broadcast_in_dim3A_858 : i32 to vector<16xi32>
        %get3A_860 = arith.index_cast %mul3A_249 : i32 to index
        %get3A_861 = arith.constant 240 : index
        %get3A_862 = tpu.vector_load %arg15[%get3A_860, %get3A_861] {strides = array<i32>} : memref<32x256xf32, #tpu.memory_space<vmem>>, vector<16xf32>,
        %get3A_863 = arith.index_cast %add3A_251 : i32 to index
        %get3A_864 = arith.constant 240 : index
        %get3A_865 = tpu.vector_load %arg15[%get3A_863, %get3A_864] {strides = array<i32>} : memref<32x256xf32, #tpu.memory_space<vmem>>, vector<16xf32>,
        %lt3A_866 = arith.constant 0 : i32
        %lt3A_867 = vector.broadcast %lt3A_866 : i32 to vector<16xi32>
        %lt3A_868 = arith.cmpi slt, %broadcast_in_dim3A_859, %lt3A_867 : vector<16xi32>
        %add3A_869 = arith.constant 16 : i32
        %add3A_870 = vector.broadcast %add3A_869 : i32 to vector<16xi32>
        %add3A_871 = arith.addi %broadcast_in_dim3A_859, %add3A_870 : vector<16xi32>
        %select_n3A_872 = arith.select %lt3A_868, %add3A_871, %broadcast_in_dim3A_859 : vector<16xi1>, vector<16xi32>
        %broadcast_in_dim3A_873 = vector.shape_cast %select_n3A_872 : vector<16xi32> to vector<16x1xi32>
        %gather3A_874 = vector.shape_cast %broadcast_in_dim3A_873 : vector<16x1xi32> to vector<16xi32>
        %gather3A_875 = tpu.dynamic_gather %exp3A[%gather3A_874] in [0] : vector<16xf32>, vector<16xi32> -> vector<16xf32>
        %mul3A_876 = arith.mulf %get3A_862, %gather3A_875 : vector<16xf32>
        %swap3A_877 = arith.index_cast %mul3A_249 : i32 to index
        %swap3A_878 = arith.constant 112 : index
        %swap3A_879 = tpu.vector_load %arg19[%swap3A_877, %swap3A_878] {strides = array<i32>} : memref<32x144xf32, #tpu.memory_space<vmem>>, vector<16xf32>,
        tpu.vector_store %arg19[%swap3A_877, %swap3A_878], %mul3A_876 {strides = array<i32>} : memref<32x144xf32, #tpu.memory_space<vmem>>, vector<16xf32>,
        %lt3A_880 = arith.constant 0 : i32
        %lt3A_881 = vector.broadcast %lt3A_880 : i32 to vector<16xi32>
        %lt3A_882 = arith.cmpi slt, %broadcast_in_dim3A_859, %lt3A_881 : vector<16xi32>
        %add3A_883 = arith.constant 16 : i32
        %add3A_884 = vector.broadcast %add3A_883 : i32 to vector<16xi32>
        %add3A_885 = arith.addi %broadcast_in_dim3A_859, %add3A_884 : vector<16xi32>
        %select_n3A_886 = arith.select %lt3A_882, %add3A_885, %broadcast_in_dim3A_859 : vector<16xi1>, vector<16xi32>
        %broadcast_in_dim3A_887 = vector.shape_cast %select_n3A_886 : vector<16xi32> to vector<16x1xi32>
        %gather3A_888 = vector.shape_cast %broadcast_in_dim3A_887 : vector<16x1xi32> to vector<16xi32>
        %gather3A_889 = tpu.dynamic_gather %exp3A_599[%gather3A_888] in [0] : vector<16xf32>, vector<16xi32> -> vector<16xf32>
        %mul3A_890 = arith.mulf %get3A_865, %gather3A_889 : vector<16xf32>
        %swap3A_891 = arith.index_cast %add3A_251 : i32 to index
        %swap3A_892 = arith.constant 112 : index
        %swap3A_893 = tpu.vector_load %arg19[%swap3A_891, %swap3A_892] {strides = array<i32>} : memref<32x144xf32, #tpu.memory_space<vmem>>, vector<16xf32>,
        tpu.vector_store %arg19[%swap3A_891, %swap3A_892], %mul3A_890 {strides = array<i32>} : memref<32x144xf32, #tpu.memory_space<vmem>>, vector<16xf32>,
      }
      %scan3A_243 = arith.constant 16 : i32
      %dma_start3A_244 = arith.constant 0 : i32
      %dma_start3A_245 = arith.constant 0 : i32
      %dma_start3A_246 = tpu.memref_slice %arg7[%dma_start3A_244, %dma_start3A_245] : memref<10240x144xf32, #tpu.memory_space<vmem_shared>> -> memref<10240x144xf32, #tpu.memory_space<vmem_shared>>
      tpu.enqueue_indirect_dma source(%arg19 : memref<32x144xf32, #tpu.memory_space<vmem>>) target(%dma_start3A_246 : memref<10240x144xf32, #tpu.memory_space<vmem_shared>>) offsets(%arg13 : memref<32xi32, #tpu.memory_space<vmem>>) semaphore(%arg27 : memref<!tpu.dma_semaphore, #tpu.memory_space<semaphore_mem>>) {add = true}
    }
    %scan3A_147 = arith.constant 158 : i32
    %dma_wait3A_148 = arith.constant 0 : i32
    %dma_wait3A_149 = arith.constant 0 : i32
    %dma_wait3A_150 = tpu.memref_slice %arg7[%dma_wait3A_148, %dma_wait3A_149] : memref<10240x144xf32, #tpu.memory_space<vmem_shared>> -> memref<10240x144xf32, #tpu.memory_space<vmem_shared>>
    tpu.wait_indirect_dma semaphore(%arg26 : memref<!tpu.dma_semaphore, #tpu.memory_space<semaphore_mem>>) src(%arg18 : memref<32x144xf32, #tpu.memory_space<vmem>>) dst(%dma_wait3A_150 : memref<10240x144xf32, #tpu.memory_space<vmem_shared>>)
    %dma_wait3A_151 = arith.constant 0 : i32
    %dma_wait3A_152 = arith.constant 0 : i32
    %dma_wait3A_153 = tpu.memref_slice %arg7[%dma_wait3A_151, %dma_wait3A_152] : memref<10240x144xf32, #tpu.memory_space<vmem_shared>> -> memref<10240x144xf32, #tpu.memory_space<vmem_shared>>
    tpu.wait_indirect_dma semaphore(%arg27 : memref<!tpu.dma_semaphore, #tpu.memory_space<semaphore_mem>>) src(%arg19 : memref<32x144xf32, #tpu.memory_space<vmem>>) dst(%dma_wait3A_153 : memref<10240x144xf32, #tpu.memory_space<vmem_shared>>)
    %barrier3A_154 = arith.constant 0 : index
    tpu.barrier barrier_id(%barrier3A_154)
    %mul3A_155 = arith.constant 640 : i32
    %mul3A_156 = arith.muli %arg1, %mul3A_155 : i32
    %mul3A_157 = arith.constant 640 : i32
    %mul3A_158 = arith.muli %arg1, %mul3A_157 : i32
    "tpu.region"() ({
      %run_scoped3A = tpu.sem_alloc : memref<!tpu.dma_semaphore, #tpu.memory_space<semaphore_mem>>
      %dma_start3A_159 = arith.constant 0 : i32
      %dma_start3A_160 = tpu.memref_slice %arg6[%arg0, %mul3A_158, %dma_start3A_159] : memref<2x10240x144xf32, #tpu.memory_space<hbm>> -> memref<1x640x144xf32, #tpu.memory_space<hbm>>
      %dma_start3A_161 = tpu.memref_squeeze %dma_start3A_160 : memref<1x640x144xf32, #tpu.memory_space<hbm>> -> memref<640x144xf32, #tpu.memory_space<hbm>>
      %dma_start3A_162 = arith.constant 0 : i32
      %dma_start3A_163 = tpu.memref_slice %arg7[%mul3A_156, %dma_start3A_162] : memref<10240x144xf32, #tpu.memory_space<vmem_shared>> -> memref<640x144xf32, #tpu.memory_space<vmem_shared>>
      tpu.enqueue_dma source(%dma_start3A_163 : memref<640x144xf32, #tpu.memory_space<vmem_shared>>) target(%dma_start3A_161 : memref<640x144xf32, #tpu.memory_space<hbm>>) target_semaphore(%run_scoped3A : memref<!tpu.dma_semaphore, #tpu.memory_space<semaphore_mem>>)
      %dma_wait3A_164 = arith.constant 0 : i32
      %dma_wait3A_165 = tpu.memref_slice %arg6[%arg0, %mul3A_158, %dma_wait3A_164] : memref<2x10240x144xf32, #tpu.memory_space<hbm>> -> memref<1x640x144xf32, #tpu.memory_space<hbm>>
      %dma_wait3A_166 = tpu.memref_squeeze %dma_wait3A_165 : memref<1x640x144xf32, #tpu.memory_space<hbm>> -> memref<640x144xf32, #tpu.memory_space<hbm>>
      %dma_wait3A_167 = arith.constant 0 : i32
      %dma_wait3A_168 = tpu.memref_slice %arg7[%mul3A_156, %dma_wait3A_167] : memref<10240x144xf32, #tpu.memory_space<vmem_shared>> -> memref<640x144xf32, #tpu.memory_space<vmem_shared>>
      tpu.wait_dma2 semaphore(%run_scoped3A : memref<!tpu.dma_semaphore, #tpu.memory_space<semaphore_mem>>) src(%dma_wait3A_168 : memref<640x144xf32, #tpu.memory_space<vmem_shared>>) dst(%dma_wait3A_166 : memref<640x144xf32, #tpu.memory_space<hbm>>)
      tpu.yield
    }) : () -> ()
    return
  }
}

module attributes {stable_mosaic.version = 14 : i64} {
  func.func @_proj_body(%arg0: i32, %arg1: memref<1000x128xf32, #tpu.memory_space<vmem>>, %arg2: memref<128x384xf32, #tpu.memory_space<vmem>>, %arg3: memref<1000x128xf32, #tpu.memory_space<vmem>>, %arg4: memref<1000x256xf32, #tpu.memory_space<vmem>>) attributes {dimension_semantics = [#tpu.dimension_semantics<arbitrary>], iteration_bounds = array<i64: 10>, scalar_prefetch = 0 : i64, scratch_operands = 0 : i64, tpu.core_type = #tpu.core_type<tc>, window_params = [{transform_indices = @transform_0, window_bounds = array<i64: 1000, 128>}, {pipeline_mode = #tpu.pipeline_mode<synchronous>, transform_indices = @transform_1, window_bounds = array<i64: 128, 384>}, {transform_indices = @transform_2, window_bounds = array<i64: 1000, 128>}, {transform_indices = @transform_3, window_bounds = array<i64: 1000, 256>}]} {
    %get3A = arith.constant 0 : index
    %get3A_0 = arith.constant 0 : index
    %get3A_1 = vector.load %arg1[%get3A, %get3A_0] : memref<1000x128xf32, #tpu.memory_space<vmem>>, vector<1000x128xf32>
    %get3A_2 = arith.constant 0 : index
    %get3A_3 = arith.constant 0 : index
    %get3A_4 = vector.load %arg2[%get3A_2, %get3A_3] : memref<128x384xf32, #tpu.memory_space<vmem>>, vector<128x384xf32>
    %dot_general3A = arith.constant dense<0.000000e+00> : vector<1000x384xf32>
    %dot_general3A_5 = tpu.matmul %get3A_1, %get3A_4, %dot_general3A {dimension_numbers = #tpu.dot_dimension_numbers<[1], [0], [0], [1], [0, 0, 1, 1], [], []>, transpose_lhs_hint = false} : vector<1000x128xf32>, vector<128x384xf32>, vector<1000x384xf32> -> vector<1000x384xf32>
    %slice3A = vector.extract_strided_slice %dot_general3A_5 {offsets = [0, 0], sizes = [1000, 128], strides = [1, 1]} : vector<1000x384xf32> to vector<1000x128xf32>
    %swap3A = arith.constant 0 : index
    %swap3A_6 = arith.constant 0 : index
    %swap3A_7 = vector.load %arg3[%swap3A, %swap3A_6] : memref<1000x128xf32, #tpu.memory_space<vmem>>, vector<1000x128xf32>
    tpu.vector_store %arg3[%swap3A, %swap3A_6], %slice3A {strides = array<i32>} : memref<1000x128xf32, #tpu.memory_space<vmem>>, vector<1000x128xf32>,
    %slice3A_8 = vector.extract_strided_slice %dot_general3A_5 {offsets = [0, 128], sizes = [1000, 256], strides = [1, 1]} : vector<1000x384xf32> to vector<1000x256xf32>
    %swap3A_9 = arith.constant 0 : index
    %swap3A_10 = arith.constant 0 : index
    %swap3A_11 = vector.load %arg4[%swap3A_9, %swap3A_10] : memref<1000x256xf32, #tpu.memory_space<vmem>>, vector<1000x256xf32>
    tpu.vector_store %arg4[%swap3A_9, %swap3A_10], %slice3A_8 {strides = array<i32>} : memref<1000x256xf32, #tpu.memory_space<vmem>>, vector<1000x256xf32>,
    return
  }
  func.func @transform_0(%arg0: i32) -> (i32, i32) {
    %c0_i32 = arith.constant 0 : i32
    %c0_i32_0 = arith.constant 0 : i32
    return %arg0, %c0_i32 : i32, i32
  }
  func.func @transform_1(%arg0: i32) -> (i32, i32) {
    %c0_i32 = arith.constant 0 : i32
    %c0_i32_0 = arith.constant 0 : i32
    %c0_i32_1 = arith.constant 0 : i32
    return %c0_i32, %c0_i32_0 : i32, i32
  }
  func.func @transform_2(%arg0: i32) -> (i32, i32) {
    %c0_i32 = arith.constant 0 : i32
    %c0_i32_0 = arith.constant 0 : i32
    return %arg0, %c0_i32 : i32, i32
  }
  func.func @transform_3(%arg0: i32) -> (i32, i32) {
    %c0_i32 = arith.constant 0 : i32
    %c0_i32_0 = arith.constant 0 : i32
    return %arg0, %c0_i32 : i32, i32
  }
}

module attributes {stable_mosaic.version = 14 : i64} {
  func.func @_out_body(%arg0: i32, %arg1: memref<2x1000x144xf32, #tpu.memory_space<vmem>>, %arg2: memref<128x128xf32, #tpu.memory_space<vmem>>, %arg3: memref<1000x128xf32, #tpu.memory_space<vmem>>) attributes {dimension_semantics = [#tpu.dimension_semantics<arbitrary>], iteration_bounds = array<i64: 10>, scalar_prefetch = 0 : i64, scratch_operands = 0 : i64, tpu.core_type = #tpu.core_type<tc>, window_params = [{transform_indices = @transform_0, window_bounds = array<i64: 2, 1000, 144>}, {pipeline_mode = #tpu.pipeline_mode<synchronous>, transform_indices = @transform_1, window_bounds = array<i64: 128, 128>}, {transform_indices = @transform_2, window_bounds = array<i64: 1000, 128>}]} {
    %get3A = arith.constant 0 : index
    %get3A_0 = arith.constant 0 : index
    %get3A_1 = arith.constant 0 : index
    %get3A_2 = vector.load %arg1[%get3A, %get3A_0, %get3A_1] : memref<2x1000x144xf32, #tpu.memory_space<vmem>>, vector<2x1000x144xf32>
    %slice3A = vector.extract_strided_slice %get3A_2 {offsets = [0, 0, 0], sizes = [1, 1000, 144], strides = [1, 1, 1]} : vector<2x1000x144xf32> to vector<1x1000x144xf32>
    %squeeze3A = vector.shape_cast %slice3A : vector<1x1000x144xf32> to vector<1000x144xf32>
    %slice3A_3 = vector.extract_strided_slice %get3A_2 {offsets = [1, 0, 0], sizes = [1, 1000, 144], strides = [1, 1, 1]} : vector<2x1000x144xf32> to vector<1x1000x144xf32>
    %squeeze3A_4 = vector.shape_cast %slice3A_3 : vector<1x1000x144xf32> to vector<1000x144xf32>
    %add3A = arith.addf %squeeze3A, %squeeze3A_4 : vector<1000x144xf32>
    %slice3A_5 = vector.extract_strided_slice %add3A {offsets = [0, 0], sizes = [1000, 128], strides = [1, 1]} : vector<1000x144xf32> to vector<1000x128xf32>
    %slice3A_6 = vector.extract_strided_slice %add3A {offsets = [0, 128], sizes = [1000, 8], strides = [1, 1]} : vector<1000x144xf32> to vector<1000x8xf32>
    %iota3A = tpu.iota {dimensions = array<i32: 0>} : vector<8x128xi32>
    %iota3A_7 = tpu.iota {dimensions = array<i32: 1>} : vector<8x128xi32>
    %jit3A = arith.constant 16 : i32
    %div3A = vector.broadcast %jit3A : i32 to vector<8x128xi32>
    %div3A_8 = arith.divsi %iota3A_7, %div3A : vector<8x128xi32>
    %sign3A = arith.constant 0 : i32
    %sign3A_9 = vector.broadcast %sign3A : i32 to vector<8x128xi32>
    %sign3A_10 = arith.cmpi sgt, %iota3A_7, %sign3A_9 : vector<8x128xi32>
    %sign3A_11 = arith.extui %sign3A_10 : vector<8x128xi1> to vector<8x128xi32>
    %sign3A_12 = arith.constant 0 : i32
    %sign3A_13 = vector.broadcast %sign3A_12 : i32 to vector<8x128xi32>
    %sign3A_14 = arith.cmpi slt, %iota3A_7, %sign3A_13 : vector<8x128xi32>
    %sign3A_15 = arith.extui %sign3A_14 : vector<8x128xi1> to vector<8x128xi32>
    %sign3A_16 = arith.subi %sign3A_11, %sign3A_15 : vector<8x128xi32>
    %sign3A_17 = arith.constant 0 : i32
    %sign3A_18 = arith.cmpi sgt, %jit3A, %sign3A_17 : i32
    %sign3A_19 = arith.extui %sign3A_18 : i1 to i32
    %sign3A_20 = arith.constant 0 : i32
    %sign3A_21 = arith.cmpi slt, %jit3A, %sign3A_20 : i32
    %sign3A_22 = arith.extui %sign3A_21 : i1 to i32
    %sign3A_23 = arith.subi %sign3A_19, %sign3A_22 : i32
    %ne3A = vector.broadcast %sign3A_23 : i32 to vector<8x128xi32>
    %ne3A_24 = arith.cmpi ne, %sign3A_16, %ne3A : vector<8x128xi32>
    %rem3A = vector.broadcast %jit3A : i32 to vector<8x128xi32>
    %rem3A_25 = arith.remsi %iota3A_7, %rem3A : vector<8x128xi32>
    %ne3A_26 = arith.constant 0 : i32
    %ne3A_27 = vector.broadcast %ne3A_26 : i32 to vector<8x128xi32>
    %ne3A_28 = arith.cmpi ne, %rem3A_25, %ne3A_27 : vector<8x128xi32>
    %and3A = arith.andi %ne3A_24, %ne3A_28 : vector<8x128xi1>
    %sub3A = arith.constant 1 : i32
    %sub3A_29 = vector.broadcast %sub3A : i32 to vector<8x128xi32>
    %sub3A_30 = arith.subi %div3A_8, %sub3A_29 : vector<8x128xi32>
    %select_n3A = arith.select %and3A, %sub3A_30, %div3A_8 : vector<8x128xi1>, vector<8x128xi32>
    %eq3A = arith.cmpi eq, %select_n3A, %iota3A : vector<8x128xi32>
    %convert_element_type3A = arith.extui %eq3A : vector<8x128xi1> to vector<8x128xi32>
    %convert_element_type3A_31 = arith.sitofp %convert_element_type3A : vector<8x128xi32> to vector<8x128xf32>
    %dot_general3A = arith.constant dense<0.000000e+00> : vector<1000x128xf32>
    %dot_general3A_32 = tpu.matmul %slice3A_6, %convert_element_type3A_31, %dot_general3A {dimension_numbers = #tpu.dot_dimension_numbers<[1], [0], [0], [1], [0, 0, 1, 1], [], []>, transpose_lhs_hint = false} : vector<1000x8xf32>, vector<8x128xf32>, vector<1000x128xf32> -> vector<1000x128xf32>
    %add3A_33 = arith.constant 9.99999997E-7 : f32
    %add3A_34 = vector.broadcast %add3A_33 : f32 to vector<1000x128xf32>
    %add3A_35 = arith.addf %dot_general3A_32, %add3A_34 : vector<1000x128xf32>
    %div3A_36 = arith.divf %slice3A_5, %add3A_35 : vector<1000x128xf32>
    %get3A_37 = arith.constant 0 : index
    %get3A_38 = arith.constant 0 : index
    %get3A_39 = vector.load %arg2[%get3A_37, %get3A_38] : memref<128x128xf32, #tpu.memory_space<vmem>>, vector<128x128xf32>
    %dot_general3A_40 = arith.constant dense<0.000000e+00> : vector<1000x128xf32>
    %dot_general3A_41 = tpu.matmul %div3A_36, %get3A_39, %dot_general3A_40 {dimension_numbers = #tpu.dot_dimension_numbers<[1], [0], [0], [1], [0, 0, 1, 1], [], []>, transpose_lhs_hint = false} : vector<1000x128xf32>, vector<128x128xf32>, vector<1000x128xf32> -> vector<1000x128xf32>
    %swap3A = arith.constant 0 : index
    %swap3A_42 = arith.constant 0 : index
    %swap3A_43 = vector.load %arg3[%swap3A, %swap3A_42] : memref<1000x128xf32, #tpu.memory_space<vmem>>, vector<1000x128xf32>
    tpu.vector_store %arg3[%swap3A, %swap3A_42], %dot_general3A_41 {strides = array<i32>} : memref<1000x128xf32, #tpu.memory_space<vmem>>, vector<1000x128xf32>,
    return
  }
  func.func @transform_0(%arg0: i32) -> (i32, i32, i32) {
    %c0_i32 = arith.constant 0 : i32
    %c0_i32_0 = arith.constant 0 : i32
    %c0_i32_1 = arith.constant 0 : i32
    return %c0_i32, %arg0, %c0_i32_0 : i32, i32, i32
  }
  func.func @transform_1(%arg0: i32) -> (i32, i32) {
    %c0_i32 = arith.constant 0 : i32
    %c0_i32_0 = arith.constant 0 : i32
    %c0_i32_1 = arith.constant 0 : i32
    return %c0_i32, %c0_i32_0 : i32, i32
  }
  func.func @transform_2(%arg0: i32) -> (i32, i32) {
    %c0_i32 = arith.constant 0 : i32
    %c0_i32_0 = arith.constant 0 : i32
    return %arg0, %c0_i32 : i32, i32
  }
}

</mosaic_0001>

<sc_bundles>
// kernel: kernel.5.cloned.1.call-start
scs
__scs_entry_jumppad:
0x0: {  	(pc) =	sbr.rel $0x88, $3  }
0x1: {  	(tag) =	ssettag $0x0;
	lr =	simm.s32 $0x1  }
0x2: {  	[smem:$0x3F9B] =	sst lr;
	_ =	strace $0xD0000000  }
0x3: {  	_ = 	snop  }
0x4: {  	_ = 	snop  }
0x5: {  	_ = 	snop  }
0x6: {  	_ = 	snop  }
0x7: {  	_ = 	snop  }
__scs_overlays_trampoline_lowered:
0x8: {  	[smem:$0x3FAA] =	sst s0  }
0x9: {  	[smem:$0x3FAB] =	sst s1  }
0xa: {  	[smem:$0x3FAC] =	sst s2  }
0xb: {  	[smem:$0x3FAD] =	sst s3  }
0xc: {  	[smem:$0x3FAE] =	sst s4  }
0xd: {  	[smem:$0x3FAF] =	sst s5  }
0xe: {  	[smem:$0x3FB0] =	sst s6  }
0xf: {  	[smem:$0x3FB1] =	sst s7  }
0x10: {  	[smem:$0x3FB2] =	sst s8  }
0x11: {  	[smem:$0x3FB3] =	sst s9;
	s0 =	simm.s32 @!p0 $0x0  }
0x12: {  	s1 =	sld [smem:$0x3F99];
	s0 =	simm.s32 @p0 $0x1  }
0x13: {  	[smem:$0x3FB4] =	sst s0;
	s0 =	simm.s32 @!p1 $0x0  }
0x14: {  	s2 =	sld [smem:$0x3F98];
	s0 =	simm.s32 @p1 $0x1  }
0x15: {  	[smem:$0x3FB5] =	sst s0;
	s0 =	simm.s32 @!p2 $0x0  }
0x16: {  	s3 =	sld [smem:$0x3FDB];
	s0 =	simm.s32 @p2 $0x1  }
0x17: {  	s4 =	simm.s32 $0x1BF5;
	[smem:$0x3FB7] =	sst s0  }
0x18: {  	s0 =	sld [smem:$0x3F9A];
	_ =	swait.ge [sflag:s4], $0x0  }
0x19: {  	s7 =	sld [smem:$0x3F9B]  }
0x1a: {  	s8 =	sadd.s32 $0xFFFFE003, lr  }
0x1b: {  	s9 =	sadd.s32 $0xFFFFFEF7, lr;
	s5 =	simm.s32 $0xFFFFFFFF;
	p2 =	slt.u32 s8, $0xFFFFF086  }
0x1c: {  	p1 =	slt.u32 s9, $0xF7A;
	s5 =	simm.s32 @!p2 $0x0  }
0x1d: {  	s5 =	simm.s32 @p1 $0x1;
	p0 =	seq.s32 s7, s2  }
0x1e: {  	s7 =	smul.u32 @!p0 $0xF7A, s2;
	p2 =	seq.s32 @!p0 s5, $0x0  }
0x1f: {  	s9 =	smul.u32 $0xF7A, s1;
	s8 =	simm.s32 @!p0 $0x1BF5;
	p2 =	por !p2, p0  }
0x20: {  	[sflag:s8] =	ssyncset.s32 @!p0 $0xFFFFF086;
	s6 =	sadd.s32 @!p0 s3, s7;
	s7 =	simm.s32 @!p0 $0x108  }
0x21: {  	s3 =	sadd.s32 s3, s9;
	s6 =	sadd.s32 @!p0 $0x88, s6;
	s7 =	simm.s32 @p2 $0x1082  }
0x22: {  	[simem:s7], [sflag:s8] =	dma.local @!p0 [hbm:s6], $0xF7A  }
0x23: {  	s9 =	sor.u32 $0xD0000000, s2;
	s6 =	simm.s32 $0x108;
	_ =	swait.ge @!p0 [sflag:s8], $0x0  }
0x24: {  	s3 =	sadd.s32 $0x88, s3;
	s6 =	simm.s32 @!p1 $0x1082;
	[sflag:s4] =	ssyncset.s32 $0xFFFFF086  }
0x25: {  	[simem:s6], [sflag:s4] =	dma.local [hbm:s3], $0xF7A  }
0x26: {  	[smem:$0x3F9B] =	sst s1;
	(tag) =	ssettag s2;
	_ =	strace s9  }
0x27: {  	s1 =	sld [smem:$0x3FAB]  }
0x28: {  	s2 =	sld [smem:$0x3FAC]  }
0x29: {  	s4 =	sld [smem:$0x3FAE]  }
0x2a: {  	p0 =	seq.s32 s5, $0x0;
	s5 =	sld [smem:$0x3FAF]  }
0x2b: {  	s6 =	sld [smem:$0x3FB0]  }
0x2c: {  	s7 =	sld [smem:$0x3FB1]  }
0x2d: {  	s3 =	simm.s32 $0x108;
	s8 =	sld [smem:$0x3FB2]  }
0x2e: {  	s3 =	simm.s32 @!p0 $0x1082;
	s9 =	sld [smem:$0x3FB3]  }
0x2f: {  	lr =	sadd.s32 s0, s3;
	s0 =	sld [smem:$0x3FAA]  }
0x30: {  	s3 =	sld [smem:$0x3FAD]  }
0x31: {  	[smem:$0x3FB6] =	sst s10  }
0x32: {  	s10 =	sld [smem:$0x3FB4];
	_ =	sdelay $0x3  }
0x33: {  	p0 =	seq.s32 s10, $0x1;
	s10 =	sld [smem:$0x3FB6];
	_ =	sdelay $0x3  }
0x34: {  	[smem:$0x3FB6] =	sst s10  }
0x35: {  	s10 =	sld [smem:$0x3FB5];
	_ =	sdelay $0x3  }
0x36: {  	p1 =	seq.s32 s10, $0x1;
	s10 =	sld [smem:$0x3FB6];
	_ =	sdelay $0x3  }
0x37: {  	[smem:$0x3FB6] =	sst s10  }
0x38: {  	s10 =	sld [smem:$0x3FB7]  }
0x39: {  	_ = 	snop;
	(pc) =	sbr.ind lr, $3  }
0x3a: {  	_ = 	snop  }
0x3b: {  	_ = 	snop  }
0x3c: {  	p2 =	seq.s32 s10, $0x1;
	s10 =	sld [smem:$0x3FB6]  }
0x3d: {  	_ =	shalt  }
0x3e: {  	_ =	shalt  }
0x3f: {  	_ =	shalt  }
0x40: {  	_ =	shalt  }
0x41: {  	_ =	shalt  }
0x42: {  	_ =	shalt  }
0x43: {  	_ =	shalt  }
0x44: {  	_ =	shalt  }
0x45: {  	_ =	shalt  }
0x46: {  	_ =	shalt  }
0x47: {  	_ =	shalt  }
0x48: {  	_ =	shalt  }
0x49: {  	_ =	shalt  }
0x4a: {  	_ =	shalt  }
0x4b: {  	_ =	shalt  }
0x4c: {  	_ =	shalt  }
0x4d: {  	_ =	shalt  }
0x4e: {  	_ =	shalt  }
0x4f: {  	_ =	shalt  }
0x50: {  	_ =	shalt  }
0x51: {  	_ =	shalt  }
0x52: {  	_ =	shalt  }
0x53: {  	_ =	shalt  }
0x54: {  	_ =	shalt  }
0x55: {  	_ =	shalt  }
0x56: {  	_ =	shalt  }
0x57: {  	_ =	shalt  }
0x58: {  	_ =	shalt  }
0x59: {  	_ =	shalt  }
0x5a: {  	_ =	shalt  }
0x5b: {  	_ =	shalt  }
0x5c: {  	_ =	shalt  }
0x5d: {  	_ =	shalt  }
0x5e: {  	_ =	shalt  }
0x5f: {  	_ =	shalt  }
0x60: {  	_ =	shalt  }
0x61: {  	_ =	shalt  }
0x62: {  	_ =	shalt  }
0x63: {  	_ =	shalt  }
0x64: {  	_ =	shalt  }
0x65: {  	_ =	shalt  }
0x66: {  	_ =	shalt  }
0x67: {  	_ =	shalt  }
0x68: {  	_ =	shalt  }
0x69: {  	_ =	shalt  }
0x6a: {  	_ =	shalt  }
0x6b: {  	_ =	shalt  }
0x6c: {  	_ =	shalt  }
0x6d: {  	_ =	shalt  }
0x6e: {  	_ =	shalt  }
0x6f: {  	_ =	shalt  }
0x70: {  	_ =	shalt  }
0x71: {  	_ =	shalt  }
0x72: {  	_ =	shalt  }
0x73: {  	_ =	shalt  }
0x74: {  	_ =	shalt  }
0x75: {  	_ =	shalt  }
0x76: {  	_ =	shalt  }
0x77: {  	_ =	shalt  }
0x78: {  	_ =	shalt  }
0x79: {  	_ =	shalt  }
0x7a: {  	_ =	shalt  }
0x7b: {  	_ =	shalt  }
0x7c: {  	_ =	shalt  }
0x7d: {  	_ =	shalt  }
0x7e: {  	_ =	shalt  }
0x7f: {  	_ =	shalt  }
0x80: {  	_ =	shalt  }
0x81: {  	_ =	shalt  }
0x82: {  	_ =	shalt  }
0x83: {  	_ =	shalt  }
0x84: {  	_ =	shalt  }
0x85: {  	_ =	shalt  }
0x86: {  	_ =	shalt  }
0x87: {  	_ =	shalt  }
.Lfunc_end0:
.L_simem_size_0:
called_computation_lowered:
.L_overlay_start_0:
0x88: {  	s2 =	sld [smem:$0x3FD9]  }
0x89: {  	s3 =	sld [smem:$0x3FFE];
	_ =	sdelay $0x1  }
0x8a: {  	s1 =	srdreg.scid  }
0x8b: {  	s0 =	sand.u32 $0x1, s1  }
0x8c: {  	s17 =	sshll.u32 s0, $0xA;
	s2 =	sadd.s32 s3, s2  }
0x8d: {  	s2 =	sadd.s32 s2, s17  }
0x8e: {  	[smem:$0x3FC2] =	sst s2  }
0x8f: {  	_ = 	snop  }
0x90: {  	s2 =	sld [smem:$0x3FD0];
	(tm) =	ssettm $0x1  }
0x91: {  	s18 =	sld [smem:$0x3FFB];
	_ =	sdelay $0x3  }
0x92: {  	_ =	strace s18  }
0x93: {  	s3 =	sld [smem:$0x3FFC];
	_ =	sdelay $0x3  }
0x94: {  	_ =	strace s3  }
0x95: {  	s3 =	sld [smem:$0x3FFD];
	_ =	sdelay $0x3  }
0x96: {  	_ =	strace s3  }
0x97: {  	_ =	strace $0x8FFFFFFF  }
0x98: {  	s19 =	sld [smem:$0x3FDB];
	_ =	sdelay $0x1  }
0x99: {  	s4 =	simm.s32 $_scs_section_size  }
0x9a: {  	s5 =	simm.s32 $_size__tile_overlayer_lowered;
	s6 =	simm.s32 $_tile_overlayer_lowered  }
0x9b: {  	s22 =	simm.s32 $0x1BFF;
	s21 =	sshll.u32 s6, $0x1;
	s3 =	sadd.s32 s4, s19  }
0x9c: {  	s7 =	simm.s32 $0x0;
	s20 =	sshll.u32 s5, $0x1;
	s5 =	sadd.s32 s21, s3  }
0x9d: {  	[timem:s7], [sflag:s22] =	dma.local [hbm:s5], s20  }
0x9e: {  	_ =	swait.ge [sflag:s22], s20  }
0x9f: {  	s4 =	ssub.s32 $0x0, s20;
	[sflag:s22] =	ssyncset.done $0x0  }
0xa0: {  	[sflag:s22] =	ssyncadd.s32 s4;
	_ =	sdelay $0x1  }
0xa1: {  	s23 =	simm.s32 $0x1B8B  }
0xa2: {  	_ =	swait.ge [sflag:s23], $0x1  }
0xa3: {  	[sflag:s23] =	ssyncset.done $0x0  }
0xa4: {  	s25 =	simm.s32 $0x1B8E;
	s24 =	sld [smem:$0x3FFE];
	[sflag:s23] =	ssyncadd.s32 $0xFFFFFFFF  }
0xa5: {  	s26 =	simm.s32 $execute0_lowered;
	[smem:$0x3FD2] =	sst s25  }
0xa6: {  	s5 =	sshll.u32 s26, $0x1;
	_ =	strace $0x80000046;
	[dreg:$0x1] =	wrdreg $0xFFFFFFFF  }
0xa7: {  	s28 =	simm.s32 $_size_execute0_lowered;
	s3 =	sadd.s32 s3, s5;
	[dreg:$0x0] =	wrdreg $0x0  }
0xa8: {  	s5 =	sshll.u32 s28, $0x1;
	[dreg:$0x2] =	wrdreg s3  }
0xa9: {  	[dreg:$0x3] =	wrdreg s5  }
0xaa: {  	[dreg:$0x4] =	wrdreg $0xC0  }
0xab: {  	_ =	task [dreg:s7], $0x5FFFF  }
0xac: {  	[dreg:$0x1] =	wrdreg $0xFFFFFFFF  }
0xad: {  	[dreg:$0x0] =	wrdreg $0x60  }
0xae: {  	[dreg:$0x2] =	wrdreg s2  }
0xaf: {  	[dreg:$0x3] =	wrdreg s24  }
0xb0: {  	[dreg:$0x4] =	wrdreg $0x0  }
0xb1: {  	[dreg:$0x5] =	wrdreg $0x9  }
0xb2: {  	_ =	task.clear_ibuf [dreg:s7], $0x6FFFF;
	_ =	strace $0x90000046  }
0xb3: {  	s29 =	simm.s32 $0x9;
	_ =	strace $0x80000048  }
0xb4: {  	_ =	swait.ge [sflag:s29], $0x1  }
0xb5: {  	[sflag:s29] =	ssyncadd.s32 $0xFFFFFFFF  }
0xb6: {  	_ =	strace $0x90000048  }
0xb7: {  	_ =	sfence  }
0xb8: {  	s30 =	sld [smem:$0x0];
	_ =	sdelay $0x2  }
0xb9: {  	s31 =	sshll.u32 s1, $0xD;
	s1 =	sshrl.u32 s1, $0x2  }
0xba: {  	s3 =	sand.u32 $0x4000, s31;
	s1 =	sadd.s32 s1, s30  }
0xbb: {  	s0 =	sor.u32 s3, s0;
	s1 =	sshll.u32 s1, $0x11  }
0xbc: {  	s0 =	sor.u32 s1, s0  }
0xbd: {  	s0 =	sadd.s32 $0x8F2B, s0  }
0xbe: {  	[sflag:s0] =	ssyncadd.remote.s32 $0x1  }
0xbf: {  	_ =	sfence.sel $0xFFFF  }
0xc0: {  	[dreg:$0x0] =	wrdreg $0xFFFFFFFF;
	(pc) =	sbr.abs _section_cstart, $3  }
0xc1: {  	[dreg:$0x1] =	wrdreg $0xFFFFFFFF  }
0xc2: {  	_ =	task.clear_ibuf [dreg:s7], $0x2FFFF;
	_ =	strace $0x9FFFFFFF  }
0xc3: {  	(tm) =	ssettm $0x7FFFFFFF  }
tec
execute0_lowered:
.L_overlay_start_1:
0x0: {  	(tag) =	ssettag $0x1  }
0x1: {  	s1 =	rddreg [dreg:$0x0]  }
0x2: {  	s0 =	rddreg [dreg:$0x1];
	s2 =	srdreg.scid  }
0x3: {  	s12 =	stileid.u32;
	s3 =	rddreg [dreg:$0x2]  }
0x4: {  	s4 =	simm.s32 $0x0;
	s2 =	sand.u32 $0x1, s2;
	s10 =	smul.u32 $0x5A000, s12  }
0x5: {  	s8 =	smul.u32 $0x16800, s12;
	[smem:$0x7FF] =	sst s4;
	s12 =	sshll.u32 s12, $0x1  }
0x6: {  	s6 =	smul.u32 $0x168000, s2;
	s13 =	ssub.s32 $0x2, s2;
	s10 =	sshrl.u32 s10, $0x2  }
0x7: {  	s15 =	sor.u32 s2, s12;
	s2 =	sadd.s32 s10, s3;
	s10 =	sadd.s32 s8, s3  }
0x8: {  	_ =	strace $0x80000047;
	s16 =	sadd.s32 $0x1200, s2;
	[dreg:$0x4] =	wrdreg s10  }
0x9: {  	s17 =	sadd.s32 $0x2400, s2;
	[dreg:$0x5] =	wrdreg s16  }
0xa: {  	s28 =	simm.s32 $0x6;
	s18 =	sadd.s32 $0x3600, s2;
	[dreg:$0x6] =	wrdreg s17  }
0xb: {  	s29 =	simm.s32 $0x168A0;
	s19 =	sadd.s32 $0x4800, s2;
	[dreg:$0x7] =	wrdreg s18  }
0xc: {  	s30 =	simm.s32 $0x1DAC0;
	s20 =	sadd.s32 $0x5A00, s2;
	[dreg:$0x8] =	wrdreg s19  }
0xd: {  	s31 =	simm.s32 $0x7;
	s21 =	sadd.s32 $0x6C00, s2;
	[dreg:$0x9] =	wrdreg s20  }
0xe: {  	s5 =	sadd.s32 $0x800, s0;
	s22 =	sadd.s32 $0x7E00, s2;
	[dreg:$0xa] =	wrdreg s21  }
0xf: {  	s14 =	sshrl.u32 s13, $0x1;
	s23 =	sadd.s32 $0x9000, s2;
	[dreg:$0xb] =	wrdreg s22  }
0x10: {  	s7 =	sadd.s32 s8, s6;
	s24 =	sadd.s32 $0xA200, s2;
	[dreg:$0xc] =	wrdreg s23  }
0x11: {  	s6 =	sadd.s32 $0x58800, s0;
	s25 =	sadd.s32 $0xB400, s2;
	[dreg:$0xd] =	wrdreg s24  }
0x12: {  	s13 =	ssub.s32 s13, s14;
	s26 =	sadd.s32 $0xC600, s2;
	[dreg:$0xe] =	wrdreg s25  }
0x13: {  	s14 =	smul.u32 $0x2780, s15;
	s12 =	sadd.s32 $0xEA00, s2;
	[dreg:$0xf] =	wrdreg s26  }
0x14: {  	s9 =	sshrl.u32 s7, $0x3;
	s15 =	sadd.s32 $0xFC00, s2;
	[dreg:$0x11] =	wrdreg s12  }
0x15: {  	s11 =	sadd.s32 s9, s0;
	s9 =	sadd.s32 $0xD800, s2;
	[dreg:$0x12] =	wrdreg s15  }
0x16: {  	s8 =	simm.s32 $0x0;
	s16 =	sadd.s32 $0x10E00, s2;
	[dreg:$0x10] =	wrdreg s9  }
0x17: {  	s7 =	sadd.s32 $0x4EA00, s0;
	s17 =	sadd.s32 $0x12000, s2;
	[dreg:$0x13] =	wrdreg s16  }
0x18: {  	s18 =	sadd.s32 $0x13200, s2;
	s19 =	sadd.s32 $0x14400, s2;
	[dreg:$0x14] =	wrdreg s17  }
0x19: {  	s20 =	sshrl.u32 s14, $0x3;
	s2 =	sadd.s32 $0x15600, s2;
	[dreg:$0x15] =	wrdreg s18  }
0x1a: {  	s26 =	smax.u32 s13, $0x1;
	s12 =	simm.s32 $0x1C8C0;
	[dreg:$0x16] =	wrdreg s19  }
0x1b: {  	s13 =	simm.s32 $0x9;
	s15 =	simm.s32 $0x16840;
	[dreg:$0x17] =	wrdreg s2  }
0x1c: {  	s21 =	sadd.s32 s6, s20;
	s22 =	sor.u32 $0x4, s20;
	s0 =	sadd.s32 s7, s20  }
0x1d: {  	s9 =	sor.u32 $0x60, s14;
	s25 =	sadd.s32 $0x62600, s11;
	[dreg:$0x1d] =	wrdreg s26  }
0x1e: {  	v0 =	vimm.f32 $0.0e+00;
	v1 =	vimm.s32 $0xF;
	vm0 =	vmmov $0x1;
	s16 =	simm.s32 $0x16820;
	s17 =	simm.s32 $0x16860;
	s19 =	simm.s32 $0x20  }
0x1f: {  	vm1 =	vcmask $0x320;
	vm2 =	vcmask $0x720;
	vm3 =	vcmask $0xB20;
	s20 =	simm.s32 $0x3;
	s26 =	simm.s32 $0x4;
	[dreg:$0x18] =	wrdreg s21  }
0x20: {  	vm4 =	vcmask $0xF20;
	vm5 =	vcmask $0x1320;
	vm6 =	vcmask $0x1720;
	[dreg:$0x19] =	wrdreg s0;
	s23 =	sadd.s32 s6, s22;
	s24 =	sadd.s32 s7, s22  }
0x21: {  	vm7 =	vcmask $0x1B20;
	v2 =	vimm.s32 $0x0;
	v3 =	vimm.s32 $0x1;
	s0 =	sor.u32 $0x40, s14;
	[dreg:$0x1c] =	wrdreg s25;
	s21 =	simm.s32 $0x5  }
0x22: {  	v4 =	vimm.s32 $0x2;
	v5 =	vimm.s32 $0x3;
	v6 =	vimm.s32 $0x4;
	s22 =	simm.s32 $0x2;
	s25 =	simm.s32 $0x16880;
	[dreg:$0x1a] =	wrdreg s23  }
0x23: {  	v7 =	vimm.s32 $0x5;
	v8 =	vimm.s32 $0x6;
	v9 =	vimm.s32 $0x7;
	[dreg:$0x1b] =	wrdreg s24;
	s23 =	simm.s32 $0x188C0;
	s24 =	simm.s32 $0x1B8C0  }
.LBB2_1:
0x24: {  	[dreg:$0x1e] =	wrdreg s8;
	s2 =	simm.s32 $0x0;
	s8 =	simm.s32 $0x240  }
.LBB2_2:
0x25: {  	p0 =	sne.s32 s8, $0x45C0;
	[tilespmem:s2+$0x1C940] =	vst v0  }
0x26: {  	[tilespmem:s2+$0x1C8C0] =	vst v0  }
0x27: {  	[tilespmem:s2+$0x1C8D0] =	vst v0  }
0x28: {  	[tilespmem:s2+$0x1C8E0] =	vst v0  }
.Ltmp0:
0x29: {  	[tilespmem:s2+$0x1C8F0] =	vst v0;
	(pc) =	sbr.rel @p0 .LBB2_2-.Ltmp0, $4  }
0x2a: {  	[tilespmem:s2+$0x1C900] =	vst v0  }
0x2b: {  	[tilespmem:s2+$0x1C910] =	vst v0  }
0x2c: {  	[tilespmem:s2+$0x1C920] =	vst v0  }
0x2d: {  	[tilespmem:s2+$0x1C930] =	vst v0;
	s2 =	sshra.s32 s8, $0x2;
	s8 =	sadd.s32 $0x240, s8  }
0x2e: {  	[tilespmem:s2+$0x1C940] =	vst v0  }
0x2f: {  	[tilespmem:s2+$0x1C8C0] =	vst v0  }
0x30: {  	[tilespmem:s2+$0x1C8D0] =	vst v0  }
0x31: {  	[tilespmem:s2+$0x1C8E0] =	vst v0  }
0x32: {  	[tilespmem:s2+$0x1C8F0] =	vst v0  }
0x33: {  	[tilespmem:s2+$0x1C900] =	vst v0  }
0x34: {  	[tilespmem:s2+$0x1C910] =	vst v0  }
0x35: {  	[tilespmem:s2+$0x1C920] =	vst v0  }
0x36: {  	[tilespmem:s2+$0x1C930] =	vst v0  }
0x37: {  	[spmem:s10] =	stream.linear.scatter [tilespmem:s12], [sflag:$0x9], $0x1200, $0x38;
	[tilespmem:$0x1ECC0] =	vst v63  }
0x38: {  	_ =	swait.ge [sflag:s13], $0x1200  }
0x39: {  	[sflag:s13] =	ssyncset.done $0x0  }
0x3a: {  	s11 =	rddreg [dreg:$0x5];
	[sflag:s13] =	ssyncadd.s32 $0xFFFFEE00  }
0x3b: {  	[spmem:s11] =	stream.linear.scatter [tilespmem:s12], [sflag:$0x9], $0x1200, $0x38;
	[tilespmem:$0x1ECC0] =	vst v63  }
0x3c: {  	_ =	swait.ge [sflag:s13], $0x1200  }
0x3d: {  	[sflag:s13] =	ssyncset.done $0x0  }
0x3e: {  	s14 =	rddreg [dreg:$0x6];
	[sflag:s13] =	ssyncadd.s32 $0xFFFFEE00  }
0x3f: {  	[spmem:s14] =	stream.linear.scatter [tilespmem:s12], [sflag:$0x9], $0x1200, $0x38;
	[tilespmem:$0x1ECC0] =	vst v63  }
0x40: {  	_ =	swait.ge [sflag:s13], $0x1200  }
0x41: {  	[sflag:s13] =	ssyncset.done $0x0  }
0x42: {  	s18 =	rddreg [dreg:$0x7];
	[sflag:s13] =	ssyncadd.s32 $0xFFFFEE00  }
0x43: {  	[spmem:s18] =	stream.linear.scatter [tilespmem:s12], [sflag:$0x9], $0x1200, $0x38;
	[tilespmem:$0x1ECC0] =	vst v63  }
0x44: {  	_ =	swait.ge [sflag:s13], $0x1200  }
0x45: {  	[sflag:s13] =	ssyncset.done $0x0  }
0x46: {  	s8 =	rddreg [dreg:$0x8];
	[sflag:s13] =	ssyncadd.s32 $0xFFFFEE00  }
0x47: {  	[spmem:s8] =	stream.linear.scatter [tilespmem:s12], [sflag:$0x9], $0x1200, $0x38;
	[tilespmem:$0x1ECC0] =	vst v63  }
0x48: {  	_ =	swait.ge [sflag:s13], $0x1200  }
0x49: {  	[sflag:s13] =	ssyncset.done $0x0  }
0x4a: {  	s10 =	rddreg [dreg:$0x9];
	[sflag:s13] =	ssyncadd.s32 $0xFFFFEE00  }
0x4b: {  	[spmem:s10] =	stream.linear.scatter [tilespmem:s12], [sflag:$0x9], $0x1200, $0x38;
	[tilespmem:$0x1ECC0] =	vst v63  }
0x4c: {  	_ =	swait.ge [sflag:s13], $0x1200  }
0x4d: {  	[sflag:s13] =	ssyncset.done $0x0  }
0x4e: {  	s11 =	rddreg [dreg:$0xa];
	[sflag:s13] =	ssyncadd.s32 $0xFFFFEE00  }
0x4f: {  	[spmem:s11] =	stream.linear.scatter [tilespmem:s12], [sflag:$0x9], $0x1200, $0x38;
	[tilespmem:$0x1ECC0] =	vst v63  }
0x50: {  	_ =	swait.ge [sflag:s13], $0x1200  }
0x51: {  	[sflag:s13] =	ssyncset.done $0x0  }
0x52: {  	s14 =	rddreg [dreg:$0xb];
	[sflag:s13] =	ssyncadd.s32 $0xFFFFEE00  }
0x53: {  	[spmem:s14] =	stream.linear.scatter [tilespmem:s12], [sflag:$0x9], $0x1200, $0x38;
	[tilespmem:$0x1ECC0] =	vst v63  }
0x54: {  	_ =	swait.ge [sflag:s13], $0x1200  }
0x55: {  	[sflag:s13] =	ssyncset.done $0x0  }
0x56: {  	s18 =	rddreg [dreg:$0xc];
	[sflag:s13] =	ssyncadd.s32 $0xFFFFEE00  }
0x57: {  	[spmem:s18] =	stream.linear.scatter [tilespmem:s12], [sflag:$0x9], $0x1200, $0x38;
	[tilespmem:$0x1ECC0] =	vst v63  }
0x58: {  	_ =	swait.ge [sflag:s13], $0x1200  }
0x59: {  	[sflag:s13] =	ssyncset.done $0x0  }
0x5a: {  	s8 =	rddreg [dreg:$0xd];
	[sflag:s13] =	ssyncadd.s32 $0xFFFFEE00  }
0x5b: {  	[spmem:s8] =	stream.linear.scatter [tilespmem:s12], [sflag:$0x9], $0x1200, $0x38;
	[tilespmem:$0x1ECC0] =	vst v63  }
0x5c: {  	_ =	swait.ge [sflag:s13], $0x1200  }
0x5d: {  	[sflag:s13] =	ssyncset.done $0x0  }
0x5e: {  	s10 =	rddreg [dreg:$0xe];
	[sflag:s13] =	ssyncadd.s32 $0xFFFFEE00  }
0x5f: {  	[spmem:s10] =	stream.linear.scatter [tilespmem:s12], [sflag:$0x9], $0x1200, $0x38;
	[tilespmem:$0x1ECC0] =	vst v63  }
0x60: {  	_ =	swait.ge [sflag:s13], $0x1200  }
0x61: {  	[sflag:s13] =	ssyncset.done $0x0  }
0x62: {  	s11 =	rddreg [dreg:$0xf];
	[sflag:s13] =	ssyncadd.s32 $0xFFFFEE00  }
0x63: {  	[spmem:s11] =	stream.linear.scatter [tilespmem:s12], [sflag:$0x9], $0x1200, $0x38;
	[tilespmem:$0x1ECC0] =	vst v63  }
0x64: {  	_ =	swait.ge [sflag:s13], $0x1200  }
0x65: {  	[sflag:s13] =	ssyncset.done $0x0  }
0x66: {  	s14 =	rddreg [dreg:$0x10];
	[sflag:s13] =	ssyncadd.s32 $0xFFFFEE00  }
0x67: {  	[spmem:s14] =	stream.linear.scatter [tilespmem:s12], [sflag:$0x9], $0x1200, $0x38;
	[tilespmem:$0x1ECC0] =	vst v63  }
0x68: {  	_ =	swait.ge [sflag:s13], $0x1200  }
0x69: {  	[sflag:s13] =	ssyncset.done $0x0  }
0x6a: {  	s18 =	rddreg [dreg:$0x11];
	[sflag:s13] =	ssyncadd.s32 $0xFFFFEE00  }
0x6b: {  	[spmem:s18] =	stream.linear.scatter [tilespmem:s12], [sflag:$0x9], $0x1200, $0x38;
	[tilespmem:$0x1ECC0] =	vst v63  }
0x6c: {  	_ =	swait.ge [sflag:s13], $0x1200  }
0x6d: {  	[sflag:s13] =	ssyncset.done $0x0  }
0x6e: {  	s8 =	rddreg [dreg:$0x12];
	[sflag:s13] =	ssyncadd.s32 $0xFFFFEE00  }
0x6f: {  	[spmem:s8] =	stream.linear.scatter [tilespmem:s12], [sflag:$0x9], $0x1200, $0x38;
	[tilespmem:$0x1ECC0] =	vst v63  }
0x70: {  	_ =	swait.ge [sflag:s13], $0x1200  }
0x71: {  	[sflag:s13] =	ssyncset.done $0x0  }
0x72: {  	s10 =	rddreg [dreg:$0x13];
	[sflag:s13] =	ssyncadd.s32 $0xFFFFEE00  }
0x73: {  	[spmem:s10] =	stream.linear.scatter [tilespmem:s12], [sflag:$0x9], $0x1200, $0x38;
	[tilespmem:$0x1ECC0] =	vst v63  }
0x74: {  	_ =	swait.ge [sflag:s13], $0x1200  }
0x75: {  	[sflag:s13] =	ssyncset.done $0x0  }
0x76: {  	s11 =	rddreg [dreg:$0x14];
	[sflag:s13] =	ssyncadd.s32 $0xFFFFEE00  }
0x77: {  	[spmem:s11] =	stream.linear.scatter [tilespmem:s12], [sflag:$0x9], $0x1200, $0x38;
	[tilespmem:$0x1ECC0] =	vst v63  }
0x78: {  	_ =	swait.ge [sflag:s13], $0x1200  }
0x79: {  	[sflag:s13] =	ssyncset.done $0x0  }
0x7a: {  	s14 =	rddreg [dreg:$0x15];
	[sflag:s13] =	ssyncadd.s32 $0xFFFFEE00  }
0x7b: {  	[spmem:s14] =	stream.linear.scatter [tilespmem:s12], [sflag:$0x9], $0x1200, $0x38;
	[tilespmem:$0x1ECC0] =	vst v63  }
0x7c: {  	_ =	swait.ge [sflag:s13], $0x1200  }
0x7d: {  	[sflag:s13] =	ssyncset.done $0x0  }
0x7e: {  	s18 =	rddreg [dreg:$0x16];
	[sflag:s13] =	ssyncadd.s32 $0xFFFFEE00  }
0x7f: {  	[spmem:s18] =	stream.linear.scatter [tilespmem:s12], [sflag:$0x9], $0x1200, $0x38;
	[tilespmem:$0x1ECC0] =	vst v63  }
0x80: {  	_ =	swait.ge [sflag:s13], $0x1200  }
0x81: {  	[sflag:s13] =	ssyncset.done $0x0  }
0x82: {  	s8 =	rddreg [dreg:$0x17];
	[sflag:s13] =	ssyncadd.s32 $0xFFFFEE00  }
0x83: {  	[spmem:s8] =	stream.linear.scatter [tilespmem:s12], [sflag:$0x9], $0x1200, $0x38;
	[tilespmem:$0x1ECC0] =	vst v63  }
0x84: {  	_ =	swait.ge [sflag:s13], $0x1200  }
0x85: {  	[sflag:s13] =	ssyncset.done $0x0  }
0x86: {  	[sflag:s13] =	ssyncadd.s32 $0xFFFFEE00  }
0x87: {  	[bflag:$0x0] =	sbarrier.arrive $0xFFFF  }
0x88: {  	s11 =	simm.s32 $0x0;
	s8 =	simm.s32 $0x16800;
	s10 =	rddreg [dreg:$0x18]  }
0x89: {  	[tilespmem:s8], [sflag:$0x1] =	stream.linear.gather [hbm4b:s10+s11], $0x20, $0x38;
	[tilespmem:$0x1ECC0] =	vst v63  }
0x8a: {  	s14 =	rddreg [dreg:$0x19];
	s10 =	simm.s32 $0x16840  }
0x8b: {  	[tilespmem:s10], [sflag:$0x1] =	stream.linear.gather [hbm4b:s14+s11], $0x20, $0x38;
	[tilespmem:$0x1ECC0] =	vst v63  }
0x8c: {  	s18 =	rddreg [dreg:$0x1a]  }
0x8d: {  	[tilespmem:s16], [sflag:$0x2] =	stream.linear.gather [hbm4b:s18+s11], $0x20, $0x38;
	[tilespmem:$0x1ECC0] =	vst v63  }
0x8e: {  	s14 =	rddreg [dreg:$0x1b];
	s18 =	simm.s32 $0x1  }
0x8f: {  	[tilespmem:s17], [sflag:$0x2] =	stream.linear.gather [hbm4b:s14+s11], $0x20, $0x38;
	[tilespmem:$0x1ECC0] =	vst v63  }
0x90: {  	_ =	swait.ge [sflag:s18], $0x20  }
0x91: {  	[sflag:s18] =	ssyncset.done $0x0  }
0x92: {  	[sflag:s18] =	ssyncadd.s32 $0xFFFFFFE0  }
0x93: {  	_ =	swait.ge [sflag:s18], $0x20  }
0x94: {  	[sflag:s18] =	ssyncset.done $0x0  }
0x95: {  	s14 =	simm.s32 $0x168C0;
	[sflag:s18] =	ssyncadd.s32 $0xFFFFFFE0  }
0x96: {  	[tilespmem:s14], [sflag:$0x3] =	stream.indirect.gather [hbm4b:s5+s19], $0x100, s8, s19, $0xb8;
	[tilespmem:$0x1ECC0] =	vst v63  }
0x97: {  	s18 =	simm.s32 $0x1A8C0  }
0x98: {  	[tilespmem:s18], [sflag:$0x5] =	stream.indirect.gather [hbm4b:s1+s19], $0x80, s10, s19, $0xb8;
	[tilespmem:$0x1ECC0] =	vst v63  }
.LBB2_4:
0x99: {  	_ =	swait.ge [sflag:s20], $0x2000;
	p0 =	sne.s32 s11, $0x0  }
.Ltmp1:
0x9a: {  	[sflag:s20] =	ssyncset.done $0x0;
	(pc) =	sbr.rel @!p0 .LBB2_5-.Ltmp1, $4  }
0x9b: {  	[sflag:s20] =	ssyncadd.s32 $0xFFFFE000  }
0x9c: {  	_ =	swait.ge [sflag:s21], $0x1000  }
0x9d: {  	[sflag:s21] =	ssyncset.done $0x0  }
0x9e: {  	s2 =	sshll.u32 s11, $0x6;
	[sflag:s21] =	ssyncadd.s32 $0xFFFFF000  }
0x9f: {  	_ =	swait.ge [sflag:s31], $0x1200  }
0xa0: {  	[sflag:s31] =	ssyncset.done $0x0  }
0xa1: {  	[sflag:s31] =	ssyncadd.s32 $0xFFFFEE00  }
0xa2: {  	v10 =	vld [tilespmem:$0x16840]  }
0xa3: {  	p1 =	seq.s32 s11, $0x9D;
	v11 =	vld [tilespmem:$0x16850]  }
.Ltmp2:
0xa4: {  	_ = 	snop;
	(pc) =	sbr.rel @p1 .LBB2_8-.Ltmp2, $4  }
.Ltmp3:
0xa5: {  	_ = 	snop;
	(pc) =	sbr.rel @!p1 .LBB2_7-.Ltmp3, $4  }
0xa6: {  	_ = 	snop  }
0xa7: {  	[tilespmem:$0x16880] =	vst v10  }
0xa8: {  	p0 =	por $0x1, $0x1;
	[tilespmem:$0x16890] =	vst v11  }
0xa9: {  	_ = 	snop  }
.LBB2_5:
0xaa: {  	v10 =	vld [tilespmem:$0x16840]  }
0xab: {  	v11 =	vld [tilespmem:$0x16850];
	_ =	sdelay $0x3  }
0xac: {  	[tilespmem:$0x16880] =	vst v10  }
0xad: {  	[tilespmem:$0x16890] =	vst v11  }
.LBB2_7:
0xae: {  	s8 =	sadd.s32 s2, s0  }
0xaf: {  	s8 =	sshrl.u32 s8, $0x3  }
0xb0: {  	s14 =	simm.s32 $0x16800;
	s10 =	sadd.s32 s6, s8  }
0xb1: {  	[tilespmem:s14], [sflag:$0x1] =	stream.linear.gather [hbm4b:s10+s4], $0x20, $0x38;
	[tilespmem:$0x1ECC0] =	vst v63  }
0xb2: {  	p0 =	por $0x0, $0x0;
	s8 =	sadd.s32 s7, s8  }
0xb3: {  	[tilespmem:s15], [sflag:$0x1] =	stream.linear.gather [hbm4b:s8+s4], $0x20, $0x38;
	[tilespmem:$0x1ECC0] =	vst v63  }
.LBB2_8:
0xb4: {  	_ =	swait.ge [sflag:s22], $0x20  }
0xb5: {  	[sflag:s22] =	ssyncset.done $0x0  }
0xb6: {  	[sflag:s22] =	ssyncadd.s32 $0xFFFFFFE0  }
0xb7: {  	_ =	swait.ge [sflag:s22], $0x20  }
0xb8: {  	[sflag:s22] =	ssyncset.done $0x0  }
0xb9: {  	[sflag:s22] =	ssyncadd.s32 $0xFFFFFFE0  }
0xba: {  	[tilespmem:s23], [sflag:$0x4] =	stream.indirect.gather [hbm4b:s5+s19], $0x100, s16, s19, $0xb8;
	[tilespmem:$0x1ECC0] =	vst v63  }
0xbb: {  	s8 =	simm.s32 $0x0;
	s18 =	simm.s32 $0x169C0;
	s10 =	simm.s32 $0x1C950  }
0xbc: {  	[tilespmem:s24], [sflag:$0x6] =	stream.indirect.gather [hbm4b:s1+s19], $0x80, s17, s19, $0xb8;
	[tilespmem:$0x1ECC0] =	vst v63  }
.LBB2_9:
0xbd: {  	v10 =	vld [tilespmem:s18+$0xFFFFFF00]  }
0xbe: {  	v12 =	vld [tilespmem:s18+$0x0]  }
0xbf: {  	v14 =	vld [tilespmem:s18+$0xFFFFFF10]  }
0xc0: {  	v16 =	vld [tilespmem:s18+$0x10]  }
0xc1: {  	v18 =	vld [tilespmem:s18+$0xFFFFFF20]  }
0xc2: {  	v20 =	vld [tilespmem:s18+$0x20]  }
0xc3: {  	v22 =	vld [tilespmem:s18+$0xFFFFFF30]  }
0xc4: {  	v24 =	vld [tilespmem:s18+$0x30]  }
0xc5: {  	v26 =	vld [tilespmem:s18+$0xFFFFFF40]  }
0xc6: {  	v28 =	vld [tilespmem:s18+$0x40]  }
0xc7: {  	v30 =	vld [tilespmem:s18+$0xFFFFFF50]  }
0xc8: {  	v51 =	vld [tilespmem:s18+$0x50]  }
0xc9: {  	v54 =	vld [tilespmem:s18+$0xFFFFFF60]  }
0xca: {  	v57 =	vld [tilespmem:s18+$0x60]  }
0xcb: {  	v60 =	vld [tilespmem:s18+$0xFFFFFF70]  }
0xcc: {  	s14 =	sshra.s32 s8, $0x2;
	v63 =	vld [tilespmem:s18+$0x70]  }
0xcd: {  	v11 =	vld [tilespmem:s14+$0x1A8C0]  }
0xce: {  	v13 =	vld [tilespmem:s14+$0x1A940]  }
0xcf: {  	v15 =	vld [tilespmem:s14+$0x1A8D0]  }
0xd0: {  	v17 =	vld [tilespmem:s14+$0x1A950]  }
0xd1: {  	v19 =	vld [tilespmem:s14+$0x1A8E0]  }
0xd2: {  	v21 =	vld [tilespmem:s14+$0x1A960];
	v10 =	vmul.f32 v11, v10  }
0xd3: {  	v23 =	vld [tilespmem:s14+$0x1A8F0];
	v12 =	vmul.f32 v13, v12  }
0xd4: {  	v25 =	vld [tilespmem:s14+$0x1A970];
	(xrf2) =	vadd.scan.msk.f32 $0xffff, v10;
	v10 =	vmul.f32 v15, v14  }
0xd5: {  	v27 =	vld [tilespmem:s14+$0x1A900];
	v53 =	vmul.f32 v17, v16;
	(xrf2) =	vadd.scan.msk.f32 $0xffff, v12  }
0xd6: {  	v29 =	vld [tilespmem:s14+$0x1A980];
	(xrf2) =	vadd.scan.msk.f32 $0xffff, v10;
	v10 =	vmul.f32 v19, v18  }
0xd7: {  	v11 =	vld [tilespmem:s14+$0x1A910];
	v56 =	vmul.f32 v21, v20;
	(xrf2) =	vadd.scan.msk.f32 $0xffff, v53  }
0xd8: {  	v52 =	vld [tilespmem:s14+$0x1A990];
	(xrf2) =	vadd.scan.msk.f32 $0xffff, v10;
	v10 =	vmul.f32 v23, v22  }
0xd9: {  	v55 =	vld [tilespmem:s14+$0x1A920];
	v59 =	vmul.f32 v25, v24;
	(xrf2) =	vadd.scan.msk.f32 $0xffff, v56  }
0xda: {  	v58 =	vld [tilespmem:s14+$0x1A9A0];
	(xrf2) =	vadd.scan.msk.f32 $0xffff, v10;
	v10 =	vmul.f32 v27, v26  }
0xdb: {  	v61 =	vld [tilespmem:s14+$0x1A930];
	v62 =	vmul.f32 v29, v28;
	(xrf2) =	vadd.scan.msk.f32 $0xffff, v59  }
0xdc: {  	(xrf2) =	vadd.scan.msk.f32 $0xffff, v10;
	v10 =	vmul.f32 v11, v30;
	v11 =	vld [tilespmem:s14+$0x1A9B0]  }
0xdd: {  	v23 =	vmul.f32 v52, v51;
	(xrf2) =	vadd.scan.msk.f32 $0xffff, v62  }
0xde: {  	v24, _, _ =	vpop (xrf2);
	(xrf2) =	vadd.scan.msk.f32 $0xffff, v10;
	v10 =	vmul.f32 v55, v54  }
0xdf: {  	v25, _, _ =	vpop (xrf2);
	(xrf2) =	vadd.scan.msk.f32 $0xffff, v23  }
0xe0: {  	v26 =	vmul.f32 v58, v57;
	v27, _, _ =	vpop (xrf2);
	(xrf2) =	vadd.scan.msk.f32 $0xffff, v10;
	v10 =	vmul.f32 v61, v60  }
0xe1: {  	v11 =	vmul.f32 v11, v63  }
0xe2: {  	v28, _, _ =	vpop (xrf2);
	(xrf2) =	vadd.scan.msk.f32 $0xffff, v26  }
0xe3: {  	v29, _, _ =	vpop (xrf2);
	(xrf2) =	vadd.scan.msk.f32 $0xffff, v10  }
0xe4: {  	v10, _, _ =	vpop (xrf2);
	(xrf2) =	vadd.scan.msk.f32 $0xffff, v11  }
0xe5: {  	v13 =	vperm.xlane v24, v1;
	v11, _, _ =	vpop (xrf2)  }
0xe6: {  	v14 =	vperm.xlane v25, v1;
	v15 =	vperm.xlane v27, v1;
	v30, _, _ =	vpop (xrf2)  }
0xe7: {  	v13 =	vnsel vm0, $0x0, v13;
	v16 =	vperm.xlane v28, v1;
	v31, _, _ =	vpop (xrf2)  }
0xe8: {  	v14 =	vnsel vm0, $0x0, v14;
	v13 =	vsel vm1, v13, v15;
	v12 =	vperm.xlane v29, v1;
	v32, _, _ =	vpop (xrf2)  }
0xe9: {  	v14 =	vsel vm1, v14, v16;
	v10 =	vperm.xlane v10, v1;
	v11 =	vperm.xlane v11, v1;
	v33, _, _ =	vpop (xrf2)  }
0xea: {  	v12 =	vsel vm2, v13, v12;
	v35 =	vperm.xlane v30, v1;
	v36 =	vperm.xlane v31, v1;
	v34, _, _ =	vpop (xrf2)  }
0xeb: {  	v10 =	vsel vm2, v14, v10;
	v11 =	vsel vm3, v12, v11;
	v38 =	vperm.xlane v32, v1;
	v37, _, _ =	vpop (xrf2)  }
0xec: {  	v10 =	vsel vm3, v10, v35;
	v11 =	vsel vm4, v11, v36;
	v40 =	vperm.xlane v33, v1;
	v39, _, _ =	vpop (xrf2)  }
0xed: {  	v10 =	vsel vm4, v10, v38;
	v42 =	vperm.xlane v34, v1;
	v43 =	vperm.xlane v37, v1;
	v41, _, _ =	vpop (xrf2)  }
0xee: {  	v11 =	vsel vm5, v11, v40;
	v44 =	vperm.xlane v39, v1;
	v45 =	vperm.xlane v41, v1;
	v46, _, _ =	vpop (xrf2)  }
0xef: {  	v10 =	vsel vm5, v10, v42;
	v11 =	vsel vm6, v11, v43;
	v47 =	vperm.xlane v46, v1  }
0xf0: {  	v10 =	vsel vm6, v10, v44;
	v11 =	vsel vm7, v11, v45  }
0xf1: {  	v10 =	vsel vm7, v10, v47;
	v11 =	vmax.f32 v11, $-1.000000000e+01  }
0xf2: {  	v11 =	vmin.f32 v11, $1.000000000e+01;
	v10 =	vmax.f32 v10, $-1.000000000e+01  }
0xf3: {  	v11 =	vmul.f32 $1.442695020e+00, v11;
	v10 =	vmin.f32 v10, $1.000000000e+01  }
0xf4: {  	v10 =	vmul.f32 $1.442695020e+00, v10  }
0xf5: {  	(erf) = vpow2.f32 v11  }
0xf6: {  	(erf) = vpow2.f32 v10;
	_ =	sdelay $0x7  }
0xf7: {  	v10 =	vpop (erf)  }
0xf8: {  	v11 =	vpop (erf);
	[tilespmem:s10+$0xFFFFFFF0] =	vst v10  }
0xf9: {  	[tilespmem:s10+$0x80] =	vst v11  }
0xfa: {  	v48 =	vld [tilespmem:s18+$0xFFFFFF80]  }
0xfb: {  	v49 =	vld [tilespmem:s18+$0x80];
	_ =	sdelay $0x1  }
0xfc: {  	v50 =	vperm.xlane v10, v2  }
0xfd: {  	v51 =	vperm.xlane v11, v2  }
0xfe: {  	v12 =	vmul.f32 v50, v48  }
0xff: {  	v13 =	vmul.f32 v51, v49  }
0x100: {  	[tilespmem:s10+$0xFFFFFF70] =	vst v12  }
0x101: {  	[tilespmem:s10+$0x0] =	vst v13  }
0x102: {  	v12 =	vld [tilespmem:s18+$0xFFFFFF90]  }
0x103: {  	v13 =	vld [tilespmem:s18+$0x90];
	_ =	sdelay $0x1  }
0x104: {  	v52 =	vperm.xlane v10, v3  }
0x105: {  	v53 =	vperm.xlane v11, v3  }
0x106: {  	v12 =	vmul.f32 v52, v12  }
0x107: {  	v13 =	vmul.f32 v53, v13  }
0x108: {  	[tilespmem:s10+$0xFFFFFF80] =	vst v12  }
0x109: {  	[tilespmem:s10+$0x10] =	vst v13  }
0x10a: {  	v12 =	vld [tilespmem:s18+$0xFFFFFFA0]  }
0x10b: {  	v13 =	vld [tilespmem:s18+$0xA0];
	_ =	sdelay $0x1  }
0x10c: {  	v54 =	vperm.xlane v10, v4  }
0x10d: {  	v55 =	vperm.xlane v11, v4  }
0x10e: {  	v12 =	vmul.f32 v54, v12  }
0x10f: {  	v13 =	vmul.f32 v55, v13  }
0x110: {  	[tilespmem:s10+$0xFFFFFF90] =	vst v12  }
0x111: {  	[tilespmem:s10+$0x20] =	vst v13  }
0x112: {  	v12 =	vld [tilespmem:s18+$0xFFFFFFB0]  }
0x113: {  	v13 =	vld [tilespmem:s18+$0xB0];
	_ =	sdelay $0x1  }
0x114: {  	v56 =	vperm.xlane v10, v5  }
0x115: {  	v57 =	vperm.xlane v11, v5  }
0x116: {  	v12 =	vmul.f32 v56, v12  }
0x117: {  	v13 =	vmul.f32 v57, v13  }
0x118: {  	[tilespmem:s10+$0xFFFFFFA0] =	vst v12  }
0x119: {  	[tilespmem:s10+$0x30] =	vst v13  }
0x11a: {  	v12 =	vld [tilespmem:s18+$0xFFFFFFC0]  }
0x11b: {  	v13 =	vld [tilespmem:s18+$0xC0];
	_ =	sdelay $0x1  }
0x11c: {  	v58 =	vperm.xlane v10, v6  }
0x11d: {  	v59 =	vperm.xlane v11, v6  }
0x11e: {  	v12 =	vmul.f32 v58, v12  }
0x11f: {  	v13 =	vmul.f32 v59, v13  }
0x120: {  	[tilespmem:s10+$0xFFFFFFB0] =	vst v12  }
0x121: {  	[tilespmem:s10+$0x40] =	vst v13  }
0x122: {  	v12 =	vld [tilespmem:s18+$0xFFFFFFD0]  }
0x123: {  	v13 =	vld [tilespmem:s18+$0xD0];
	_ =	sdelay $0x1  }
0x124: {  	v60 =	vperm.xlane v10, v7  }
0x125: {  	v61 =	vperm.xlane v11, v7  }
0x126: {  	v12 =	vmul.f32 v60, v12  }
0x127: {  	v13 =	vmul.f32 v61, v13  }
0x128: {  	[tilespmem:s10+$0xFFFFFFC0] =	vst v12  }
0x129: {  	[tilespmem:s10+$0x50] =	vst v13  }
0x12a: {  	v12 =	vld [tilespmem:s18+$0xFFFFFFE0]  }
0x12b: {  	v13 =	vld [tilespmem:s18+$0xE0];
	_ =	sdelay $0x1  }
0x12c: {  	v62 =	vperm.xlane v10, v8  }
0x12d: {  	v63 =	vperm.xlane v11, v8  }
0x12e: {  	v12 =	vmul.f32 v62, v12  }
0x12f: {  	v13 =	vmul.f32 v63, v13  }
0x130: {  	[tilespmem:s10+$0xFFFFFFD0] =	vst v12  }
0x131: {  	[tilespmem:s10+$0x60] =	vst v13  }
0x132: {  	v12 =	vld [tilespmem:s18+$0xFFFFFFF0]  }
0x133: {  	v13 =	vld [tilespmem:s18+$0xF0];
	_ =	sdelay $0x1  }
0x134: {  	p1 =	sne.s32 s8, $0x3C00;
	v10 =	vperm.xlane v10, v9  }
.Ltmp4:
0x135: {  	v11 =	vperm.xlane v11, v9;
	(pc) =	sbr.rel @p1 .LBB2_9-.Ltmp4, $4  }
0x136: {  	v10 =	vmul.f32 v10, v12  }
0x137: {  	v11 =	vmul.f32 v11, v13  }
0x138: {  	[tilespmem:s10+$0xFFFFFFE0] =	vst v10  }
0x139: {  	s8 =	sadd.s32 $0x400, s8;
	s18 =	sadd.s32 $0x200, s18;
	[tilespmem:s10+$0x70] =	vst v11;
	s10 =	sadd.s32 $0x120, s10  }
0x13a: {  	[spmem:s3] =	stream.indirect.scatter.add.f32 [tilespmem:s12], [sflag:$0x7], $0x90, s25, s19, $0xb8;
	[tilespmem:$0x1ECC0] =	vst v63  }
0x13b: {  	_ =	swait.ge [sflag:s26], $0x2000  }
0x13c: {  	[sflag:s26] =	ssyncset.done $0x0  }
0x13d: {  	[sflag:s26] =	ssyncadd.s32 $0xFFFFE000  }
0x13e: {  	_ =	swait.ge [sflag:s28], $0x1000  }
0x13f: {  	p1 =	seq.s32 s11, $0x0;
	[sflag:s28] =	ssyncset.done $0x0  }
0x140: {  	s8 =	simm.s32 @!p1 $0x8;
	[sflag:s28] =	ssyncadd.s32 $0xFFFFF000  }
0x141: {  	_ =	swait.ge @!p1 [sflag:s8], $0x1200  }
0x142: {  	[sflag:s8] =	ssyncset.done @!p1 $0x0  }
0x143: {  	[sflag:s8] =	ssyncadd.s32 @!p1 $0xFFFFEE00  }
0x144: {  	v10 =	vld [tilespmem:$0x16860]  }
0x145: {  	v11 =	vld [tilespmem:$0x16870];
	_ =	sdelay $0x2  }
0x146: {  	s2 =	sadd.s32 @!p0 s2, s9  }
0x147: {  	s2 =	sshrl.u32 @!p0 s2, $0x3;
	[tilespmem:$0x168A0] =	vst v10  }
0x148: {  	s10 =	simm.s32 @!p0 $0x0;
	s14 =	simm.s32 @!p0 $0x16820;
	s8 =	sadd.s32 @!p0 s6, s2;
	[tilespmem:$0x168B0] =	vst v11  }
0x149: {  	[tilespmem:s14], [sflag:$0x2] =	stream.linear.gather @!p0 [hbm4b:s8+s10], $0x20, $0x38;
	[tilespmem:$0x1ECC0] =	vst v63  }
0x14a: {  	s2 =	sadd.s32 @!p0 s7, s2;
	s8 =	simm.s32 @!p0 $0x16860  }
0x14b: {  	[tilespmem:s8], [sflag:$0x2] =	stream.linear.gather @!p0 [hbm4b:s2+s10], $0x20, $0x38;
	[tilespmem:$0x1ECC0] =	vst v63  }
0x14c: {  	s2 =	simm.s32 @!p0 $0x1  }
0x14d: {  	_ =	swait.ge @!p0 [sflag:s2], $0x20  }
0x14e: {  	[sflag:s2] =	ssyncset.done @!p0 $0x0  }
0x14f: {  	[sflag:s2] =	ssyncadd.s32 @!p0 $0xFFFFFFE0  }
0x150: {  	_ =	swait.ge @!p0 [sflag:s2], $0x20  }
0x151: {  	s8 =	simm.s32 @!p0 $0x16800;
	[sflag:s2] =	ssyncset.done @!p0 $0x0  }
0x152: {  	s10 =	simm.s32 @!p0 $0x168C0;
	[sflag:s2] =	ssyncadd.s32 @!p0 $0xFFFFFFE0;
	s2 =	simm.s32 @!p0 $0x20  }
0x153: {  	[tilespmem:s10], [sflag:$0x3] =	stream.indirect.gather @!p0 [hbm4b:s5+s2], $0x100, s8, s2, $0xb8;
	[tilespmem:$0x1ECC0] =	vst v63  }
0x154: {  	s8 =	simm.s32 @!p0 $0x16840;
	s10 =	simm.s32 @!p0 $0x1A8C0  }
0x155: {  	[tilespmem:s10], [sflag:$0x5] =	stream.indirect.gather @!p0 [hbm4b:s1+s2], $0x80, s8, s2, $0xb8;
	[tilespmem:$0x1ECC0] =	vst v63  }
0x156: {  	s2 =	simm.s32 $0x0;
	s8 =	simm.s32 $0x189C0;
	s10 =	simm.s32 $0x1DB50  }
.LBB2_11:
0x157: {  	v10 =	vld [tilespmem:s8+$0xFFFFFF00]  }
0x158: {  	v12 =	vld [tilespmem:s8+$0x0]  }
0x159: {  	v14 =	vld [tilespmem:s8+$0xFFFFFF10]  }
0x15a: {  	v16 =	vld [tilespmem:s8+$0x10]  }
0x15b: {  	v18 =	vld [tilespmem:s8+$0xFFFFFF20]  }
0x15c: {  	v20 =	vld [tilespmem:s8+$0x20]  }
0x15d: {  	v22 =	vld [tilespmem:s8+$0xFFFFFF30]  }
0x15e: {  	v24 =	vld [tilespmem:s8+$0x30]  }
0x15f: {  	v26 =	vld [tilespmem:s8+$0xFFFFFF40]  }
0x160: {  	v28 =	vld [tilespmem:s8+$0x40]  }
0x161: {  	v30 =	vld [tilespmem:s8+$0xFFFFFF50]  }
0x162: {  	v51 =	vld [tilespmem:s8+$0x50]  }
0x163: {  	v54 =	vld [tilespmem:s8+$0xFFFFFF60]  }
0x164: {  	v57 =	vld [tilespmem:s8+$0x60]  }
0x165: {  	v60 =	vld [tilespmem:s8+$0xFFFFFF70]  }
0x166: {  	s14 =	sshra.s32 s2, $0x2;
	v63 =	vld [tilespmem:s8+$0x70]  }
0x167: {  	v11 =	vld [tilespmem:s14+$0x1B8C0]  }
0x168: {  	v13 =	vld [tilespmem:s14+$0x1B940]  }
0x169: {  	v15 =	vld [tilespmem:s14+$0x1B8D0]  }
0x16a: {  	v17 =	vld [tilespmem:s14+$0x1B950]  }
0x16b: {  	v19 =	vld [tilespmem:s14+$0x1B8E0]  }
0x16c: {  	v21 =	vld [tilespmem:s14+$0x1B960];
	v10 =	vmul.f32 v11, v10  }
0x16d: {  	v23 =	vld [tilespmem:s14+$0x1B8F0];
	v12 =	vmul.f32 v13, v12  }
0x16e: {  	v25 =	vld [tilespmem:s14+$0x1B970];
	(xrf2) =	vadd.scan.msk.f32 $0xffff, v10;
	v10 =	vmul.f32 v15, v14  }
0x16f: {  	v27 =	vld [tilespmem:s14+$0x1B900];
	v53 =	vmul.f32 v17, v16;
	(xrf2) =	vadd.scan.msk.f32 $0xffff, v12  }
0x170: {  	v29 =	vld [tilespmem:s14+$0x1B980];
	(xrf2) =	vadd.scan.msk.f32 $0xffff, v10;
	v10 =	vmul.f32 v19, v18  }
0x171: {  	v11 =	vld [tilespmem:s14+$0x1B910];
	v56 =	vmul.f32 v21, v20;
	(xrf2) =	vadd.scan.msk.f32 $0xffff, v53  }
0x172: {  	v52 =	vld [tilespmem:s14+$0x1B990];
	(xrf2) =	vadd.scan.msk.f32 $0xffff, v10;
	v10 =	vmul.f32 v23, v22  }
0x173: {  	v55 =	vld [tilespmem:s14+$0x1B920];
	v59 =	vmul.f32 v25, v24;
	(xrf2) =	vadd.scan.msk.f32 $0xffff, v56  }
0x174: {  	v58 =	vld [tilespmem:s14+$0x1B9A0];
	(xrf2) =	vadd.scan.msk.f32 $0xffff, v10;
	v10 =	vmul.f32 v27, v26  }
0x175: {  	v61 =	vld [tilespmem:s14+$0x1B930];
	v62 =	vmul.f32 v29, v28;
	(xrf2) =	vadd.scan.msk.f32 $0xffff, v59  }
0x176: {  	(xrf2) =	vadd.scan.msk.f32 $0xffff, v10;
	v10 =	vmul.f32 v11, v30;
	v11 =	vld [tilespmem:s14+$0x1B9B0]  }
0x177: {  	v23 =	vmul.f32 v52, v51;
	(xrf2) =	vadd.scan.msk.f32 $0xffff, v62  }
0x178: {  	v24, _, _ =	vpop (xrf2);
	(xrf2) =	vadd.scan.msk.f32 $0xffff, v10;
	v10 =	vmul.f32 v55, v54  }
0x179: {  	v25, _, _ =	vpop (xrf2);
	(xrf2) =	vadd.scan.msk.f32 $0xffff, v23  }
0x17a: {  	v26 =	vmul.f32 v58, v57;
	v27, _, _ =	vpop (xrf2);
	(xrf2) =	vadd.scan.msk.f32 $0xffff, v10;
	v10 =	vmul.f32 v61, v60  }
0x17b: {  	v11 =	vmul.f32 v11, v63  }
0x17c: {  	v28, _, _ =	vpop (xrf2);
	(xrf2) =	vadd.scan.msk.f32 $0xffff, v26  }
0x17d: {  	v29, _, _ =	vpop (xrf2);
	(xrf2) =	vadd.scan.msk.f32 $0xffff, v10  }
0x17e: {  	v10, _, _ =	vpop (xrf2);
	(xrf2) =	vadd.scan.msk.f32 $0xffff, v11  }
0x17f: {  	v13 =	vperm.xlane v24, v1;
	v11, _, _ =	vpop (xrf2)  }
0x180: {  	v14 =	vperm.xlane v25, v1;
	v15 =	vperm.xlane v27, v1;
	v30, _, _ =	vpop (xrf2)  }
0x181: {  	v13 =	vnsel vm0, $0x0, v13;
	v16 =	vperm.xlane v28, v1;
	v31, _, _ =	vpop (xrf2)  }
0x182: {  	v14 =	vnsel vm0, $0x0, v14;
	v13 =	vsel vm1, v13, v15;
	v12 =	vperm.xlane v29, v1;
	v32, _, _ =	vpop (xrf2)  }
0x183: {  	v14 =	vsel vm1, v14, v16;
	v10 =	vperm.xlane v10, v1;
	v11 =	vperm.xlane v11, v1;
	v33, _, _ =	vpop (xrf2)  }
0x184: {  	v12 =	vsel vm2, v13, v12;
	v35 =	vperm.xlane v30, v1;
	v36 =	vperm.xlane v31, v1;
	v34, _, _ =	vpop (xrf2)  }
0x185: {  	v10 =	vsel vm2, v14, v10;
	v11 =	vsel vm3, v12, v11;
	v38 =	vperm.xlane v32, v1;
	v37, _, _ =	vpop (xrf2)  }
0x186: {  	v10 =	vsel vm3, v10, v35;
	v11 =	vsel vm4, v11, v36;
	v40 =	vperm.xlane v33, v1;
	v39, _, _ =	vpop (xrf2)  }
0x187: {  	v10 =	vsel vm4, v10, v38;
	v42 =	vperm.xlane v34, v1;
	v43 =	vperm.xlane v37, v1;
	v41, _, _ =	vpop (xrf2)  }
0x188: {  	v11 =	vsel vm5, v11, v40;
	v44 =	vperm.xlane v39, v1;
	v45 =	vperm.xlane v41, v1;
	v46, _, _ =	vpop (xrf2)  }
0x189: {  	v10 =	vsel vm5, v10, v42;
	v11 =	vsel vm6, v11, v43;
	v47 =	vperm.xlane v46, v1  }
0x18a: {  	v10 =	vsel vm6, v10, v44;
	v11 =	vsel vm7, v11, v45  }
0x18b: {  	v10 =	vsel vm7, v10, v47;
	v11 =	vmax.f32 v11, $-1.000000000e+01  }
0x18c: {  	v11 =	vmin.f32 v11, $1.000000000e+01;
	v10 =	vmax.f32 v10, $-1.000000000e+01  }
0x18d: {  	v11 =	vmul.f32 $1.442695020e+00, v11;
	v10 =	vmin.f32 v10, $1.000000000e+01  }
0x18e: {  	v10 =	vmul.f32 $1.442695020e+00, v10  }
0x18f: {  	(erf) = vpow2.f32 v11  }
0x190: {  	(erf) = vpow2.f32 v10;
	_ =	sdelay $0x7  }
0x191: {  	v10 =	vpop (erf)  }
0x192: {  	v11 =	vpop (erf);
	[tilespmem:s10+$0xFFFFFFF0] =	vst v10  }
0x193: {  	[tilespmem:s10+$0x80] =	vst v11  }
0x194: {  	v48 =	vld [tilespmem:s8+$0xFFFFFF80]  }
0x195: {  	v49 =	vld [tilespmem:s8+$0x80];
	_ =	sdelay $0x1  }
0x196: {  	v50 =	vperm.xlane v10, v2  }
0x197: {  	v51 =	vperm.xlane v11, v2  }
0x198: {  	v12 =	vmul.f32 v50, v48  }
0x199: {  	v13 =	vmul.f32 v51, v49  }
0x19a: {  	[tilespmem:s10+$0xFFFFFF70] =	vst v12  }
0x19b: {  	[tilespmem:s10+$0x0] =	vst v13  }
0x19c: {  	v12 =	vld [tilespmem:s8+$0xFFFFFF90]  }
0x19d: {  	v13 =	vld [tilespmem:s8+$0x90];
	_ =	sdelay $0x1  }
0x19e: {  	v52 =	vperm.xlane v10, v3  }
0x19f: {  	v53 =	vperm.xlane v11, v3  }
0x1a0: {  	v12 =	vmul.f32 v52, v12  }
0x1a1: {  	v13 =	vmul.f32 v53, v13  }
0x1a2: {  	[tilespmem:s10+$0xFFFFFF80] =	vst v12  }
0x1a3: {  	[tilespmem:s10+$0x10] =	vst v13  }
0x1a4: {  	v12 =	vld [tilespmem:s8+$0xFFFFFFA0]  }
0x1a5: {  	v13 =	vld [tilespmem:s8+$0xA0];
	_ =	sdelay $0x1  }
0x1a6: {  	v54 =	vperm.xlane v10, v4  }
0x1a7: {  	v55 =	vperm.xlane v11, v4  }
0x1a8: {  	v12 =	vmul.f32 v54, v12  }
0x1a9: {  	v13 =	vmul.f32 v55, v13  }
0x1aa: {  	[tilespmem:s10+$0xFFFFFF90] =	vst v12  }
0x1ab: {  	[tilespmem:s10+$0x20] =	vst v13  }
0x1ac: {  	v12 =	vld [tilespmem:s8+$0xFFFFFFB0]  }
0x1ad: {  	v13 =	vld [tilespmem:s8+$0xB0];
	_ =	sdelay $0x1  }
0x1ae: {  	v56 =	vperm.xlane v10, v5  }
0x1af: {  	v57 =	vperm.xlane v11, v5  }
0x1b0: {  	v12 =	vmul.f32 v56, v12  }
0x1b1: {  	v13 =	vmul.f32 v57, v13  }
0x1b2: {  	[tilespmem:s10+$0xFFFFFFA0] =	vst v12  }
0x1b3: {  	[tilespmem:s10+$0x30] =	vst v13  }
0x1b4: {  	v12 =	vld [tilespmem:s8+$0xFFFFFFC0]  }
0x1b5: {  	v13 =	vld [tilespmem:s8+$0xC0];
	_ =	sdelay $0x1  }
0x1b6: {  	v58 =	vperm.xlane v10, v6  }
0x1b7: {  	v59 =	vperm.xlane v11, v6  }
0x1b8: {  	v12 =	vmul.f32 v58, v12  }
0x1b9: {  	v13 =	vmul.f32 v59, v13  }
0x1ba: {  	[tilespmem:s10+$0xFFFFFFB0] =	vst v12  }
0x1bb: {  	[tilespmem:s10+$0x40] =	vst v13  }
0x1bc: {  	v12 =	vld [tilespmem:s8+$0xFFFFFFD0]  }
0x1bd: {  	v13 =	vld [tilespmem:s8+$0xD0];
	_ =	sdelay $0x1  }
0x1be: {  	v60 =	vperm.xlane v10, v7  }
0x1bf: {  	v61 =	vperm.xlane v11, v7  }
0x1c0: {  	v12 =	vmul.f32 v60, v12  }
0x1c1: {  	v13 =	vmul.f32 v61, v13  }
0x1c2: {  	[tilespmem:s10+$0xFFFFFFC0] =	vst v12  }
0x1c3: {  	[tilespmem:s10+$0x50] =	vst v13  }
0x1c4: {  	v12 =	vld [tilespmem:s8+$0xFFFFFFE0]  }
0x1c5: {  	v13 =	vld [tilespmem:s8+$0xE0];
	_ =	sdelay $0x1  }
0x1c6: {  	v62 =	vperm.xlane v10, v8  }
0x1c7: {  	v63 =	vperm.xlane v11, v8  }
0x1c8: {  	v12 =	vmul.f32 v62, v12  }
0x1c9: {  	v13 =	vmul.f32 v63, v13  }
0x1ca: {  	[tilespmem:s10+$0xFFFFFFD0] =	vst v12  }
0x1cb: {  	[tilespmem:s10+$0x60] =	vst v13  }
0x1cc: {  	v12 =	vld [tilespmem:s8+$0xFFFFFFF0]  }
0x1cd: {  	v13 =	vld [tilespmem:s8+$0xF0];
	_ =	sdelay $0x1  }
0x1ce: {  	p0 =	sne.s32 s2, $0x3C00;
	v10 =	vperm.xlane v10, v9  }
.Ltmp5:
0x1cf: {  	v11 =	vperm.xlane v11, v9;
	(pc) =	sbr.rel @p0 .LBB2_11-.Ltmp5, $4  }
0x1d0: {  	v10 =	vmul.f32 v10, v12  }
0x1d1: {  	v11 =	vmul.f32 v11, v13  }
0x1d2: {  	[tilespmem:s10+$0xFFFFFFE0] =	vst v10  }
0x1d3: {  	s2 =	sadd.s32 $0x400, s2;
	s8 =	sadd.s32 $0x200, s8;
	[tilespmem:s10+$0x70] =	vst v11;
	s10 =	sadd.s32 $0x120, s10  }
0x1d4: {  	s11 =	sadd.s32 $0x1, s11  }
0x1d5: {  	p0 =	sne.s32 s11, $0x9E  }
.Ltmp6:
0x1d6: {  	_ = 	snop;
	(pc) =	sbr.rel @p0 .LBB2_4-.Ltmp6, $2  }
0x1d7: {  	_ =	sdelay $0x2  }
0x1d8: {  	[spmem:s3] =	stream.indirect.scatter.add.f32 [tilespmem:s30], [sflag:$0x8], $0x90, s29, s19, $0xb8;
	[tilespmem:$0x1ECC0] =	vst v63  }
0x1d9: {  	_ =	swait.ge [sflag:s31], $0x1200  }
0x1da: {  	[sflag:s31] =	ssyncset.done $0x0  }
0x1db: {  	s2 =	simm.s32 $0x8;
	[sflag:s31] =	ssyncadd.s32 $0xFFFFEE00  }
0x1dc: {  	_ =	swait.ge [sflag:s2], $0x1200  }
0x1dd: {  	[sflag:s2] =	ssyncset.done $0x0  }
0x1de: {  	[sflag:s2] =	ssyncadd.s32 $0xFFFFEE00  }
0x1df: {  	s11 =	stileid.u32;
	[bflag:$0x0] =	sbarrier.arrive $0xFFFF  }
0x1e0: {  	s2 =	sshll.u32 s11, $0x6;
	s10 =	rddreg [dreg:$0x4]  }
0x1e1: {  	s2 =	sor.u32 $0x1C09, s2;
	s11 =	rddreg [dreg:$0x1c];
	s8 =	sshrl.u32 s10, $0x3  }
0x1e2: {  	[hbm:s11], [sflag:s2] =	dma.local [spmem:s8], $0x2D00  }
0x1e3: {  	_ =	swait.ge [sflag:s13], $0x2D00  }
0x1e4: {  	s14 =	rddreg [dreg:$0x1e]  }
0x1e5: {  	s18 =	rddreg [dreg:$0x1d];
	s8 =	sadd.s32 $0x1, s14  }
0x1e6: {  	p0 =	sne.s32 s8, s18  }
.Ltmp7:
0x1e7: {  	_ = 	snop;
	(pc) =	sbr.rel @p0 .LBB2_1-.Ltmp7, $3  }
0x1e8: {  	_ =	sdelay $0x1  }
0x1e9: {  	[sflag:s13] =	ssyncset.done $0x0  }
0x1ea: {  	[sflag:s13] =	ssyncadd.s32 $0xFFFFD300  }
0x1eb: {  	_ =	sfence.sel $0x180000  }
0x1ec: {  	[bflag:$0x0] =	sbarrier.arrive $0xFFFF  }
0x1ed: {  	_ =	strace $0x90000047  }
0x1ee: {  	s0 =	stileid.u32;
	[bflag:$0x2] =	sbarrier.arrive $0xFFFF  }
0x1ef: {  	p0 =	sne.s32 s0, $0x0;
	s0 =	rddreg [dreg:$0x3]  }
0x1f0: {  	s0 =	sadd.s32 @!p0 $0x100000, s0  }
0x1f1: {  	[sflag:s0] =	ssyncadd.tile.s32 @!p0 $0x1;
	_ =	shalt  }
.Lfunc_end2:
_tile_overlayer_lowered:
.L_overlay_start_2:
0x1f2: {  	(tag) =	ssettag $0x2  }
0x1f3: {  	s0 =	rddreg [dreg:$0x0];
	s2 =	stileid.u32  }
0x1f4: {  	s1 =	rddreg [dreg:$0x1];
	p0 =	sne.s32 s2, $0x0  }
0x1f5: {  	s3 =	rddreg [dreg:$0x2];
	[bflag:$0x3] =	sbarrier.arrive $0xFFFF;
	s2 =	simm.s32 @!p0 $0x1C09  }
0x1f6: {  	[timem:s3], [sflag:s2] =	dma.local @!p0 [hbm:s0], s1  }
0x1f7: {  	s0 =	simm.s32 @!p0 $0x9  }
0x1f8: {  	_ =	swait.ge @!p0 [sflag:s0], s1  }
0x1f9: {  	s1 =	ssub.s32 @!p0 $0x0, s1;
	[sflag:s0] =	ssyncset.done @!p0 $0x0  }
0x1fa: {  	[sflag:s0] =	ssyncadd.s32 @!p0 s1  }
0x1fb: {  	[bflag:$0x3] =	sbarrier.arrive $0xFFFF  }
0x1fc: {  	_ =	shalt  }

</sc_bundles>
